<compile_context>
chip_gen: v7x
topology: tpu7x:2x2x1
jax: 0.10.2.dev20260603
libtpu: 0.0.44.dev20260713+nightly
codegen_flags: <defaults>
</compile_context>

<pallas_src>
import jax
import jax.numpy as jnp
from jax import lax
from jax.experimental import pallas as pl
from jax.experimental.pallas import tpu as pltpu
from jax.experimental.pallas import tpu_sc as plsc

B, L, V, E = 1024, 512, 100000, 128

_NC, _NS = 2, 16
_NW = _NC * _NS
_ROWS = B * L
_RPW = _ROWS // _NW
_C = 256
_BPW = B // _NW
_LANES = 16
_VPR = E // _LANES


def _body(seq_hbm, lab_hbm, tok_hbm, seg_hbm, pe_hbm, out_hbm,
          idx0, idx1, lab0, lab1, rows0, rows1, pe_v, seg_v,
          sg0, sg1, so0, so1, si0, si1):
    wid = lax.axis_index("s") * _NC + lax.axis_index("c")
    wbase = wid * _RPW

    pltpu.sync_copy(seg_hbm, seg_v)
    seg1 = [seg_v[pl.ds(E + k * _LANES, _LANES)] for k in range(_VPR)]
    seg2 = [seg_v[pl.ds(2 * E + k * _LANES, _LANES)] for k in range(_VPR)]

    idx_v = (idx0, idx1)
    lab_v = (lab0, lab1)
    rows_v = (rows0, rows1)
    sem_g = (sg0, sg1)
    sem_o = (so0, so1)
    sem_i = (si0, si1)

    def compute(rows, lab):
        @plsc.parallel_loop(0, _C, unroll=8)
        def _(r):
            g = r // _LANES
            j = r % _LANES
            lab16 = lab[pl.ds(g * _LANES, _LANES)]
            labj = lab16.at[jnp.broadcast_to(j, (_LANES,))].get(
                mode="promise_in_bounds")
            m1 = labj == 1
            m2 = labj == 2
            for k in range(_VPR):
                sl = pl.ds(k * _LANES, _LANES)
                a = rows[r, sl] + pe_v[r, sl]
                b = jnp.where(m1, seg1[k], 0.0) + jnp.where(m2, seg2[k], 0.0)
                rows[r, sl] = a + b

    for h in range(2):
        pltpu.sync_copy(pe_hbm.at[pl.ds(h * _C, _C)], pe_v)

        def base_of(c, h=h):
            return wbase + c * L + h * _C

        pltpu.sync_copy(seq_hbm.at[pl.ds(base_of(0), _C)], idx_v[0])
        pltpu.sync_copy(lab_hbm.at[pl.ds(base_of(0), _C)], lab_v[0])
        pltpu.async_copy(tok_hbm.at[idx_v[0]], rows_v[0], sem_g[0])
        pltpu.async_copy(seq_hbm.at[pl.ds(base_of(1), _C)], idx_v[1], sem_i[1])
        pltpu.async_copy(lab_hbm.at[pl.ds(base_of(1), _C)], lab_v[1], sem_i[1])

        def pair_step(i, carry, h=h):
            def base_of(c):
                return wbase + c * L + h * _C

            for p in range(2):
                c = i * 2 + p
                q = 1 - p
                pltpu.make_async_copy(tok_hbm.at[idx_v[p]], rows_v[p],
                                      sem_g[p]).wait()

                def start_next(first):
                    def go():
                        if not first:
                            pltpu.make_async_copy(
                                rows_v[q],
                                out_hbm.at[pl.ds(base_of(c - 1), _C)],
                                sem_o[q]).wait()
                        pltpu.make_async_copy(
                            seq_hbm.at[pl.ds(base_of(c + 1), _C)], idx_v[q],
                            sem_i[q]).wait()
                        pltpu.make_async_copy(
                            lab_hbm.at[pl.ds(base_of(c + 1), _C)], lab_v[q],
                            sem_i[q]).wait()
                        pltpu.async_copy(tok_hbm.at[idx_v[q]], rows_v[q],
                                         sem_g[q])
                    return go

                if p == 0:
                    pl.when(i == 0)(start_next(True))
                    pl.when(i > 0)(start_next(False))
                else:
                    pl.when(i < _BPW // 2 - 1)(start_next(False))

                def prefetch():
                    pltpu.async_copy(
                        seq_hbm.at[pl.ds(base_of(c + 2), _C)], idx_v[p],
                        sem_i[p])
                    pltpu.async_copy(
                        lab_hbm.at[pl.ds(base_of(c + 2), _C)], lab_v[p],
                        sem_i[p])

                compute(rows_v[p], lab_v[p])
                pl.when(i < _BPW // 2 - 1)(prefetch)
                pltpu.async_copy(rows_v[p],
                                 out_hbm.at[pl.ds(base_of(c), _C)], sem_o[p])
            return carry

        lax.fori_loop(0, _BPW // 2, pair_step, 0)
        pltpu.make_async_copy(rows_v[0],
                              out_hbm.at[pl.ds(base_of(_BPW - 2), _C)],
                              sem_o[0]).wait()
        pltpu.make_async_copy(rows_v[1],
                              out_hbm.at[pl.ds(base_of(_BPW - 1), _C)],
                              sem_o[1]).wait()


@jax.jit
def _embed(seq_flat, lab_flat, token_table, segment_table, pe2d):
    mesh = plsc.VectorSubcoreMesh(core_axis_name="c", subcore_axis_name="s")
    f = pl.kernel(
        _body,
        out_type=jax.ShapeDtypeStruct((_ROWS, E), jnp.float32),
        mesh=mesh,
        compiler_params=pltpu.CompilerParams(needs_layout_passes=False),
        scratch_types=[
            pltpu.VMEM((_C,), jnp.int32),
            pltpu.VMEM((_C,), jnp.int32),
            pltpu.VMEM((_C,), jnp.int32),
            pltpu.VMEM((_C,), jnp.int32),
            pltpu.VMEM((_C, E), jnp.float32),
            pltpu.VMEM((_C, E), jnp.float32),
            pltpu.VMEM((_C, E), jnp.float32),
            pltpu.VMEM((3 * E,), jnp.float32),
            pltpu.SemaphoreType.DMA,
            pltpu.SemaphoreType.DMA,
            pltpu.SemaphoreType.DMA,
            pltpu.SemaphoreType.DMA,
            pltpu.SemaphoreType.DMA,
            pltpu.SemaphoreType.DMA,
        ],
    )
    return f(seq_flat, lab_flat, token_table, segment_table, pe2d)


def kernel(sequence, segment_label, token_table, segment_table, pe):
    seq_flat = sequence.reshape(_ROWS).astype(jnp.int32)
    lab_flat = segment_label.reshape(_ROWS).astype(jnp.int32)
    pe2d = pe.reshape(L, E)
    out = _embed(seq_flat, lab_flat, token_table,
                 segment_table.reshape(3 * E), pe2d)
    return out.reshape(B, L, E)

# --- scband reference (transcript-rebuilt; emitter-appended) ---
"""Pipeline reference for scband-bertembedding-38104949850694 (READ-ONLY COPY).

The authoritative reference and input builder live on the scoring server;
editing this copy changes nothing except your own understanding.
"""

import jax, jax.numpy as jnp
import numpy as np
import math

B, L, V, E, M = 1024, 512, 100000, 128, 512

def _make_pe(max_len, embed_size):
    pe = np.zeros((max_len, embed_size), dtype=np.float32)
    position = np.arange(0, max_len, dtype=np.float32)[:, None]
    div_term = np.exp(np.arange(0, embed_size, 2, dtype=np.float32) * -(math.log(10000.0) / embed_size))
    pe[:, 0::2] = np.sin(position * div_term)
    pe[:, 1::2] = np.cos(position * div_term)
    return jnp.asarray(pe[None, :, :])  # [1, max_len, embed_size]

def setup_inputs(seed: int = 0) -> dict:
    key = jax.random.key(seed)
    k1, k2, k3, k4 = jax.random.split(key, 4)
    sequence = jax.random.randint(k1, (B, L), 0, V, dtype=jnp.int64) if jax.config.jax_enable_x64 else jax.random.randint(k1, (B, L), 0, V, dtype=jnp.int32)
    segment_label = jax.random.randint(k2, (B, L), 0, 3, dtype=sequence.dtype)
    token_table = (jax.random.normal(k3, (V, E), dtype=jnp.float32) * 0.02).at[0].set(0.0)  # padding_idx=0
    segment_table = (jax.random.normal(k4, (3, E), dtype=jnp.float32) * 0.02).at[0].set(0.0)  # padding_idx=0
    pe = _make_pe(M, E)
    return {"sequence": sequence, "segment_label": segment_label, "token_table": token_table, "segment_table": segment_table, "pe": pe}

def reference(sequence, segment_label, token_table, segment_table, pe):
    # token embedding lookup (gather) + sinusoidal positional buffer + segment embedding lookup
    seq_len = sequence.shape[1]
    x = jnp.take(token_table, sequence, axis=0) + pe[:, :seq_len] + jnp.take(segment_table, segment_label, axis=0)
    # dropout is identity in eval/reference mode
    return x

if __name__ == "__main__":
    import jax
    _d = setup_inputs()
    print(jax.jit(kernel)(*tuple(_d.values())))

</pallas_src>

<mosaic_0001>
#map = affine_map<(d0, d1) -> (0)>
#map1 = affine_map<(d0, d1) -> (0, 0)>
module attributes {stable_mosaic.version = 14 : i64} {
  func.func @_body(%arg0: i32, %arg1: i32, %arg2: memref<524288xi32, #tpu.memory_space<hbm>>, %arg3: memref<524288xi32, #tpu.memory_space<hbm>>, %arg4: memref<100000x128xf32, #tpu.memory_space<hbm>>, %arg5: memref<384xf32, #tpu.memory_space<hbm>>, %arg6: memref<512x128xf32, #tpu.memory_space<hbm>>, %arg7: memref<524288x128xf32, #tpu.memory_space<hbm>>, %arg8: memref<256xi32, #tpu.memory_space<vmem>>, %arg9: memref<256xi32, #tpu.memory_space<vmem>>, %arg10: memref<256xi32, #tpu.memory_space<vmem>>, %arg11: memref<256xi32, #tpu.memory_space<vmem>>, %arg12: memref<256x128xf32, #tpu.memory_space<vmem>>, %arg13: memref<256x128xf32, #tpu.memory_space<vmem>>, %arg14: memref<256x128xf32, #tpu.memory_space<vmem>>, %arg15: memref<384xf32, #tpu.memory_space<vmem>>, %arg16: memref<!tpu.dma_semaphore, #tpu.memory_space<semaphore_mem>>, %arg17: memref<!tpu.dma_semaphore, #tpu.memory_space<semaphore_mem>>, %arg18: memref<!tpu.dma_semaphore, #tpu.memory_space<semaphore_mem>>, %arg19: memref<!tpu.dma_semaphore, #tpu.memory_space<semaphore_mem>>, %arg20: memref<!tpu.dma_semaphore, #tpu.memory_space<semaphore_mem>>, %arg21: memref<!tpu.dma_semaphore, #tpu.memory_space<semaphore_mem>>) attributes {dimension_semantics = [#tpu.dimension_semantics<core_parallel>, #tpu.dimension_semantics<subcore_parallel>], iteration_bounds = array<i64: 2, 16>, scalar_prefetch = 0 : i64, scratch_operands = 14 : i64, tpu.core_type = #tpu.core_type<sc_vector_subcore>, window_params = [{transform_indices = #map}, {transform_indices = #map}, {transform_indices = #map1}, {transform_indices = #map}, {transform_indices = #map1}, {transform_indices = #map1}]} {
    %mul3A = arith.constant 2 : i32
    %mul3A_0 = arith.muli %arg1, %mul3A : i32
    %add3A = arith.addi %mul3A_0, %arg0 : i32
    %mul3A_1 = arith.constant 16384 : i32
    %mul3A_2 = arith.muli %add3A, %mul3A_1 : i32
    "tpu.region"() ({
      %run_scoped3A = tpu.sem_alloc : memref<!tpu.dma_semaphore, #tpu.memory_space<semaphore_mem>>
      tpu.enqueue_dma source(%arg5 : memref<384xf32, #tpu.memory_space<hbm>>) target(%arg15 : memref<384xf32, #tpu.memory_space<vmem>>) target_semaphore(%run_scoped3A : memref<!tpu.dma_semaphore, #tpu.memory_space<semaphore_mem>>)
      tpu.wait_dma2 semaphore(%run_scoped3A : memref<!tpu.dma_semaphore, #tpu.memory_space<semaphore_mem>>) src(%arg5 : memref<384xf32, #tpu.memory_space<hbm>>) dst(%arg15 : memref<384xf32, #tpu.memory_space<vmem>>)
      tpu.yield
    }) : () -> ()
    %get3A = arith.constant 128 : index
    %get3A_3 = tpu.vector_load %arg15[%get3A] {strides = array<i32>} : memref<384xf32, #tpu.memory_space<vmem>>, vector<16xf32>,
    %get3A_4 = arith.constant 144 : index
    %get3A_5 = tpu.vector_load %arg15[%get3A_4] {strides = array<i32>} : memref<384xf32, #tpu.memory_space<vmem>>, vector<16xf32>,
    %get3A_6 = arith.constant 160 : index
    %get3A_7 = tpu.vector_load %arg15[%get3A_6] {strides = array<i32>} : memref<384xf32, #tpu.memory_space<vmem>>, vector<16xf32>,
    %get3A_8 = arith.constant 176 : index
    %get3A_9 = tpu.vector_load %arg15[%get3A_8] {strides = array<i32>} : memref<384xf32, #tpu.memory_space<vmem>>, vector<16xf32>,
    %get3A_10 = arith.constant 192 : index
    %get3A_11 = tpu.vector_load %arg15[%get3A_10] {strides = array<i32>} : memref<384xf32, #tpu.memory_space<vmem>>, vector<16xf32>,
    %get3A_12 = arith.constant 208 : index
    %get3A_13 = tpu.vector_load %arg15[%get3A_12] {strides = array<i32>} : memref<384xf32, #tpu.memory_space<vmem>>, vector<16xf32>,
    %get3A_14 = arith.constant 224 : index
    %get3A_15 = tpu.vector_load %arg15[%get3A_14] {strides = array<i32>} : memref<384xf32, #tpu.memory_space<vmem>>, vector<16xf32>,
    %get3A_16 = arith.constant 240 : index
    %get3A_17 = tpu.vector_load %arg15[%get3A_16] {strides = array<i32>} : memref<384xf32, #tpu.memory_space<vmem>>, vector<16xf32>,
    %get3A_18 = arith.constant 256 : index
    %get3A_19 = tpu.vector_load %arg15[%get3A_18] {strides = array<i32>} : memref<384xf32, #tpu.memory_space<vmem>>, vector<16xf32>,
    %get3A_20 = arith.constant 272 : index
    %get3A_21 = tpu.vector_load %arg15[%get3A_20] {strides = array<i32>} : memref<384xf32, #tpu.memory_space<vmem>>, vector<16xf32>,
    %get3A_22 = arith.constant 288 : index
    %get3A_23 = tpu.vector_load %arg15[%get3A_22] {strides = array<i32>} : memref<384xf32, #tpu.memory_space<vmem>>, vector<16xf32>,
    %get3A_24 = arith.constant 304 : index
    %get3A_25 = tpu.vector_load %arg15[%get3A_24] {strides = array<i32>} : memref<384xf32, #tpu.memory_space<vmem>>, vector<16xf32>,
    %get3A_26 = arith.constant 320 : index
    %get3A_27 = tpu.vector_load %arg15[%get3A_26] {strides = array<i32>} : memref<384xf32, #tpu.memory_space<vmem>>, vector<16xf32>,
    %get3A_28 = arith.constant 336 : index
    %get3A_29 = tpu.vector_load %arg15[%get3A_28] {strides = array<i32>} : memref<384xf32, #tpu.memory_space<vmem>>, vector<16xf32>,
    %get3A_30 = arith.constant 352 : index
    %get3A_31 = tpu.vector_load %arg15[%get3A_30] {strides = array<i32>} : memref<384xf32, #tpu.memory_space<vmem>>, vector<16xf32>,
    %get3A_32 = arith.constant 368 : index
    %get3A_33 = tpu.vector_load %arg15[%get3A_32] {strides = array<i32>} : memref<384xf32, #tpu.memory_space<vmem>>, vector<16xf32>,
    "tpu.region"() ({
      %run_scoped3A = tpu.sem_alloc : memref<!tpu.dma_semaphore, #tpu.memory_space<semaphore_mem>>
      %dma_start3A_121 = arith.constant 0 : i32
      %dma_start3A_122 = arith.constant 0 : i32
      %dma_start3A_123 = tpu.memref_slice %arg6[%dma_start3A_121, %dma_start3A_122] : memref<512x128xf32, #tpu.memory_space<hbm>> -> memref<256x128xf32, #tpu.memory_space<hbm>>
      %dma_start3A_124 = arith.constant 0 : i32
      %dma_start3A_125 = arith.constant 0 : i32
      %dma_start3A_126 = tpu.memref_slice %arg6[%dma_start3A_124, %dma_start3A_125] : memref<512x128xf32, #tpu.memory_space<hbm>> -> memref<256x128xf32, #tpu.memory_space<hbm>>
      tpu.enqueue_dma source(%dma_start3A_126 : memref<256x128xf32, #tpu.memory_space<hbm>>) target(%arg14 : memref<256x128xf32, #tpu.memory_space<vmem>>) target_semaphore(%run_scoped3A : memref<!tpu.dma_semaphore, #tpu.memory_space<semaphore_mem>>)
      %dma_wait3A_127 = arith.constant 0 : i32
      %dma_wait3A_128 = arith.constant 0 : i32
      %dma_wait3A_129 = tpu.memref_slice %arg6[%dma_wait3A_127, %dma_wait3A_128] : memref<512x128xf32, #tpu.memory_space<hbm>> -> memref<256x128xf32, #tpu.memory_space<hbm>>
      %dma_wait3A_130 = arith.constant 0 : i32
      %dma_wait3A_131 = arith.constant 0 : i32
      %dma_wait3A_132 = tpu.memref_slice %arg6[%dma_wait3A_130, %dma_wait3A_131] : memref<512x128xf32, #tpu.memory_space<hbm>> -> memref<256x128xf32, #tpu.memory_space<hbm>>
      tpu.wait_dma2 semaphore(%run_scoped3A : memref<!tpu.dma_semaphore, #tpu.memory_space<semaphore_mem>>) src(%dma_wait3A_132 : memref<256x128xf32, #tpu.memory_space<hbm>>) dst(%arg14 : memref<256x128xf32, #tpu.memory_space<vmem>>)
      tpu.yield
    }) : () -> ()
    %add3A_34 = arith.constant 0 : i32
    %add3A_35 = arith.addi %mul3A_2, %add3A_34 : i32
    %add3A_36 = arith.constant 0 : i32
    %add3A_37 = arith.addi %add3A_35, %add3A_36 : i32
    "tpu.region"() ({
      %run_scoped3A = tpu.sem_alloc : memref<!tpu.dma_semaphore, #tpu.memory_space<semaphore_mem>>
      %dma_start3A_121 = tpu.memref_slice %arg2[%add3A_37] : memref<524288xi32, #tpu.memory_space<hbm>> -> memref<256xi32, #tpu.memory_space<hbm>>
      %dma_start3A_122 = tpu.memref_slice %arg2[%add3A_37] : memref<524288xi32, #tpu.memory_space<hbm>> -> memref<256xi32, #tpu.memory_space<hbm>>
      tpu.enqueue_dma source(%dma_start3A_122 : memref<256xi32, #tpu.memory_space<hbm>>) target(%arg8 : memref<256xi32, #tpu.memory_space<vmem>>) target_semaphore(%run_scoped3A : memref<!tpu.dma_semaphore, #tpu.memory_space<semaphore_mem>>)
      %dma_wait3A_123 = tpu.memref_slice %arg2[%add3A_37] : memref<524288xi32, #tpu.memory_space<hbm>> -> memref<256xi32, #tpu.memory_space<hbm>>
      %dma_wait3A_124 = tpu.memref_slice %arg2[%add3A_37] : memref<524288xi32, #tpu.memory_space<hbm>> -> memref<256xi32, #tpu.memory_space<hbm>>
      tpu.wait_dma2 semaphore(%run_scoped3A : memref<!tpu.dma_semaphore, #tpu.memory_space<semaphore_mem>>) src(%dma_wait3A_124 : memref<256xi32, #tpu.memory_space<hbm>>) dst(%arg8 : memref<256xi32, #tpu.memory_space<vmem>>)
      tpu.yield
    }) : () -> ()
    %add3A_38 = arith.constant 0 : i32
    %add3A_39 = arith.addi %mul3A_2, %add3A_38 : i32
    %add3A_40 = arith.constant 0 : i32
    %add3A_41 = arith.addi %add3A_39, %add3A_40 : i32
    "tpu.region"() ({
      %run_scoped3A = tpu.sem_alloc : memref<!tpu.dma_semaphore, #tpu.memory_space<semaphore_mem>>
      %dma_start3A_121 = tpu.memref_slice %arg3[%add3A_41] : memref<524288xi32, #tpu.memory_space<hbm>> -> memref<256xi32, #tpu.memory_space<hbm>>
      %dma_start3A_122 = tpu.memref_slice %arg3[%add3A_41] : memref<524288xi32, #tpu.memory_space<hbm>> -> memref<256xi32, #tpu.memory_space<hbm>>
      tpu.enqueue_dma source(%dma_start3A_122 : memref<256xi32, #tpu.memory_space<hbm>>) target(%arg10 : memref<256xi32, #tpu.memory_space<vmem>>) target_semaphore(%run_scoped3A : memref<!tpu.dma_semaphore, #tpu.memory_space<semaphore_mem>>)
      %dma_wait3A_123 = tpu.memref_slice %arg3[%add3A_41] : memref<524288xi32, #tpu.memory_space<hbm>> -> memref<256xi32, #tpu.memory_space<hbm>>
      %dma_wait3A_124 = tpu.memref_slice %arg3[%add3A_41] : memref<524288xi32, #tpu.memory_space<hbm>> -> memref<256xi32, #tpu.memory_space<hbm>>
      tpu.wait_dma2 semaphore(%run_scoped3A : memref<!tpu.dma_semaphore, #tpu.memory_space<semaphore_mem>>) src(%dma_wait3A_124 : memref<256xi32, #tpu.memory_space<hbm>>) dst(%arg10 : memref<256xi32, #tpu.memory_space<vmem>>)
      tpu.yield
    }) : () -> ()
    %dma_start3A = arith.constant 0 : i32
    %dma_start3A_42 = arith.constant 0 : i32
    %dma_start3A_43 = tpu.memref_slice %arg4[%dma_start3A, %dma_start3A_42] : memref<100000x128xf32, #tpu.memory_space<hbm>> -> memref<100000x128xf32, #tpu.memory_space<hbm>>
    tpu.enqueue_indirect_dma source(%dma_start3A_43 : memref<100000x128xf32, #tpu.memory_space<hbm>>) target(%arg12 : memref<256x128xf32, #tpu.memory_space<vmem>>) offsets(%arg8 : memref<256xi32, #tpu.memory_space<vmem>>) semaphore(%arg16 : memref<!tpu.dma_semaphore, #tpu.memory_space<semaphore_mem>>)
    %add3A_44 = arith.constant 512 : i32
    %add3A_45 = arith.addi %mul3A_2, %add3A_44 : i32
    %add3A_46 = arith.constant 0 : i32
    %add3A_47 = arith.addi %add3A_45, %add3A_46 : i32
    %dma_start3A_48 = tpu.memref_slice %arg2[%add3A_47] : memref<524288xi32, #tpu.memory_space<hbm>> -> memref<256xi32, #tpu.memory_space<hbm>>
    %dma_start3A_49 = tpu.memref_slice %arg2[%add3A_47] : memref<524288xi32, #tpu.memory_space<hbm>> -> memref<256xi32, #tpu.memory_space<hbm>>
    tpu.enqueue_dma source(%dma_start3A_49 : memref<256xi32, #tpu.memory_space<hbm>>) target(%arg9 : memref<256xi32, #tpu.memory_space<vmem>>) target_semaphore(%arg21 : memref<!tpu.dma_semaphore, #tpu.memory_space<semaphore_mem>>)
    %add3A_50 = arith.constant 512 : i32
    %add3A_51 = arith.addi %mul3A_2, %add3A_50 : i32
    %add3A_52 = arith.constant 0 : i32
    %add3A_53 = arith.addi %add3A_51, %add3A_52 : i32
    %dma_start3A_54 = tpu.memref_slice %arg3[%add3A_53] : memref<524288xi32, #tpu.memory_space<hbm>> -> memref<256xi32, #tpu.memory_space<hbm>>
    %dma_start3A_55 = tpu.memref_slice %arg3[%add3A_53] : memref<524288xi32, #tpu.memory_space<hbm>> -> memref<256xi32, #tpu.memory_space<hbm>>
    tpu.enqueue_dma source(%dma_start3A_55 : memref<256xi32, #tpu.memory_space<hbm>>) target(%arg11 : memref<256xi32, #tpu.memory_space<vmem>>) target_semaphore(%arg21 : memref<!tpu.dma_semaphore, #tpu.memory_space<semaphore_mem>>)
    %scan3A = arith.constant 0 : i32
    %scan3A_56 = arith.constant 0 : i32
    %scan3A_57 = arith.constant 16 : i32
    %scan3A_58 = arith.addi %scan3A_56, %scan3A_57 : i32
    %scan3A_59 = arith.constant 1 : i32
    scf.for %scan3A_121 = %scan3A_56 to %scan3A_58 step %scan3A_59  : i32 {
      %mul3A_122 = arith.constant 2 : i32
      %mul3A_123 = arith.muli %scan3A_121, %mul3A_122 : i32
      %add3A_124 = arith.constant 0 : i32
      %add3A_125 = arith.addi %mul3A_123, %add3A_124 : i32
      %dma_wait3A_126 = arith.constant 0 : i32
      %dma_wait3A_127 = arith.constant 0 : i32
      %dma_wait3A_128 = tpu.memref_slice %arg4[%dma_wait3A_126, %dma_wait3A_127] : memref<100000x128xf32, #tpu.memory_space<hbm>> -> memref<100000x128xf32, #tpu.memory_space<hbm>>
      tpu.wait_indirect_dma semaphore(%arg16 : memref<!tpu.dma_semaphore, #tpu.memory_space<semaphore_mem>>) src(%dma_wait3A_128 : memref<100000x128xf32, #tpu.memory_space<hbm>>) dst(%arg12 : memref<256x128xf32, #tpu.memory_space<vmem>>)
      %eq3A = arith.constant 0 : i32
      %eq3A_129 = arith.cmpi eq, %scan3A_121, %eq3A : i32
      %convert_element_type3A = arith.extui %eq3A_129 : i1 to i32
      %cond3A = arith.constant 0 : i32
      %cond3A_130 = arith.cmpi ne, %convert_element_type3A, %cond3A : i32
      scf.if %cond3A_130 {
        %add3A_179 = arith.constant 1 : i32
        %add3A_180 = arith.addi %add3A_125, %add3A_179 : i32
        %mul3A_181 = arith.constant 512 : i32
        %mul3A_182 = arith.muli %add3A_180, %mul3A_181 : i32
        %add3A_183 = arith.addi %mul3A_2, %mul3A_182 : i32
        %add3A_184 = arith.constant 0 : i32
        %add3A_185 = arith.addi %add3A_183, %add3A_184 : i32
        %dma_wait3A_186 = tpu.memref_slice %arg2[%add3A_185] : memref<524288xi32, #tpu.memory_space<hbm>> -> memref<256xi32, #tpu.memory_space<hbm>>
        %dma_wait3A_187 = tpu.memref_slice %arg2[%add3A_185] : memref<524288xi32, #tpu.memory_space<hbm>> -> memref<256xi32, #tpu.memory_space<hbm>>
        tpu.wait_dma2 semaphore(%arg21 : memref<!tpu.dma_semaphore, #tpu.memory_space<semaphore_mem>>) src(%dma_wait3A_187 : memref<256xi32, #tpu.memory_space<hbm>>) dst(%arg9 : memref<256xi32, #tpu.memory_space<vmem>>)
        %add3A_188 = arith.constant 1 : i32
        %add3A_189 = arith.addi %add3A_125, %add3A_188 : i32
        %mul3A_190 = arith.constant 512 : i32
        %mul3A_191 = arith.muli %add3A_189, %mul3A_190 : i32
        %add3A_192 = arith.addi %mul3A_2, %mul3A_191 : i32
        %add3A_193 = arith.constant 0 : i32
        %add3A_194 = arith.addi %add3A_192, %add3A_193 : i32
        %dma_wait3A_195 = tpu.memref_slice %arg3[%add3A_194] : memref<524288xi32, #tpu.memory_space<hbm>> -> memref<256xi32, #tpu.memory_space<hbm>>
        %dma_wait3A_196 = tpu.memref_slice %arg3[%add3A_194] : memref<524288xi32, #tpu.memory_space<hbm>> -> memref<256xi32, #tpu.memory_space<hbm>>
        tpu.wait_dma2 semaphore(%arg21 : memref<!tpu.dma_semaphore, #tpu.memory_space<semaphore_mem>>) src(%dma_wait3A_196 : memref<256xi32, #tpu.memory_space<hbm>>) dst(%arg11 : memref<256xi32, #tpu.memory_space<vmem>>)
        %dma_start3A_197 = arith.constant 0 : i32
        %dma_start3A_198 = arith.constant 0 : i32
        %dma_start3A_199 = tpu.memref_slice %arg4[%dma_start3A_197, %dma_start3A_198] : memref<100000x128xf32, #tpu.memory_space<hbm>> -> memref<100000x128xf32, #tpu.memory_space<hbm>>
        tpu.enqueue_indirect_dma source(%dma_start3A_199 : memref<100000x128xf32, #tpu.memory_space<hbm>>) target(%arg13 : memref<256x128xf32, #tpu.memory_space<vmem>>) offsets(%arg9 : memref<256xi32, #tpu.memory_space<vmem>>) semaphore(%arg17 : memref<!tpu.dma_semaphore, #tpu.memory_space<semaphore_mem>>)
      } else {
      }
      %gt3A = arith.constant 0 : i32
      %gt3A_131 = arith.cmpi sgt, %scan3A_121, %gt3A : i32
      %convert_element_type3A_132 = arith.extui %gt3A_131 : i1 to i32
      %cond3A_133 = arith.constant 0 : i32
      %cond3A_134 = arith.cmpi ne, %convert_element_type3A_132, %cond3A_133 : i32
      scf.if %cond3A_134 {
        %sub3A = arith.constant 1 : i32
        %sub3A_179 = arith.subi %add3A_125, %sub3A : i32
        %mul3A_180 = arith.constant 512 : i32
        %mul3A_181 = arith.muli %sub3A_179, %mul3A_180 : i32
        %add3A_182 = arith.addi %mul3A_2, %mul3A_181 : i32
        %add3A_183 = arith.constant 0 : i32
        %add3A_184 = arith.addi %add3A_182, %add3A_183 : i32
        %dma_wait3A_185 = arith.constant 0 : i32
        %dma_wait3A_186 = tpu.memref_slice %arg7[%add3A_184, %dma_wait3A_185] : memref<524288x128xf32, #tpu.memory_space<hbm>> -> memref<256x128xf32, #tpu.memory_space<hbm>>
        %dma_wait3A_187 = arith.constant 0 : i32
        %dma_wait3A_188 = tpu.memref_slice %arg7[%add3A_184, %dma_wait3A_187] : memref<524288x128xf32, #tpu.memory_space<hbm>> -> memref<256x128xf32, #tpu.memory_space<hbm>>
        tpu.wait_dma2 semaphore(%arg19 : memref<!tpu.dma_semaphore, #tpu.memory_space<semaphore_mem>>) src(%arg13 : memref<256x128xf32, #tpu.memory_space<vmem>>) dst(%dma_wait3A_188 : memref<256x128xf32, #tpu.memory_space<hbm>>)
        %add3A_189 = arith.constant 1 : i32
        %add3A_190 = arith.addi %add3A_125, %add3A_189 : i32
        %mul3A_191 = arith.constant 512 : i32
        %mul3A_192 = arith.muli %add3A_190, %mul3A_191 : i32
        %add3A_193 = arith.addi %mul3A_2, %mul3A_192 : i32
        %add3A_194 = arith.constant 0 : i32
        %add3A_195 = arith.addi %add3A_193, %add3A_194 : i32
        %dma_wait3A_196 = tpu.memref_slice %arg2[%add3A_195] : memref<524288xi32, #tpu.memory_space<hbm>> -> memref<256xi32, #tpu.memory_space<hbm>>
        %dma_wait3A_197 = tpu.memref_slice %arg2[%add3A_195] : memref<524288xi32, #tpu.memory_space<hbm>> -> memref<256xi32, #tpu.memory_space<hbm>>
        tpu.wait_dma2 semaphore(%arg21 : memref<!tpu.dma_semaphore, #tpu.memory_space<semaphore_mem>>) src(%dma_wait3A_197 : memref<256xi32, #tpu.memory_space<hbm>>) dst(%arg9 : memref<256xi32, #tpu.memory_space<vmem>>)
        %add3A_198 = arith.constant 1 : i32
        %add3A_199 = arith.addi %add3A_125, %add3A_198 : i32
        %mul3A_200 = arith.constant 512 : i32
        %mul3A_201 = arith.muli %add3A_199, %mul3A_200 : i32
        %add3A_202 = arith.addi %mul3A_2, %mul3A_201 : i32
        %add3A_203 = arith.constant 0 : i32
        %add3A_204 = arith.addi %add3A_202, %add3A_203 : i32
        %dma_wait3A_205 = tpu.memref_slice %arg3[%add3A_204] : memref<524288xi32, #tpu.memory_space<hbm>> -> memref<256xi32, #tpu.memory_space<hbm>>
        %dma_wait3A_206 = tpu.memref_slice %arg3[%add3A_204] : memref<524288xi32, #tpu.memory_space<hbm>> -> memref<256xi32, #tpu.memory_space<hbm>>
        tpu.wait_dma2 semaphore(%arg21 : memref<!tpu.dma_semaphore, #tpu.memory_space<semaphore_mem>>) src(%dma_wait3A_206 : memref<256xi32, #tpu.memory_space<hbm>>) dst(%arg11 : memref<256xi32, #tpu.memory_space<vmem>>)
        %dma_start3A_207 = arith.constant 0 : i32
        %dma_start3A_208 = arith.constant 0 : i32
        %dma_start3A_209 = tpu.memref_slice %arg4[%dma_start3A_207, %dma_start3A_208] : memref<100000x128xf32, #tpu.memory_space<hbm>> -> memref<100000x128xf32, #tpu.memory_space<hbm>>
        tpu.enqueue_indirect_dma source(%dma_start3A_209 : memref<100000x128xf32, #tpu.memory_space<hbm>>) target(%arg13 : memref<256x128xf32, #tpu.memory_space<vmem>>) offsets(%arg9 : memref<256xi32, #tpu.memory_space<vmem>>) semaphore(%arg17 : memref<!tpu.dma_semaphore, #tpu.memory_space<semaphore_mem>>)
      } else {
      }
      %parallel_loop3A = arith.constant 0 : i32
      %parallel_loop3A_135 = arith.constant 256 : i32
      %parallel_loop3A_136 = arith.constant 1 : i32
      scf.for %parallel_loop3A_179 = %parallel_loop3A to %parallel_loop3A_135 step %parallel_loop3A_136  : i32 {
        %parallel_loop3A_180 = arith.constant 16 : i32
        %parallel_loop3A_181 = arith.divsi %parallel_loop3A_179, %parallel_loop3A_180 : i32
        %parallel_loop3A_182 = arith.constant 0 : i32
        %parallel_loop3A_183 = arith.cmpi sgt, %parallel_loop3A_179, %parallel_loop3A_182 : i32
        %parallel_loop3A_184 = arith.extui %parallel_loop3A_183 : i1 to i32
        %parallel_loop3A_185 = arith.constant 0 : i32
        %parallel_loop3A_186 = arith.cmpi slt, %parallel_loop3A_179, %parallel_loop3A_185 : i32
        %parallel_loop3A_187 = arith.extui %parallel_loop3A_186 : i1 to i32
        %parallel_loop3A_188 = arith.subi %parallel_loop3A_184, %parallel_loop3A_187 : i32
        %parallel_loop3A_189 = arith.constant 0 : i32
        %parallel_loop3A_190 = arith.cmpi sgt, %parallel_loop3A_180, %parallel_loop3A_189 : i32
        %parallel_loop3A_191 = arith.extui %parallel_loop3A_190 : i1 to i32
        %parallel_loop3A_192 = arith.constant 0 : i32
        %parallel_loop3A_193 = arith.cmpi slt, %parallel_loop3A_180, %parallel_loop3A_192 : i32
        %parallel_loop3A_194 = arith.extui %parallel_loop3A_193 : i1 to i32
        %parallel_loop3A_195 = arith.subi %parallel_loop3A_191, %parallel_loop3A_194 : i32
        %parallel_loop3A_196 = arith.cmpi ne, %parallel_loop3A_188, %parallel_loop3A_195 : i32
        %parallel_loop3A_197 = arith.remsi %parallel_loop3A_179, %parallel_loop3A_180 : i32
        %parallel_loop3A_198 = arith.constant 0 : i32
        %parallel_loop3A_199 = arith.cmpi ne, %parallel_loop3A_197, %parallel_loop3A_198 : i32
        %parallel_loop3A_200 = arith.andi %parallel_loop3A_196, %parallel_loop3A_199 : i1
        %parallel_loop3A_201 = arith.constant 1 : i32
        %parallel_loop3A_202 = arith.subi %parallel_loop3A_181, %parallel_loop3A_201 : i32
        %parallel_loop3A_203 = arith.select %parallel_loop3A_200, %parallel_loop3A_202, %parallel_loop3A_181 : i32
        %parallel_loop3A_204 = arith.constant 16 : i32
        %parallel_loop3A_205 = arith.constant 0 : i32
        %parallel_loop3A_206 = arith.cmpi eq, %parallel_loop3A_204, %parallel_loop3A_205 : i32
        %parallel_loop3A_207 = arith.constant 1 : i32
        %parallel_loop3A_208 = arith.select %parallel_loop3A_206, %parallel_loop3A_207, %parallel_loop3A_204 : i32
        %parallel_loop3A_209 = arith.remsi %parallel_loop3A_179, %parallel_loop3A_208 : i32
        %parallel_loop3A_210 = arith.constant 0 : i32
        %parallel_loop3A_211 = arith.cmpi ne, %parallel_loop3A_209, %parallel_loop3A_210 : i32
        %parallel_loop3A_212 = arith.constant 0 : i32
        %parallel_loop3A_213 = arith.cmpi slt, %parallel_loop3A_209, %parallel_loop3A_212 : i32
        %parallel_loop3A_214 = arith.constant 0 : i32
        %parallel_loop3A_215 = arith.cmpi slt, %parallel_loop3A_208, %parallel_loop3A_214 : i32
        %parallel_loop3A_216 = arith.xori %parallel_loop3A_213, %parallel_loop3A_215 : i1
        %parallel_loop3A_217 = arith.andi %parallel_loop3A_216, %parallel_loop3A_211 : i1
        %parallel_loop3A_218 = arith.addi %parallel_loop3A_209, %parallel_loop3A_208 : i32
        %parallel_loop3A_219 = arith.select %parallel_loop3A_217, %parallel_loop3A_218, %parallel_loop3A_209 : i32
        %parallel_loop3A_220 = arith.constant 16 : i32
        %parallel_loop3A_221 = arith.muli %parallel_loop3A_203, %parallel_loop3A_220 : i32
        %parallel_loop3A_222 = arith.index_cast %parallel_loop3A_221 : i32 to index
        %parallel_loop3A_223 = tpu.vector_load %arg10[%parallel_loop3A_222] {strides = array<i32>} : memref<256xi32, #tpu.memory_space<vmem>>, vector<16xi32>,
        %parallel_loop3A_224 = vector.broadcast %parallel_loop3A_219 : i32 to vector<16xi32>
        %parallel_loop3A_225 = arith.constant 0 : i32
        %parallel_loop3A_226 = vector.broadcast %parallel_loop3A_225 : i32 to vector<16xi32>
        %parallel_loop3A_227 = arith.cmpi slt, %parallel_loop3A_224, %parallel_loop3A_226 : vector<16xi32>
        %parallel_loop3A_228 = arith.constant 16 : i32
        %parallel_loop3A_229 = vector.broadcast %parallel_loop3A_228 : i32 to vector<16xi32>
        %parallel_loop3A_230 = arith.addi %parallel_loop3A_224, %parallel_loop3A_229 : vector<16xi32>
        %parallel_loop3A_231 = arith.select %parallel_loop3A_227, %parallel_loop3A_230, %parallel_loop3A_224 : vector<16xi1>, vector<16xi32>
        %parallel_loop3A_232 = vector.shape_cast %parallel_loop3A_231 : vector<16xi32> to vector<16x1xi32>
        %parallel_loop3A_233 = vector.shape_cast %parallel_loop3A_232 : vector<16x1xi32> to vector<16xi32>
        %parallel_loop3A_234 = tpu.dynamic_gather %parallel_loop3A_223[%parallel_loop3A_233] in [0] : vector<16xi32>, vector<16xi32> -> vector<16xi32>
        %parallel_loop3A_235 = arith.constant 1 : i32
        %parallel_loop3A_236 = vector.broadcast %parallel_loop3A_235 : i32 to vector<16xi32>
        %parallel_loop3A_237 = arith.cmpi eq, %parallel_loop3A_234, %parallel_loop3A_236 : vector<16xi32>
        %parallel_loop3A_238 = arith.constant 2 : i32
        %parallel_loop3A_239 = vector.broadcast %parallel_loop3A_238 : i32 to vector<16xi32>
        %parallel_loop3A_240 = arith.cmpi eq, %parallel_loop3A_234, %parallel_loop3A_239 : vector<16xi32>
        %parallel_loop3A_241 = arith.index_cast %parallel_loop3A_179 : i32 to index
        %parallel_loop3A_242 = arith.constant 0 : index
        %parallel_loop3A_243 = tpu.vector_load %arg12[%parallel_loop3A_241, %parallel_loop3A_242] {strides = array<i32>} : memref<256x128xf32, #tpu.memory_space<vmem>>, vector<16xf32>,
        %parallel_loop3A_244 = arith.index_cast %parallel_loop3A_179 : i32 to index
        %parallel_loop3A_245 = arith.constant 0 : index
        %parallel_loop3A_246 = tpu.vector_load %arg14[%parallel_loop3A_244, %parallel_loop3A_245] {strides = array<i32>} : memref<256x128xf32, #tpu.memory_space<vmem>>, vector<16xf32>,
        %parallel_loop3A_247 = arith.addf %parallel_loop3A_243, %parallel_loop3A_246 : vector<16xf32>
        %parallel_loop3A_248 = arith.constant 0.000000e+00 : f32
        %parallel_loop3A_249 = vector.broadcast %parallel_loop3A_248 : f32 to vector<16xf32>
        %parallel_loop3A_250 = arith.select %parallel_loop3A_237, %get3A_3, %parallel_loop3A_249 : vector<16xi1>, vector<16xf32>
        %parallel_loop3A_251 = arith.constant 0.000000e+00 : f32
        %parallel_loop3A_252 = vector.broadcast %parallel_loop3A_251 : f32 to vector<16xf32>
        %parallel_loop3A_253 = arith.select %parallel_loop3A_240, %get3A_19, %parallel_loop3A_252 : vector<16xi1>, vector<16xf32>
        %parallel_loop3A_254 = arith.addf %parallel_loop3A_250, %parallel_loop3A_253 : vector<16xf32>
        %parallel_loop3A_255 = arith.addf %parallel_loop3A_247, %parallel_loop3A_254 : vector<16xf32>
        %parallel_loop3A_256 = arith.index_cast %parallel_loop3A_179 : i32 to index
        %parallel_loop3A_257 = arith.constant 0 : index
        %parallel_loop3A_258 = tpu.vector_load %arg12[%parallel_loop3A_256, %parallel_loop3A_257] {strides = array<i32>} : memref<256x128xf32, #tpu.memory_space<vmem>>, vector<16xf32>,
        tpu.vector_store %arg12[%parallel_loop3A_256, %parallel_loop3A_257], %parallel_loop3A_255 {strides = array<i32>} : memref<256x128xf32, #tpu.memory_space<vmem>>, vector<16xf32>,
        %parallel_loop3A_259 = arith.index_cast %parallel_loop3A_179 : i32 to index
        %parallel_loop3A_260 = arith.constant 16 : index
        %parallel_loop3A_261 = tpu.vector_load %arg12[%parallel_loop3A_259, %parallel_loop3A_260] {strides = array<i32>} : memref<256x128xf32, #tpu.memory_space<vmem>>, vector<16xf32>,
        %parallel_loop3A_262 = arith.index_cast %parallel_loop3A_179 : i32 to index
        %parallel_loop3A_263 = arith.constant 16 : index
        %parallel_loop3A_264 = tpu.vector_load %arg14[%parallel_loop3A_262, %parallel_loop3A_263] {strides = array<i32>} : memref<256x128xf32, #tpu.memory_space<vmem>>, vector<16xf32>,
        %parallel_loop3A_265 = arith.addf %parallel_loop3A_261, %parallel_loop3A_264 : vector<16xf32>
        %parallel_loop3A_266 = arith.constant 0.000000e+00 : f32
        %parallel_loop3A_267 = vector.broadcast %parallel_loop3A_266 : f32 to vector<16xf32>
        %parallel_loop3A_268 = arith.select %parallel_loop3A_237, %get3A_5, %parallel_loop3A_267 : vector<16xi1>, vector<16xf32>
        %parallel_loop3A_269 = arith.constant 0.000000e+00 : f32
        %parallel_loop3A_270 = vector.broadcast %parallel_loop3A_269 : f32 to vector<16xf32>
        %parallel_loop3A_271 = arith.select %parallel_loop3A_240, %get3A_21, %parallel_loop3A_270 : vector<16xi1>, vector<16xf32>
        %parallel_loop3A_272 = arith.addf %parallel_loop3A_268, %parallel_loop3A_271 : vector<16xf32>
        %parallel_loop3A_273 = arith.addf %parallel_loop3A_265, %parallel_loop3A_272 : vector<16xf32>
        %parallel_loop3A_274 = arith.index_cast %parallel_loop3A_179 : i32 to index
        %parallel_loop3A_275 = arith.constant 16 : index
        %parallel_loop3A_276 = tpu.vector_load %arg12[%parallel_loop3A_274, %parallel_loop3A_275] {strides = array<i32>} : memref<256x128xf32, #tpu.memory_space<vmem>>, vector<16xf32>,
        tpu.vector_store %arg12[%parallel_loop3A_274, %parallel_loop3A_275], %parallel_loop3A_273 {strides = array<i32>} : memref<256x128xf32, #tpu.memory_space<vmem>>, vector<16xf32>,
        %parallel_loop3A_277 = arith.index_cast %parallel_loop3A_179 : i32 to index
        %parallel_loop3A_278 = arith.constant 32 : index
        %parallel_loop3A_279 = tpu.vector_load %arg12[%parallel_loop3A_277, %parallel_loop3A_278] {strides = array<i32>} : memref<256x128xf32, #tpu.memory_space<vmem>>, vector<16xf32>,
        %parallel_loop3A_280 = arith.index_cast %parallel_loop3A_179 : i32 to index
        %parallel_loop3A_281 = arith.constant 32 : index
        %parallel_loop3A_282 = tpu.vector_load %arg14[%parallel_loop3A_280, %parallel_loop3A_281] {strides = array<i32>} : memref<256x128xf32, #tpu.memory_space<vmem>>, vector<16xf32>,
        %parallel_loop3A_283 = arith.addf %parallel_loop3A_279, %parallel_loop3A_282 : vector<16xf32>
        %parallel_loop3A_284 = arith.constant 0.000000e+00 : f32
        %parallel_loop3A_285 = vector.broadcast %parallel_loop3A_284 : f32 to vector<16xf32>
        %parallel_loop3A_286 = arith.select %parallel_loop3A_237, %get3A_7, %parallel_loop3A_285 : vector<16xi1>, vector<16xf32>
        %parallel_loop3A_287 = arith.constant 0.000000e+00 : f32
        %parallel_loop3A_288 = vector.broadcast %parallel_loop3A_287 : f32 to vector<16xf32>
        %parallel_loop3A_289 = arith.select %parallel_loop3A_240, %get3A_23, %parallel_loop3A_288 : vector<16xi1>, vector<16xf32>
        %parallel_loop3A_290 = arith.addf %parallel_loop3A_286, %parallel_loop3A_289 : vector<16xf32>
        %parallel_loop3A_291 = arith.addf %parallel_loop3A_283, %parallel_loop3A_290 : vector<16xf32>
        %parallel_loop3A_292 = arith.index_cast %parallel_loop3A_179 : i32 to index
        %parallel_loop3A_293 = arith.constant 32 : index
        %parallel_loop3A_294 = tpu.vector_load %arg12[%parallel_loop3A_292, %parallel_loop3A_293] {strides = array<i32>} : memref<256x128xf32, #tpu.memory_space<vmem>>, vector<16xf32>,
        tpu.vector_store %arg12[%parallel_loop3A_292, %parallel_loop3A_293], %parallel_loop3A_291 {strides = array<i32>} : memref<256x128xf32, #tpu.memory_space<vmem>>, vector<16xf32>,
        %parallel_loop3A_295 = arith.index_cast %parallel_loop3A_179 : i32 to index
        %parallel_loop3A_296 = arith.constant 48 : index
        %parallel_loop3A_297 = tpu.vector_load %arg12[%parallel_loop3A_295, %parallel_loop3A_296] {strides = array<i32>} : memref<256x128xf32, #tpu.memory_space<vmem>>, vector<16xf32>,
        %parallel_loop3A_298 = arith.index_cast %parallel_loop3A_179 : i32 to index
        %parallel_loop3A_299 = arith.constant 48 : index
        %parallel_loop3A_300 = tpu.vector_load %arg14[%parallel_loop3A_298, %parallel_loop3A_299] {strides = array<i32>} : memref<256x128xf32, #tpu.memory_space<vmem>>, vector<16xf32>,
        %parallel_loop3A_301 = arith.addf %parallel_loop3A_297, %parallel_loop3A_300 : vector<16xf32>
        %parallel_loop3A_302 = arith.constant 0.000000e+00 : f32
        %parallel_loop3A_303 = vector.broadcast %parallel_loop3A_302 : f32 to vector<16xf32>
        %parallel_loop3A_304 = arith.select %parallel_loop3A_237, %get3A_9, %parallel_loop3A_303 : vector<16xi1>, vector<16xf32>
        %parallel_loop3A_305 = arith.constant 0.000000e+00 : f32
        %parallel_loop3A_306 = vector.broadcast %parallel_loop3A_305 : f32 to vector<16xf32>
        %parallel_loop3A_307 = arith.select %parallel_loop3A_240, %get3A_25, %parallel_loop3A_306 : vector<16xi1>, vector<16xf32>
        %parallel_loop3A_308 = arith.addf %parallel_loop3A_304, %parallel_loop3A_307 : vector<16xf32>
        %parallel_loop3A_309 = arith.addf %parallel_loop3A_301, %parallel_loop3A_308 : vector<16xf32>
        %parallel_loop3A_310 = arith.index_cast %parallel_loop3A_179 : i32 to index
        %parallel_loop3A_311 = arith.constant 48 : index
        %parallel_loop3A_312 = tpu.vector_load %arg12[%parallel_loop3A_310, %parallel_loop3A_311] {strides = array<i32>} : memref<256x128xf32, #tpu.memory_space<vmem>>, vector<16xf32>,
        tpu.vector_store %arg12[%parallel_loop3A_310, %parallel_loop3A_311], %parallel_loop3A_309 {strides = array<i32>} : memref<256x128xf32, #tpu.memory_space<vmem>>, vector<16xf32>,
        %parallel_loop3A_313 = arith.index_cast %parallel_loop3A_179 : i32 to index
        %parallel_loop3A_314 = arith.constant 64 : index
        %parallel_loop3A_315 = tpu.vector_load %arg12[%parallel_loop3A_313, %parallel_loop3A_314] {strides = array<i32>} : memref<256x128xf32, #tpu.memory_space<vmem>>, vector<16xf32>,
        %parallel_loop3A_316 = arith.index_cast %parallel_loop3A_179 : i32 to index
        %parallel_loop3A_317 = arith.constant 64 : index
        %parallel_loop3A_318 = tpu.vector_load %arg14[%parallel_loop3A_316, %parallel_loop3A_317] {strides = array<i32>} : memref<256x128xf32, #tpu.memory_space<vmem>>, vector<16xf32>,
        %parallel_loop3A_319 = arith.addf %parallel_loop3A_315, %parallel_loop3A_318 : vector<16xf32>
        %parallel_loop3A_320 = arith.constant 0.000000e+00 : f32
        %parallel_loop3A_321 = vector.broadcast %parallel_loop3A_320 : f32 to vector<16xf32>
        %parallel_loop3A_322 = arith.select %parallel_loop3A_237, %get3A_11, %parallel_loop3A_321 : vector<16xi1>, vector<16xf32>
        %parallel_loop3A_323 = arith.constant 0.000000e+00 : f32
        %parallel_loop3A_324 = vector.broadcast %parallel_loop3A_323 : f32 to vector<16xf32>
        %parallel_loop3A_325 = arith.select %parallel_loop3A_240, %get3A_27, %parallel_loop3A_324 : vector<16xi1>, vector<16xf32>
        %parallel_loop3A_326 = arith.addf %parallel_loop3A_322, %parallel_loop3A_325 : vector<16xf32>
        %parallel_loop3A_327 = arith.addf %parallel_loop3A_319, %parallel_loop3A_326 : vector<16xf32>
        %parallel_loop3A_328 = arith.index_cast %parallel_loop3A_179 : i32 to index
        %parallel_loop3A_329 = arith.constant 64 : index
        %parallel_loop3A_330 = tpu.vector_load %arg12[%parallel_loop3A_328, %parallel_loop3A_329] {strides = array<i32>} : memref<256x128xf32, #tpu.memory_space<vmem>>, vector<16xf32>,
        tpu.vector_store %arg12[%parallel_loop3A_328, %parallel_loop3A_329], %parallel_loop3A_327 {strides = array<i32>} : memref<256x128xf32, #tpu.memory_space<vmem>>, vector<16xf32>,
        %parallel_loop3A_331 = arith.index_cast %parallel_loop3A_179 : i32 to index
        %parallel_loop3A_332 = arith.constant 80 : index
        %parallel_loop3A_333 = tpu.vector_load %arg12[%parallel_loop3A_331, %parallel_loop3A_332] {strides = array<i32>} : memref<256x128xf32, #tpu.memory_space<vmem>>, vector<16xf32>,
        %parallel_loop3A_334 = arith.index_cast %parallel_loop3A_179 : i32 to index
        %parallel_loop3A_335 = arith.constant 80 : index
        %parallel_loop3A_336 = tpu.vector_load %arg14[%parallel_loop3A_334, %parallel_loop3A_335] {strides = array<i32>} : memref<256x128xf32, #tpu.memory_space<vmem>>, vector<16xf32>,
        %parallel_loop3A_337 = arith.addf %parallel_loop3A_333, %parallel_loop3A_336 : vector<16xf32>
        %parallel_loop3A_338 = arith.constant 0.000000e+00 : f32
        %parallel_loop3A_339 = vector.broadcast %parallel_loop3A_338 : f32 to vector<16xf32>
        %parallel_loop3A_340 = arith.select %parallel_loop3A_237, %get3A_13, %parallel_loop3A_339 : vector<16xi1>, vector<16xf32>
        %parallel_loop3A_341 = arith.constant 0.000000e+00 : f32
        %parallel_loop3A_342 = vector.broadcast %parallel_loop3A_341 : f32 to vector<16xf32>
        %parallel_loop3A_343 = arith.select %parallel_loop3A_240, %get3A_29, %parallel_loop3A_342 : vector<16xi1>, vector<16xf32>
        %parallel_loop3A_344 = arith.addf %parallel_loop3A_340, %parallel_loop3A_343 : vector<16xf32>
        %parallel_loop3A_345 = arith.addf %parallel_loop3A_337, %parallel_loop3A_344 : vector<16xf32>
        %parallel_loop3A_346 = arith.index_cast %parallel_loop3A_179 : i32 to index
        %parallel_loop3A_347 = arith.constant 80 : index
        %parallel_loop3A_348 = tpu.vector_load %arg12[%parallel_loop3A_346, %parallel_loop3A_347] {strides = array<i32>} : memref<256x128xf32, #tpu.memory_space<vmem>>, vector<16xf32>,
        tpu.vector_store %arg12[%parallel_loop3A_346, %parallel_loop3A_347], %parallel_loop3A_345 {strides = array<i32>} : memref<256x128xf32, #tpu.memory_space<vmem>>, vector<16xf32>,
        %parallel_loop3A_349 = arith.index_cast %parallel_loop3A_179 : i32 to index
        %parallel_loop3A_350 = arith.constant 96 : index
        %parallel_loop3A_351 = tpu.vector_load %arg12[%parallel_loop3A_349, %parallel_loop3A_350] {strides = array<i32>} : memref<256x128xf32, #tpu.memory_space<vmem>>, vector<16xf32>,
        %parallel_loop3A_352 = arith.index_cast %parallel_loop3A_179 : i32 to index
        %parallel_loop3A_353 = arith.constant 96 : index
        %parallel_loop3A_354 = tpu.vector_load %arg14[%parallel_loop3A_352, %parallel_loop3A_353] {strides = array<i32>} : memref<256x128xf32, #tpu.memory_space<vmem>>, vector<16xf32>,
        %parallel_loop3A_355 = arith.addf %parallel_loop3A_351, %parallel_loop3A_354 : vector<16xf32>
        %parallel_loop3A_356 = arith.constant 0.000000e+00 : f32
        %parallel_loop3A_357 = vector.broadcast %parallel_loop3A_356 : f32 to vector<16xf32>
        %parallel_loop3A_358 = arith.select %parallel_loop3A_237, %get3A_15, %parallel_loop3A_357 : vector<16xi1>, vector<16xf32>
        %parallel_loop3A_359 = arith.constant 0.000000e+00 : f32
        %parallel_loop3A_360 = vector.broadcast %parallel_loop3A_359 : f32 to vector<16xf32>
        %parallel_loop3A_361 = arith.select %parallel_loop3A_240, %get3A_31, %parallel_loop3A_360 : vector<16xi1>, vector<16xf32>
        %parallel_loop3A_362 = arith.addf %parallel_loop3A_358, %parallel_loop3A_361 : vector<16xf32>
        %parallel_loop3A_363 = arith.addf %parallel_loop3A_355, %parallel_loop3A_362 : vector<16xf32>
        %parallel_loop3A_364 = arith.index_cast %parallel_loop3A_179 : i32 to index
        %parallel_loop3A_365 = arith.constant 96 : index
        %parallel_loop3A_366 = tpu.vector_load %arg12[%parallel_loop3A_364, %parallel_loop3A_365] {strides = array<i32>} : memref<256x128xf32, #tpu.memory_space<vmem>>, vector<16xf32>,
        tpu.vector_store %arg12[%parallel_loop3A_364, %parallel_loop3A_365], %parallel_loop3A_363 {strides = array<i32>} : memref<256x128xf32, #tpu.memory_space<vmem>>, vector<16xf32>,
        %parallel_loop3A_367 = arith.index_cast %parallel_loop3A_179 : i32 to index
        %parallel_loop3A_368 = arith.constant 112 : index
        %parallel_loop3A_369 = tpu.vector_load %arg12[%parallel_loop3A_367, %parallel_loop3A_368] {strides = array<i32>} : memref<256x128xf32, #tpu.memory_space<vmem>>, vector<16xf32>,
        %parallel_loop3A_370 = arith.index_cast %parallel_loop3A_179 : i32 to index
        %parallel_loop3A_371 = arith.constant 112 : index
        %parallel_loop3A_372 = tpu.vector_load %arg14[%parallel_loop3A_370, %parallel_loop3A_371] {strides = array<i32>} : memref<256x128xf32, #tpu.memory_space<vmem>>, vector<16xf32>,
        %parallel_loop3A_373 = arith.addf %parallel_loop3A_369, %parallel_loop3A_372 : vector<16xf32>
        %parallel_loop3A_374 = arith.constant 0.000000e+00 : f32
        %parallel_loop3A_375 = vector.broadcast %parallel_loop3A_374 : f32 to vector<16xf32>
        %parallel_loop3A_376 = arith.select %parallel_loop3A_237, %get3A_17, %parallel_loop3A_375 : vector<16xi1>, vector<16xf32>
        %parallel_loop3A_377 = arith.constant 0.000000e+00 : f32
        %parallel_loop3A_378 = vector.broadcast %parallel_loop3A_377 : f32 to vector<16xf32>
        %parallel_loop3A_379 = arith.select %parallel_loop3A_240, %get3A_33, %parallel_loop3A_378 : vector<16xi1>, vector<16xf32>
        %parallel_loop3A_380 = arith.addf %parallel_loop3A_376, %parallel_loop3A_379 : vector<16xf32>
        %parallel_loop3A_381 = arith.addf %parallel_loop3A_373, %parallel_loop3A_380 : vector<16xf32>
        %parallel_loop3A_382 = arith.index_cast %parallel_loop3A_179 : i32 to index
        %parallel_loop3A_383 = arith.constant 112 : index
        %parallel_loop3A_384 = tpu.vector_load %arg12[%parallel_loop3A_382, %parallel_loop3A_383] {strides = array<i32>} : memref<256x128xf32, #tpu.memory_space<vmem>>, vector<16xf32>,
        tpu.vector_store %arg12[%parallel_loop3A_382, %parallel_loop3A_383], %parallel_loop3A_381 {strides = array<i32>} : memref<256x128xf32, #tpu.memory_space<vmem>>, vector<16xf32>,
      } {sc.loop_unroll_factor = 8 : i64, sc.parallel_access}
      %lt3A = arith.constant 15 : i32
      %lt3A_137 = arith.cmpi slt, %scan3A_121, %lt3A : i32
      %convert_element_type3A_138 = arith.extui %lt3A_137 : i1 to i32
      %cond3A_139 = arith.constant 0 : i32
      %cond3A_140 = arith.cmpi ne, %convert_element_type3A_138, %cond3A_139 : i32
      scf.if %cond3A_140 {
        %add3A_179 = arith.constant 2 : i32
        %add3A_180 = arith.addi %add3A_125, %add3A_179 : i32
        %mul3A_181 = arith.constant 512 : i32
        %mul3A_182 = arith.muli %add3A_180, %mul3A_181 : i32
        %add3A_183 = arith.addi %mul3A_2, %mul3A_182 : i32
        %add3A_184 = arith.constant 0 : i32
        %add3A_185 = arith.addi %add3A_183, %add3A_184 : i32
        %dma_start3A_186 = tpu.memref_slice %arg2[%add3A_185] : memref<524288xi32, #tpu.memory_space<hbm>> -> memref<256xi32, #tpu.memory_space<hbm>>
        %dma_start3A_187 = tpu.memref_slice %arg2[%add3A_185] : memref<524288xi32, #tpu.memory_space<hbm>> -> memref<256xi32, #tpu.memory_space<hbm>>
        tpu.enqueue_dma source(%dma_start3A_187 : memref<256xi32, #tpu.memory_space<hbm>>) target(%arg8 : memref<256xi32, #tpu.memory_space<vmem>>) target_semaphore(%arg20 : memref<!tpu.dma_semaphore, #tpu.memory_space<semaphore_mem>>)
        %add3A_188 = arith.constant 2 : i32
        %add3A_189 = arith.addi %add3A_125, %add3A_188 : i32
        %mul3A_190 = arith.constant 512 : i32
        %mul3A_191 = arith.muli %add3A_189, %mul3A_190 : i32
        %add3A_192 = arith.addi %mul3A_2, %mul3A_191 : i32
        %add3A_193 = arith.constant 0 : i32
        %add3A_194 = arith.addi %add3A_192, %add3A_193 : i32
        %dma_start3A_195 = tpu.memref_slice %arg3[%add3A_194] : memref<524288xi32, #tpu.memory_space<hbm>> -> memref<256xi32, #tpu.memory_space<hbm>>
        %dma_start3A_196 = tpu.memref_slice %arg3[%add3A_194] : memref<524288xi32, #tpu.memory_space<hbm>> -> memref<256xi32, #tpu.memory_space<hbm>>
        tpu.enqueue_dma source(%dma_start3A_196 : memref<256xi32, #tpu.memory_space<hbm>>) target(%arg10 : memref<256xi32, #tpu.memory_space<vmem>>) target_semaphore(%arg20 : memref<!tpu.dma_semaphore, #tpu.memory_space<semaphore_mem>>)
      } else {
      }
      %mul3A_141 = arith.constant 512 : i32
      %mul3A_142 = arith.muli %add3A_125, %mul3A_141 : i32
      %add3A_143 = arith.addi %mul3A_2, %mul3A_142 : i32
      %add3A_144 = arith.constant 0 : i32
      %add3A_145 = arith.addi %add3A_143, %add3A_144 : i32
      %dma_start3A_146 = arith.constant 0 : i32
      %dma_start3A_147 = tpu.memref_slice %arg7[%add3A_145, %dma_start3A_146] : memref<524288x128xf32, #tpu.memory_space<hbm>> -> memref<256x128xf32, #tpu.memory_space<hbm>>
      %dma_start3A_148 = arith.constant 0 : i32
      %dma_start3A_149 = tpu.memref_slice %arg7[%add3A_145, %dma_start3A_148] : memref<524288x128xf32, #tpu.memory_space<hbm>> -> memref<256x128xf32, #tpu.memory_space<hbm>>
      tpu.enqueue_dma source(%arg12 : memref<256x128xf32, #tpu.memory_space<vmem>>) target(%dma_start3A_149 : memref<256x128xf32, #tpu.memory_space<hbm>>) target_semaphore(%arg18 : memref<!tpu.dma_semaphore, #tpu.memory_space<semaphore_mem>>)
      %mul3A_150 = arith.constant 2 : i32
      %mul3A_151 = arith.muli %scan3A_121, %mul3A_150 : i32
      %add3A_152 = arith.constant 1 : i32
      %add3A_153 = arith.addi %mul3A_151, %add3A_152 : i32
      %dma_wait3A_154 = arith.constant 0 : i32
      %dma_wait3A_155 = arith.constant 0 : i32
      %dma_wait3A_156 = tpu.memref_slice %arg4[%dma_wait3A_154, %dma_wait3A_155] : memref<100000x128xf32, #tpu.memory_space<hbm>> -> memref<100000x128xf32, #tpu.memory_space<hbm>>
      tpu.wait_indirect_dma semaphore(%arg17 : memref<!tpu.dma_semaphore, #tpu.memory_space<semaphore_mem>>) src(%dma_wait3A_156 : memref<100000x128xf32, #tpu.memory_space<hbm>>) dst(%arg13 : memref<256x128xf32, #tpu.memory_space<vmem>>)
      %lt3A_157 = arith.constant 15 : i32
      %lt3A_158 = arith.cmpi slt, %scan3A_121, %lt3A_157 : i32
      %convert_element_type3A_159 = arith.extui %lt3A_158 : i1 to i32
      %cond3A_160 = arith.constant 0 : i32
      %cond3A_161 = arith.cmpi ne, %convert_element_type3A_159, %cond3A_160 : i32
      scf.if %cond3A_161 {
        %sub3A = arith.constant 1 : i32
        %sub3A_179 = arith.subi %add3A_153, %sub3A : i32
        %mul3A_180 = arith.constant 512 : i32
        %mul3A_181 = arith.muli %sub3A_179, %mul3A_180 : i32
        %add3A_182 = arith.addi %mul3A_2, %mul3A_181 : i32
        %add3A_183 = arith.constant 0 : i32
        %add3A_184 = arith.addi %add3A_182, %add3A_183 : i32
        %dma_wait3A_185 = arith.constant 0 : i32
        %dma_wait3A_186 = tpu.memref_slice %arg7[%add3A_184, %dma_wait3A_185] : memref<524288x128xf32, #tpu.memory_space<hbm>> -> memref<256x128xf32, #tpu.memory_space<hbm>>
        %dma_wait3A_187 = arith.constant 0 : i32
        %dma_wait3A_188 = tpu.memref_slice %arg7[%add3A_184, %dma_wait3A_187] : memref<524288x128xf32, #tpu.memory_space<hbm>> -> memref<256x128xf32, #tpu.memory_space<hbm>>
        tpu.wait_dma2 semaphore(%arg18 : memref<!tpu.dma_semaphore, #tpu.memory_space<semaphore_mem>>) src(%arg12 : memref<256x128xf32, #tpu.memory_space<vmem>>) dst(%dma_wait3A_188 : memref<256x128xf32, #tpu.memory_space<hbm>>)
        %add3A_189 = arith.constant 1 : i32
        %add3A_190 = arith.addi %add3A_153, %add3A_189 : i32
        %mul3A_191 = arith.constant 512 : i32
        %mul3A_192 = arith.muli %add3A_190, %mul3A_191 : i32
        %add3A_193 = arith.addi %mul3A_2, %mul3A_192 : i32
        %add3A_194 = arith.constant 0 : i32
        %add3A_195 = arith.addi %add3A_193, %add3A_194 : i32
        %dma_wait3A_196 = tpu.memref_slice %arg2[%add3A_195] : memref<524288xi32, #tpu.memory_space<hbm>> -> memref<256xi32, #tpu.memory_space<hbm>>
        %dma_wait3A_197 = tpu.memref_slice %arg2[%add3A_195] : memref<524288xi32, #tpu.memory_space<hbm>> -> memref<256xi32, #tpu.memory_space<hbm>>
        tpu.wait_dma2 semaphore(%arg20 : memref<!tpu.dma_semaphore, #tpu.memory_space<semaphore_mem>>) src(%dma_wait3A_197 : memref<256xi32, #tpu.memory_space<hbm>>) dst(%arg8 : memref<256xi32, #tpu.memory_space<vmem>>)
        %add3A_198 = arith.constant 1 : i32
        %add3A_199 = arith.addi %add3A_153, %add3A_198 : i32
        %mul3A_200 = arith.constant 512 : i32
        %mul3A_201 = arith.muli %add3A_199, %mul3A_200 : i32
        %add3A_202 = arith.addi %mul3A_2, %mul3A_201 : i32
        %add3A_203 = arith.constant 0 : i32
        %add3A_204 = arith.addi %add3A_202, %add3A_203 : i32
        %dma_wait3A_205 = tpu.memref_slice %arg3[%add3A_204] : memref<524288xi32, #tpu.memory_space<hbm>> -> memref<256xi32, #tpu.memory_space<hbm>>
        %dma_wait3A_206 = tpu.memref_slice %arg3[%add3A_204] : memref<524288xi32, #tpu.memory_space<hbm>> -> memref<256xi32, #tpu.memory_space<hbm>>
        tpu.wait_dma2 semaphore(%arg20 : memref<!tpu.dma_semaphore, #tpu.memory_space<semaphore_mem>>) src(%dma_wait3A_206 : memref<256xi32, #tpu.memory_space<hbm>>) dst(%arg10 : memref<256xi32, #tpu.memory_space<vmem>>)
        %dma_start3A_207 = arith.constant 0 : i32
        %dma_start3A_208 = arith.constant 0 : i32
        %dma_start3A_209 = tpu.memref_slice %arg4[%dma_start3A_207, %dma_start3A_208] : memref<100000x128xf32, #tpu.memory_space<hbm>> -> memref<100000x128xf32, #tpu.memory_space<hbm>>
        tpu.enqueue_indirect_dma source(%dma_start3A_209 : memref<100000x128xf32, #tpu.memory_space<hbm>>) target(%arg12 : memref<256x128xf32, #tpu.memory_space<vmem>>) offsets(%arg8 : memref<256xi32, #tpu.memory_space<vmem>>) semaphore(%arg16 : memref<!tpu.dma_semaphore, #tpu.memory_space<semaphore_mem>>)
      } else {
      }
      %parallel_loop3A_162 = arith.constant 0 : i32
      %parallel_loop3A_163 = arith.constant 256 : i32
      %parallel_loop3A_164 = arith.constant 1 : i32
      scf.for %parallel_loop3A_179 = %parallel_loop3A_162 to %parallel_loop3A_163 step %parallel_loop3A_164  : i32 {
        %parallel_loop3A_180 = arith.constant 16 : i32
        %parallel_loop3A_181 = arith.divsi %parallel_loop3A_179, %parallel_loop3A_180 : i32
        %parallel_loop3A_182 = arith.constant 0 : i32
        %parallel_loop3A_183 = arith.cmpi sgt, %parallel_loop3A_179, %parallel_loop3A_182 : i32
        %parallel_loop3A_184 = arith.extui %parallel_loop3A_183 : i1 to i32
        %parallel_loop3A_185 = arith.constant 0 : i32
        %parallel_loop3A_186 = arith.cmpi slt, %parallel_loop3A_179, %parallel_loop3A_185 : i32
        %parallel_loop3A_187 = arith.extui %parallel_loop3A_186 : i1 to i32
        %parallel_loop3A_188 = arith.subi %parallel_loop3A_184, %parallel_loop3A_187 : i32
        %parallel_loop3A_189 = arith.constant 0 : i32
        %parallel_loop3A_190 = arith.cmpi sgt, %parallel_loop3A_180, %parallel_loop3A_189 : i32
        %parallel_loop3A_191 = arith.extui %parallel_loop3A_190 : i1 to i32
        %parallel_loop3A_192 = arith.constant 0 : i32
        %parallel_loop3A_193 = arith.cmpi slt, %parallel_loop3A_180, %parallel_loop3A_192 : i32
        %parallel_loop3A_194 = arith.extui %parallel_loop3A_193 : i1 to i32
        %parallel_loop3A_195 = arith.subi %parallel_loop3A_191, %parallel_loop3A_194 : i32
        %parallel_loop3A_196 = arith.cmpi ne, %parallel_loop3A_188, %parallel_loop3A_195 : i32
        %parallel_loop3A_197 = arith.remsi %parallel_loop3A_179, %parallel_loop3A_180 : i32
        %parallel_loop3A_198 = arith.constant 0 : i32
        %parallel_loop3A_199 = arith.cmpi ne, %parallel_loop3A_197, %parallel_loop3A_198 : i32
        %parallel_loop3A_200 = arith.andi %parallel_loop3A_196, %parallel_loop3A_199 : i1
        %parallel_loop3A_201 = arith.constant 1 : i32
        %parallel_loop3A_202 = arith.subi %parallel_loop3A_181, %parallel_loop3A_201 : i32
        %parallel_loop3A_203 = arith.select %parallel_loop3A_200, %parallel_loop3A_202, %parallel_loop3A_181 : i32
        %parallel_loop3A_204 = arith.constant 16 : i32
        %parallel_loop3A_205 = arith.constant 0 : i32
        %parallel_loop3A_206 = arith.cmpi eq, %parallel_loop3A_204, %parallel_loop3A_205 : i32
        %parallel_loop3A_207 = arith.constant 1 : i32
        %parallel_loop3A_208 = arith.select %parallel_loop3A_206, %parallel_loop3A_207, %parallel_loop3A_204 : i32
        %parallel_loop3A_209 = arith.remsi %parallel_loop3A_179, %parallel_loop3A_208 : i32
        %parallel_loop3A_210 = arith.constant 0 : i32
        %parallel_loop3A_211 = arith.cmpi ne, %parallel_loop3A_209, %parallel_loop3A_210 : i32
        %parallel_loop3A_212 = arith.constant 0 : i32
        %parallel_loop3A_213 = arith.cmpi slt, %parallel_loop3A_209, %parallel_loop3A_212 : i32
        %parallel_loop3A_214 = arith.constant 0 : i32
        %parallel_loop3A_215 = arith.cmpi slt, %parallel_loop3A_208, %parallel_loop3A_214 : i32
        %parallel_loop3A_216 = arith.xori %parallel_loop3A_213, %parallel_loop3A_215 : i1
        %parallel_loop3A_217 = arith.andi %parallel_loop3A_216, %parallel_loop3A_211 : i1
        %parallel_loop3A_218 = arith.addi %parallel_loop3A_209, %parallel_loop3A_208 : i32
        %parallel_loop3A_219 = arith.select %parallel_loop3A_217, %parallel_loop3A_218, %parallel_loop3A_209 : i32
        %parallel_loop3A_220 = arith.constant 16 : i32
        %parallel_loop3A_221 = arith.muli %parallel_loop3A_203, %parallel_loop3A_220 : i32
        %parallel_loop3A_222 = arith.index_cast %parallel_loop3A_221 : i32 to index
        %parallel_loop3A_223 = tpu.vector_load %arg11[%parallel_loop3A_222] {strides = array<i32>} : memref<256xi32, #tpu.memory_space<vmem>>, vector<16xi32>,
        %parallel_loop3A_224 = vector.broadcast %parallel_loop3A_219 : i32 to vector<16xi32>
        %parallel_loop3A_225 = arith.constant 0 : i32
        %parallel_loop3A_226 = vector.broadcast %parallel_loop3A_225 : i32 to vector<16xi32>
        %parallel_loop3A_227 = arith.cmpi slt, %parallel_loop3A_224, %parallel_loop3A_226 : vector<16xi32>
        %parallel_loop3A_228 = arith.constant 16 : i32
        %parallel_loop3A_229 = vector.broadcast %parallel_loop3A_228 : i32 to vector<16xi32>
        %parallel_loop3A_230 = arith.addi %parallel_loop3A_224, %parallel_loop3A_229 : vector<16xi32>
        %parallel_loop3A_231 = arith.select %parallel_loop3A_227, %parallel_loop3A_230, %parallel_loop3A_224 : vector<16xi1>, vector<16xi32>
        %parallel_loop3A_232 = vector.shape_cast %parallel_loop3A_231 : vector<16xi32> to vector<16x1xi32>
        %parallel_loop3A_233 = vector.shape_cast %parallel_loop3A_232 : vector<16x1xi32> to vector<16xi32>
        %parallel_loop3A_234 = tpu.dynamic_gather %parallel_loop3A_223[%parallel_loop3A_233] in [0] : vector<16xi32>, vector<16xi32> -> vector<16xi32>
        %parallel_loop3A_235 = arith.constant 1 : i32
        %parallel_loop3A_236 = vector.broadcast %parallel_loop3A_235 : i32 to vector<16xi32>
        %parallel_loop3A_237 = arith.cmpi eq, %parallel_loop3A_234, %parallel_loop3A_236 : vector<16xi32>
        %parallel_loop3A_238 = arith.constant 2 : i32
        %parallel_loop3A_239 = vector.broadcast %parallel_loop3A_238 : i32 to vector<16xi32>
        %parallel_loop3A_240 = arith.cmpi eq, %parallel_loop3A_234, %parallel_loop3A_239 : vector<16xi32>
        %parallel_loop3A_241 = arith.index_cast %parallel_loop3A_179 : i32 to index
        %parallel_loop3A_242 = arith.constant 0 : index
        %parallel_loop3A_243 = tpu.vector_load %arg13[%parallel_loop3A_241, %parallel_loop3A_242] {strides = array<i32>} : memref<256x128xf32, #tpu.memory_space<vmem>>, vector<16xf32>,
        %parallel_loop3A_244 = arith.index_cast %parallel_loop3A_179 : i32 to index
        %parallel_loop3A_245 = arith.constant 0 : index
        %parallel_loop3A_246 = tpu.vector_load %arg14[%parallel_loop3A_244, %parallel_loop3A_245] {strides = array<i32>} : memref<256x128xf32, #tpu.memory_space<vmem>>, vector<16xf32>,
        %parallel_loop3A_247 = arith.addf %parallel_loop3A_243, %parallel_loop3A_246 : vector<16xf32>
        %parallel_loop3A_248 = arith.constant 0.000000e+00 : f32
        %parallel_loop3A_249 = vector.broadcast %parallel_loop3A_248 : f32 to vector<16xf32>
        %parallel_loop3A_250 = arith.select %parallel_loop3A_237, %get3A_3, %parallel_loop3A_249 : vector<16xi1>, vector<16xf32>
        %parallel_loop3A_251 = arith.constant 0.000000e+00 : f32
        %parallel_loop3A_252 = vector.broadcast %parallel_loop3A_251 : f32 to vector<16xf32>
        %parallel_loop3A_253 = arith.select %parallel_loop3A_240, %get3A_19, %parallel_loop3A_252 : vector<16xi1>, vector<16xf32>
        %parallel_loop3A_254 = arith.addf %parallel_loop3A_250, %parallel_loop3A_253 : vector<16xf32>
        %parallel_loop3A_255 = arith.addf %parallel_loop3A_247, %parallel_loop3A_254 : vector<16xf32>
        %parallel_loop3A_256 = arith.index_cast %parallel_loop3A_179 : i32 to index
        %parallel_loop3A_257 = arith.constant 0 : index
        %parallel_loop3A_258 = tpu.vector_load %arg13[%parallel_loop3A_256, %parallel_loop3A_257] {strides = array<i32>} : memref<256x128xf32, #tpu.memory_space<vmem>>, vector<16xf32>,
        tpu.vector_store %arg13[%parallel_loop3A_256, %parallel_loop3A_257], %parallel_loop3A_255 {strides = array<i32>} : memref<256x128xf32, #tpu.memory_space<vmem>>, vector<16xf32>,
        %parallel_loop3A_259 = arith.index_cast %parallel_loop3A_179 : i32 to index
        %parallel_loop3A_260 = arith.constant 16 : index
        %parallel_loop3A_261 = tpu.vector_load %arg13[%parallel_loop3A_259, %parallel_loop3A_260] {strides = array<i32>} : memref<256x128xf32, #tpu.memory_space<vmem>>, vector<16xf32>,
        %parallel_loop3A_262 = arith.index_cast %parallel_loop3A_179 : i32 to index
        %parallel_loop3A_263 = arith.constant 16 : index
        %parallel_loop3A_264 = tpu.vector_load %arg14[%parallel_loop3A_262, %parallel_loop3A_263] {strides = array<i32>} : memref<256x128xf32, #tpu.memory_space<vmem>>, vector<16xf32>,
        %parallel_loop3A_265 = arith.addf %parallel_loop3A_261, %parallel_loop3A_264 : vector<16xf32>
        %parallel_loop3A_266 = arith.constant 0.000000e+00 : f32
        %parallel_loop3A_267 = vector.broadcast %parallel_loop3A_266 : f32 to vector<16xf32>
        %parallel_loop3A_268 = arith.select %parallel_loop3A_237, %get3A_5, %parallel_loop3A_267 : vector<16xi1>, vector<16xf32>
        %parallel_loop3A_269 = arith.constant 0.000000e+00 : f32
        %parallel_loop3A_270 = vector.broadcast %parallel_loop3A_269 : f32 to vector<16xf32>
        %parallel_loop3A_271 = arith.select %parallel_loop3A_240, %get3A_21, %parallel_loop3A_270 : vector<16xi1>, vector<16xf32>
        %parallel_loop3A_272 = arith.addf %parallel_loop3A_268, %parallel_loop3A_271 : vector<16xf32>
        %parallel_loop3A_273 = arith.addf %parallel_loop3A_265, %parallel_loop3A_272 : vector<16xf32>
        %parallel_loop3A_274 = arith.index_cast %parallel_loop3A_179 : i32 to index
        %parallel_loop3A_275 = arith.constant 16 : index
        %parallel_loop3A_276 = tpu.vector_load %arg13[%parallel_loop3A_274, %parallel_loop3A_275] {strides = array<i32>} : memref<256x128xf32, #tpu.memory_space<vmem>>, vector<16xf32>,
        tpu.vector_store %arg13[%parallel_loop3A_274, %parallel_loop3A_275], %parallel_loop3A_273 {strides = array<i32>} : memref<256x128xf32, #tpu.memory_space<vmem>>, vector<16xf32>,
        %parallel_loop3A_277 = arith.index_cast %parallel_loop3A_179 : i32 to index
        %parallel_loop3A_278 = arith.constant 32 : index
        %parallel_loop3A_279 = tpu.vector_load %arg13[%parallel_loop3A_277, %parallel_loop3A_278] {strides = array<i32>} : memref<256x128xf32, #tpu.memory_space<vmem>>, vector<16xf32>,
        %parallel_loop3A_280 = arith.index_cast %parallel_loop3A_179 : i32 to index
        %parallel_loop3A_281 = arith.constant 32 : index
        %parallel_loop3A_282 = tpu.vector_load %arg14[%parallel_loop3A_280, %parallel_loop3A_281] {strides = array<i32>} : memref<256x128xf32, #tpu.memory_space<vmem>>, vector<16xf32>,
        %parallel_loop3A_283 = arith.addf %parallel_loop3A_279, %parallel_loop3A_282 : vector<16xf32>
        %parallel_loop3A_284 = arith.constant 0.000000e+00 : f32
        %parallel_loop3A_285 = vector.broadcast %parallel_loop3A_284 : f32 to vector<16xf32>
        %parallel_loop3A_286 = arith.select %parallel_loop3A_237, %get3A_7, %parallel_loop3A_285 : vector<16xi1>, vector<16xf32>
        %parallel_loop3A_287 = arith.constant 0.000000e+00 : f32
        %parallel_loop3A_288 = vector.broadcast %parallel_loop3A_287 : f32 to vector<16xf32>
        %parallel_loop3A_289 = arith.select %parallel_loop3A_240, %get3A_23, %parallel_loop3A_288 : vector<16xi1>, vector<16xf32>
        %parallel_loop3A_290 = arith.addf %parallel_loop3A_286, %parallel_loop3A_289 : vector<16xf32>
        %parallel_loop3A_291 = arith.addf %parallel_loop3A_283, %parallel_loop3A_290 : vector<16xf32>
        %parallel_loop3A_292 = arith.index_cast %parallel_loop3A_179 : i32 to index
        %parallel_loop3A_293 = arith.constant 32 : index
        %parallel_loop3A_294 = tpu.vector_load %arg13[%parallel_loop3A_292, %parallel_loop3A_293] {strides = array<i32>} : memref<256x128xf32, #tpu.memory_space<vmem>>, vector<16xf32>,
        tpu.vector_store %arg13[%parallel_loop3A_292, %parallel_loop3A_293], %parallel_loop3A_291 {strides = array<i32>} : memref<256x128xf32, #tpu.memory_space<vmem>>, vector<16xf32>,
        %parallel_loop3A_295 = arith.index_cast %parallel_loop3A_179 : i32 to index
        %parallel_loop3A_296 = arith.constant 48 : index
        %parallel_loop3A_297 = tpu.vector_load %arg13[%parallel_loop3A_295, %parallel_loop3A_296] {strides = array<i32>} : memref<256x128xf32, #tpu.memory_space<vmem>>, vector<16xf32>,
        %parallel_loop3A_298 = arith.index_cast %parallel_loop3A_179 : i32 to index
        %parallel_loop3A_299 = arith.constant 48 : index
        %parallel_loop3A_300 = tpu.vector_load %arg14[%parallel_loop3A_298, %parallel_loop3A_299] {strides = array<i32>} : memref<256x128xf32, #tpu.memory_space<vmem>>, vector<16xf32>,
        %parallel_loop3A_301 = arith.addf %parallel_loop3A_297, %parallel_loop3A_300 : vector<16xf32>
        %parallel_loop3A_302 = arith.constant 0.000000e+00 : f32
        %parallel_loop3A_303 = vector.broadcast %parallel_loop3A_302 : f32 to vector<16xf32>
        %parallel_loop3A_304 = arith.select %parallel_loop3A_237, %get3A_9, %parallel_loop3A_303 : vector<16xi1>, vector<16xf32>
        %parallel_loop3A_305 = arith.constant 0.000000e+00 : f32
        %parallel_loop3A_306 = vector.broadcast %parallel_loop3A_305 : f32 to vector<16xf32>
        %parallel_loop3A_307 = arith.select %parallel_loop3A_240, %get3A_25, %parallel_loop3A_306 : vector<16xi1>, vector<16xf32>
        %parallel_loop3A_308 = arith.addf %parallel_loop3A_304, %parallel_loop3A_307 : vector<16xf32>
        %parallel_loop3A_309 = arith.addf %parallel_loop3A_301, %parallel_loop3A_308 : vector<16xf32>
        %parallel_loop3A_310 = arith.index_cast %parallel_loop3A_179 : i32 to index
        %parallel_loop3A_311 = arith.constant 48 : index
        %parallel_loop3A_312 = tpu.vector_load %arg13[%parallel_loop3A_310, %parallel_loop3A_311] {strides = array<i32>} : memref<256x128xf32, #tpu.memory_space<vmem>>, vector<16xf32>,
        tpu.vector_store %arg13[%parallel_loop3A_310, %parallel_loop3A_311], %parallel_loop3A_309 {strides = array<i32>} : memref<256x128xf32, #tpu.memory_space<vmem>>, vector<16xf32>,
        %parallel_loop3A_313 = arith.index_cast %parallel_loop3A_179 : i32 to index
        %parallel_loop3A_314 = arith.constant 64 : index
        %parallel_loop3A_315 = tpu.vector_load %arg13[%parallel_loop3A_313, %parallel_loop3A_314] {strides = array<i32>} : memref<256x128xf32, #tpu.memory_space<vmem>>, vector<16xf32>,
        %parallel_loop3A_316 = arith.index_cast %parallel_loop3A_179 : i32 to index
        %parallel_loop3A_317 = arith.constant 64 : index
        %parallel_loop3A_318 = tpu.vector_load %arg14[%parallel_loop3A_316, %parallel_loop3A_317] {strides = array<i32>} : memref<256x128xf32, #tpu.memory_space<vmem>>, vector<16xf32>,
        %parallel_loop3A_319 = arith.addf %parallel_loop3A_315, %parallel_loop3A_318 : vector<16xf32>
        %parallel_loop3A_320 = arith.constant 0.000000e+00 : f32
        %parallel_loop3A_321 = vector.broadcast %parallel_loop3A_320 : f32 to vector<16xf32>
        %parallel_loop3A_322 = arith.select %parallel_loop3A_237, %get3A_11, %parallel_loop3A_321 : vector<16xi1>, vector<16xf32>
        %parallel_loop3A_323 = arith.constant 0.000000e+00 : f32
        %parallel_loop3A_324 = vector.broadcast %parallel_loop3A_323 : f32 to vector<16xf32>
        %parallel_loop3A_325 = arith.select %parallel_loop3A_240, %get3A_27, %parallel_loop3A_324 : vector<16xi1>, vector<16xf32>
        %parallel_loop3A_326 = arith.addf %parallel_loop3A_322, %parallel_loop3A_325 : vector<16xf32>
        %parallel_loop3A_327 = arith.addf %parallel_loop3A_319, %parallel_loop3A_326 : vector<16xf32>
        %parallel_loop3A_328 = arith.index_cast %parallel_loop3A_179 : i32 to index
        %parallel_loop3A_329 = arith.constant 64 : index
        %parallel_loop3A_330 = tpu.vector_load %arg13[%parallel_loop3A_328, %parallel_loop3A_329] {strides = array<i32>} : memref<256x128xf32, #tpu.memory_space<vmem>>, vector<16xf32>,
        tpu.vector_store %arg13[%parallel_loop3A_328, %parallel_loop3A_329], %parallel_loop3A_327 {strides = array<i32>} : memref<256x128xf32, #tpu.memory_space<vmem>>, vector<16xf32>,
        %parallel_loop3A_331 = arith.index_cast %parallel_loop3A_179 : i32 to index
        %parallel_loop3A_332 = arith.constant 80 : index
        %parallel_loop3A_333 = tpu.vector_load %arg13[%parallel_loop3A_331, %parallel_loop3A_332] {strides = array<i32>} : memref<256x128xf32, #tpu.memory_space<vmem>>, vector<16xf32>,
        %parallel_loop3A_334 = arith.index_cast %parallel_loop3A_179 : i32 to index
        %parallel_loop3A_335 = arith.constant 80 : index
        %parallel_loop3A_336 = tpu.vector_load %arg14[%parallel_loop3A_334, %parallel_loop3A_335] {strides = array<i32>} : memref<256x128xf32, #tpu.memory_space<vmem>>, vector<16xf32>,
        %parallel_loop3A_337 = arith.addf %parallel_loop3A_333, %parallel_loop3A_336 : vector<16xf32>
        %parallel_loop3A_338 = arith.constant 0.000000e+00 : f32
        %parallel_loop3A_339 = vector.broadcast %parallel_loop3A_338 : f32 to vector<16xf32>
        %parallel_loop3A_340 = arith.select %parallel_loop3A_237, %get3A_13, %parallel_loop3A_339 : vector<16xi1>, vector<16xf32>
        %parallel_loop3A_341 = arith.constant 0.000000e+00 : f32
        %parallel_loop3A_342 = vector.broadcast %parallel_loop3A_341 : f32 to vector<16xf32>
        %parallel_loop3A_343 = arith.select %parallel_loop3A_240, %get3A_29, %parallel_loop3A_342 : vector<16xi1>, vector<16xf32>
        %parallel_loop3A_344 = arith.addf %parallel_loop3A_340, %parallel_loop3A_343 : vector<16xf32>
        %parallel_loop3A_345 = arith.addf %parallel_loop3A_337, %parallel_loop3A_344 : vector<16xf32>
        %parallel_loop3A_346 = arith.index_cast %parallel_loop3A_179 : i32 to index
        %parallel_loop3A_347 = arith.constant 80 : index
        %parallel_loop3A_348 = tpu.vector_load %arg13[%parallel_loop3A_346, %parallel_loop3A_347] {strides = array<i32>} : memref<256x128xf32, #tpu.memory_space<vmem>>, vector<16xf32>,
        tpu.vector_store %arg13[%parallel_loop3A_346, %parallel_loop3A_347], %parallel_loop3A_345 {strides = array<i32>} : memref<256x128xf32, #tpu.memory_space<vmem>>, vector<16xf32>,
        %parallel_loop3A_349 = arith.index_cast %parallel_loop3A_179 : i32 to index
        %parallel_loop3A_350 = arith.constant 96 : index
        %parallel_loop3A_351 = tpu.vector_load %arg13[%parallel_loop3A_349, %parallel_loop3A_350] {strides = array<i32>} : memref<256x128xf32, #tpu.memory_space<vmem>>, vector<16xf32>,
        %parallel_loop3A_352 = arith.index_cast %parallel_loop3A_179 : i32 to index
        %parallel_loop3A_353 = arith.constant 96 : index
        %parallel_loop3A_354 = tpu.vector_load %arg14[%parallel_loop3A_352, %parallel_loop3A_353] {strides = array<i32>} : memref<256x128xf32, #tpu.memory_space<vmem>>, vector<16xf32>,
        %parallel_loop3A_355 = arith.addf %parallel_loop3A_351, %parallel_loop3A_354 : vector<16xf32>
        %parallel_loop3A_356 = arith.constant 0.000000e+00 : f32
        %parallel_loop3A_357 = vector.broadcast %parallel_loop3A_356 : f32 to vector<16xf32>
        %parallel_loop3A_358 = arith.select %parallel_loop3A_237, %get3A_15, %parallel_loop3A_357 : vector<16xi1>, vector<16xf32>
        %parallel_loop3A_359 = arith.constant 0.000000e+00 : f32
        %parallel_loop3A_360 = vector.broadcast %parallel_loop3A_359 : f32 to vector<16xf32>
        %parallel_loop3A_361 = arith.select %parallel_loop3A_240, %get3A_31, %parallel_loop3A_360 : vector<16xi1>, vector<16xf32>
        %parallel_loop3A_362 = arith.addf %parallel_loop3A_358, %parallel_loop3A_361 : vector<16xf32>
        %parallel_loop3A_363 = arith.addf %parallel_loop3A_355, %parallel_loop3A_362 : vector<16xf32>
        %parallel_loop3A_364 = arith.index_cast %parallel_loop3A_179 : i32 to index
        %parallel_loop3A_365 = arith.constant 96 : index
        %parallel_loop3A_366 = tpu.vector_load %arg13[%parallel_loop3A_364, %parallel_loop3A_365] {strides = array<i32>} : memref<256x128xf32, #tpu.memory_space<vmem>>, vector<16xf32>,
        tpu.vector_store %arg13[%parallel_loop3A_364, %parallel_loop3A_365], %parallel_loop3A_363 {strides = array<i32>} : memref<256x128xf32, #tpu.memory_space<vmem>>, vector<16xf32>,
        %parallel_loop3A_367 = arith.index_cast %parallel_loop3A_179 : i32 to index
        %parallel_loop3A_368 = arith.constant 112 : index
        %parallel_loop3A_369 = tpu.vector_load %arg13[%parallel_loop3A_367, %parallel_loop3A_368] {strides = array<i32>} : memref<256x128xf32, #tpu.memory_space<vmem>>, vector<16xf32>,
        %parallel_loop3A_370 = arith.index_cast %parallel_loop3A_179 : i32 to index
        %parallel_loop3A_371 = arith.constant 112 : index
        %parallel_loop3A_372 = tpu.vector_load %arg14[%parallel_loop3A_370, %parallel_loop3A_371] {strides = array<i32>} : memref<256x128xf32, #tpu.memory_space<vmem>>, vector<16xf32>,
        %parallel_loop3A_373 = arith.addf %parallel_loop3A_369, %parallel_loop3A_372 : vector<16xf32>
        %parallel_loop3A_374 = arith.constant 0.000000e+00 : f32
        %parallel_loop3A_375 = vector.broadcast %parallel_loop3A_374 : f32 to vector<16xf32>
        %parallel_loop3A_376 = arith.select %parallel_loop3A_237, %get3A_17, %parallel_loop3A_375 : vector<16xi1>, vector<16xf32>
        %parallel_loop3A_377 = arith.constant 0.000000e+00 : f32
        %parallel_loop3A_378 = vector.broadcast %parallel_loop3A_377 : f32 to vector<16xf32>
        %parallel_loop3A_379 = arith.select %parallel_loop3A_240, %get3A_33, %parallel_loop3A_378 : vector<16xi1>, vector<16xf32>
        %parallel_loop3A_380 = arith.addf %parallel_loop3A_376, %parallel_loop3A_379 : vector<16xf32>
        %parallel_loop3A_381 = arith.addf %parallel_loop3A_373, %parallel_loop3A_380 : vector<16xf32>
        %parallel_loop3A_382 = arith.index_cast %parallel_loop3A_179 : i32 to index
        %parallel_loop3A_383 = arith.constant 112 : index
        %parallel_loop3A_384 = tpu.vector_load %arg13[%parallel_loop3A_382, %parallel_loop3A_383] {strides = array<i32>} : memref<256x128xf32, #tpu.memory_space<vmem>>, vector<16xf32>,
        tpu.vector_store %arg13[%parallel_loop3A_382, %parallel_loop3A_383], %parallel_loop3A_381 {strides = array<i32>} : memref<256x128xf32, #tpu.memory_space<vmem>>, vector<16xf32>,
      } {sc.loop_unroll_factor = 8 : i64, sc.parallel_access}
      %lt3A_165 = arith.constant 15 : i32
      %lt3A_166 = arith.cmpi slt, %scan3A_121, %lt3A_165 : i32
      %convert_element_type3A_167 = arith.extui %lt3A_166 : i1 to i32
      %cond3A_168 = arith.constant 0 : i32
      %cond3A_169 = arith.cmpi ne, %convert_element_type3A_167, %cond3A_168 : i32
      scf.if %cond3A_169 {
        %add3A_179 = arith.constant 2 : i32
        %add3A_180 = arith.addi %add3A_153, %add3A_179 : i32
        %mul3A_181 = arith.constant 512 : i32
        %mul3A_182 = arith.muli %add3A_180, %mul3A_181 : i32
        %add3A_183 = arith.addi %mul3A_2, %mul3A_182 : i32
        %add3A_184 = arith.constant 0 : i32
        %add3A_185 = arith.addi %add3A_183, %add3A_184 : i32
        %dma_start3A_186 = tpu.memref_slice %arg2[%add3A_185] : memref<524288xi32, #tpu.memory_space<hbm>> -> memref<256xi32, #tpu.memory_space<hbm>>
        %dma_start3A_187 = tpu.memref_slice %arg2[%add3A_185] : memref<524288xi32, #tpu.memory_space<hbm>> -> memref<256xi32, #tpu.memory_space<hbm>>
        tpu.enqueue_dma source(%dma_start3A_187 : memref<256xi32, #tpu.memory_space<hbm>>) target(%arg9 : memref<256xi32, #tpu.memory_space<vmem>>) target_semaphore(%arg21 : memref<!tpu.dma_semaphore, #tpu.memory_space<semaphore_mem>>)
        %add3A_188 = arith.constant 2 : i32
        %add3A_189 = arith.addi %add3A_153, %add3A_188 : i32
        %mul3A_190 = arith.constant 512 : i32
        %mul3A_191 = arith.muli %add3A_189, %mul3A_190 : i32
        %add3A_192 = arith.addi %mul3A_2, %mul3A_191 : i32
        %add3A_193 = arith.constant 0 : i32
        %add3A_194 = arith.addi %add3A_192, %add3A_193 : i32
        %dma_start3A_195 = tpu.memref_slice %arg3[%add3A_194] : memref<524288xi32, #tpu.memory_space<hbm>> -> memref<256xi32, #tpu.memory_space<hbm>>
        %dma_start3A_196 = tpu.memref_slice %arg3[%add3A_194] : memref<524288xi32, #tpu.memory_space<hbm>> -> memref<256xi32, #tpu.memory_space<hbm>>
        tpu.enqueue_dma source(%dma_start3A_196 : memref<256xi32, #tpu.memory_space<hbm>>) target(%arg11 : memref<256xi32, #tpu.memory_space<vmem>>) target_semaphore(%arg21 : memref<!tpu.dma_semaphore, #tpu.memory_space<semaphore_mem>>)
      } else {
      }
      %mul3A_170 = arith.constant 512 : i32
      %mul3A_171 = arith.muli %add3A_153, %mul3A_170 : i32
      %add3A_172 = arith.addi %mul3A_2, %mul3A_171 : i32
      %add3A_173 = arith.constant 0 : i32
      %add3A_174 = arith.addi %add3A_172, %add3A_173 : i32
      %dma_start3A_175 = arith.constant 0 : i32
      %dma_start3A_176 = tpu.memref_slice %arg7[%add3A_174, %dma_start3A_175] : memref<524288x128xf32, #tpu.memory_space<hbm>> -> memref<256x128xf32, #tpu.memory_space<hbm>>
      %dma_start3A_177 = arith.constant 0 : i32
      %dma_start3A_178 = tpu.memref_slice %arg7[%add3A_174, %dma_start3A_177] : memref<524288x128xf32, #tpu.memory_space<hbm>> -> memref<256x128xf32, #tpu.memory_space<hbm>>
      tpu.enqueue_dma source(%arg13 : memref<256x128xf32, #tpu.memory_space<vmem>>) target(%dma_start3A_178 : memref<256x128xf32, #tpu.memory_space<hbm>>) target_semaphore(%arg19 : memref<!tpu.dma_semaphore, #tpu.memory_space<semaphore_mem>>)
    }
    %scan3A_60 = arith.constant 16 : i32
    %add3A_61 = arith.constant 15360 : i32
    %add3A_62 = arith.addi %mul3A_2, %add3A_61 : i32
    %add3A_63 = arith.constant 0 : i32
    %add3A_64 = arith.addi %add3A_62, %add3A_63 : i32
    %dma_wait3A = arith.constant 0 : i32
    %dma_wait3A_65 = tpu.memref_slice %arg7[%add3A_64, %dma_wait3A] : memref<524288x128xf32, #tpu.memory_space<hbm>> -> memref<256x128xf32, #tpu.memory_space<hbm>>
    %dma_wait3A_66 = arith.constant 0 : i32
    %dma_wait3A_67 = tpu.memref_slice %arg7[%add3A_64, %dma_wait3A_66] : memref<524288x128xf32, #tpu.memory_space<hbm>> -> memref<256x128xf32, #tpu.memory_space<hbm>>
    tpu.wait_dma2 semaphore(%arg18 : memref<!tpu.dma_semaphore, #tpu.memory_space<semaphore_mem>>) src(%arg12 : memref<256x128xf32, #tpu.memory_space<vmem>>) dst(%dma_wait3A_67 : memref<256x128xf32, #tpu.memory_space<hbm>>)
    %add3A_68 = arith.constant 15872 : i32
    %add3A_69 = arith.addi %mul3A_2, %add3A_68 : i32
    %add3A_70 = arith.constant 0 : i32
    %add3A_71 = arith.addi %add3A_69, %add3A_70 : i32
    %dma_wait3A_72 = arith.constant 0 : i32
    %dma_wait3A_73 = tpu.memref_slice %arg7[%add3A_71, %dma_wait3A_72] : memref<524288x128xf32, #tpu.memory_space<hbm>> -> memref<256x128xf32, #tpu.memory_space<hbm>>
    %dma_wait3A_74 = arith.constant 0 : i32
    %dma_wait3A_75 = tpu.memref_slice %arg7[%add3A_71, %dma_wait3A_74] : memref<524288x128xf32, #tpu.memory_space<hbm>> -> memref<256x128xf32, #tpu.memory_space<hbm>>
    tpu.wait_dma2 semaphore(%arg19 : memref<!tpu.dma_semaphore, #tpu.memory_space<semaphore_mem>>) src(%arg13 : memref<256x128xf32, #tpu.memory_space<vmem>>) dst(%dma_wait3A_75 : memref<256x128xf32, #tpu.memory_space<hbm>>)
    "tpu.region"() ({
      %run_scoped3A = tpu.sem_alloc : memref<!tpu.dma_semaphore, #tpu.memory_space<semaphore_mem>>
      %dma_start3A_121 = arith.constant 256 : i32
      %dma_start3A_122 = arith.constant 0 : i32
      %dma_start3A_123 = tpu.memref_slice %arg6[%dma_start3A_121, %dma_start3A_122] : memref<512x128xf32, #tpu.memory_space<hbm>> -> memref<256x128xf32, #tpu.memory_space<hbm>>
      %dma_start3A_124 = arith.constant 256 : i32
      %dma_start3A_125 = arith.constant 0 : i32
      %dma_start3A_126 = tpu.memref_slice %arg6[%dma_start3A_124, %dma_start3A_125] : memref<512x128xf32, #tpu.memory_space<hbm>> -> memref<256x128xf32, #tpu.memory_space<hbm>>
      tpu.enqueue_dma source(%dma_start3A_126 : memref<256x128xf32, #tpu.memory_space<hbm>>) target(%arg14 : memref<256x128xf32, #tpu.memory_space<vmem>>) target_semaphore(%run_scoped3A : memref<!tpu.dma_semaphore, #tpu.memory_space<semaphore_mem>>)
      %dma_wait3A_127 = arith.constant 256 : i32
      %dma_wait3A_128 = arith.constant 0 : i32
      %dma_wait3A_129 = tpu.memref_slice %arg6[%dma_wait3A_127, %dma_wait3A_128] : memref<512x128xf32, #tpu.memory_space<hbm>> -> memref<256x128xf32, #tpu.memory_space<hbm>>
      %dma_wait3A_130 = arith.constant 256 : i32
      %dma_wait3A_131 = arith.constant 0 : i32
      %dma_wait3A_132 = tpu.memref_slice %arg6[%dma_wait3A_130, %dma_wait3A_131] : memref<512x128xf32, #tpu.memory_space<hbm>> -> memref<256x128xf32, #tpu.memory_space<hbm>>
      tpu.wait_dma2 semaphore(%run_scoped3A : memref<!tpu.dma_semaphore, #tpu.memory_space<semaphore_mem>>) src(%dma_wait3A_132 : memref<256x128xf32, #tpu.memory_space<hbm>>) dst(%arg14 : memref<256x128xf32, #tpu.memory_space<vmem>>)
      tpu.yield
    }) : () -> ()
    %add3A_76 = arith.constant 0 : i32
    %add3A_77 = arith.addi %mul3A_2, %add3A_76 : i32
    %add3A_78 = arith.constant 256 : i32
    %add3A_79 = arith.addi %add3A_77, %add3A_78 : i32
    "tpu.region"() ({
      %run_scoped3A = tpu.sem_alloc : memref<!tpu.dma_semaphore, #tpu.memory_space<semaphore_mem>>
      %dma_start3A_121 = tpu.memref_slice %arg2[%add3A_79] : memref<524288xi32, #tpu.memory_space<hbm>> -> memref<256xi32, #tpu.memory_space<hbm>>
      %dma_start3A_122 = tpu.memref_slice %arg2[%add3A_79] : memref<524288xi32, #tpu.memory_space<hbm>> -> memref<256xi32, #tpu.memory_space<hbm>>
      tpu.enqueue_dma source(%dma_start3A_122 : memref<256xi32, #tpu.memory_space<hbm>>) target(%arg8 : memref<256xi32, #tpu.memory_space<vmem>>) target_semaphore(%run_scoped3A : memref<!tpu.dma_semaphore, #tpu.memory_space<semaphore_mem>>)
      %dma_wait3A_123 = tpu.memref_slice %arg2[%add3A_79] : memref<524288xi32, #tpu.memory_space<hbm>> -> memref<256xi32, #tpu.memory_space<hbm>>
      %dma_wait3A_124 = tpu.memref_slice %arg2[%add3A_79] : memref<524288xi32, #tpu.memory_space<hbm>> -> memref<256xi32, #tpu.memory_space<hbm>>
      tpu.wait_dma2 semaphore(%run_scoped3A : memref<!tpu.dma_semaphore, #tpu.memory_space<semaphore_mem>>) src(%dma_wait3A_124 : memref<256xi32, #tpu.memory_space<hbm>>) dst(%arg8 : memref<256xi32, #tpu.memory_space<vmem>>)
      tpu.yield
    }) : () -> ()
    %add3A_80 = arith.constant 0 : i32
    %add3A_81 = arith.addi %mul3A_2, %add3A_80 : i32
    %add3A_82 = arith.constant 256 : i32
    %add3A_83 = arith.addi %add3A_81, %add3A_82 : i32
    "tpu.region"() ({
      %run_scoped3A = tpu.sem_alloc : memref<!tpu.dma_semaphore, #tpu.memory_space<semaphore_mem>>
      %dma_start3A_121 = tpu.memref_slice %arg3[%add3A_83] : memref<524288xi32, #tpu.memory_space<hbm>> -> memref<256xi32, #tpu.memory_space<hbm>>
      %dma_start3A_122 = tpu.memref_slice %arg3[%add3A_83] : memref<524288xi32, #tpu.memory_space<hbm>> -> memref<256xi32, #tpu.memory_space<hbm>>
      tpu.enqueue_dma source(%dma_start3A_122 : memref<256xi32, #tpu.memory_space<hbm>>) target(%arg10 : memref<256xi32, #tpu.memory_space<vmem>>) target_semaphore(%run_scoped3A : memref<!tpu.dma_semaphore, #tpu.memory_space<semaphore_mem>>)
      %dma_wait3A_123 = tpu.memref_slice %arg3[%add3A_83] : memref<524288xi32, #tpu.memory_space<hbm>> -> memref<256xi32, #tpu.memory_space<hbm>>
      %dma_wait3A_124 = tpu.memref_slice %arg3[%add3A_83] : memref<524288xi32, #tpu.memory_space<hbm>> -> memref<256xi32, #tpu.memory_space<hbm>>
      tpu.wait_dma2 semaphore(%run_scoped3A : memref<!tpu.dma_semaphore, #tpu.memory_space<semaphore_mem>>) src(%dma_wait3A_124 : memref<256xi32, #tpu.memory_space<hbm>>) dst(%arg10 : memref<256xi32, #tpu.memory_space<vmem>>)
      tpu.yield
    }) : () -> ()
    %dma_start3A_84 = arith.constant 0 : i32
    %dma_start3A_85 = arith.constant 0 : i32
    %dma_start3A_86 = tpu.memref_slice %arg4[%dma_start3A_84, %dma_start3A_85] : memref<100000x128xf32, #tpu.memory_space<hbm>> -> memref<100000x128xf32, #tpu.memory_space<hbm>>
    tpu.enqueue_indirect_dma source(%dma_start3A_86 : memref<100000x128xf32, #tpu.memory_space<hbm>>) target(%arg12 : memref<256x128xf32, #tpu.memory_space<vmem>>) offsets(%arg8 : memref<256xi32, #tpu.memory_space<vmem>>) semaphore(%arg16 : memref<!tpu.dma_semaphore, #tpu.memory_space<semaphore_mem>>)
    %add3A_87 = arith.constant 512 : i32
    %add3A_88 = arith.addi %mul3A_2, %add3A_87 : i32
    %add3A_89 = arith.constant 256 : i32
    %add3A_90 = arith.addi %add3A_88, %add3A_89 : i32
    %dma_start3A_91 = tpu.memref_slice %arg2[%add3A_90] : memref<524288xi32, #tpu.memory_space<hbm>> -> memref<256xi32, #tpu.memory_space<hbm>>
    %dma_start3A_92 = tpu.memref_slice %arg2[%add3A_90] : memref<524288xi32, #tpu.memory_space<hbm>> -> memref<256xi32, #tpu.memory_space<hbm>>
    tpu.enqueue_dma source(%dma_start3A_92 : memref<256xi32, #tpu.memory_space<hbm>>) target(%arg9 : memref<256xi32, #tpu.memory_space<vmem>>) target_semaphore(%arg21 : memref<!tpu.dma_semaphore, #tpu.memory_space<semaphore_mem>>)
    %add3A_93 = arith.constant 512 : i32
    %add3A_94 = arith.addi %mul3A_2, %add3A_93 : i32
    %add3A_95 = arith.constant 256 : i32
    %add3A_96 = arith.addi %add3A_94, %add3A_95 : i32
    %dma_start3A_97 = tpu.memref_slice %arg3[%add3A_96] : memref<524288xi32, #tpu.memory_space<hbm>> -> memref<256xi32, #tpu.memory_space<hbm>>
    %dma_start3A_98 = tpu.memref_slice %arg3[%add3A_96] : memref<524288xi32, #tpu.memory_space<hbm>> -> memref<256xi32, #tpu.memory_space<hbm>>
    tpu.enqueue_dma source(%dma_start3A_98 : memref<256xi32, #tpu.memory_space<hbm>>) target(%arg11 : memref<256xi32, #tpu.memory_space<vmem>>) target_semaphore(%arg21 : memref<!tpu.dma_semaphore, #tpu.memory_space<semaphore_mem>>)
    %scan3A_99 = arith.constant 0 : i32
    %scan3A_100 = arith.constant 0 : i32
    %scan3A_101 = arith.constant 16 : i32
    %scan3A_102 = arith.addi %scan3A_100, %scan3A_101 : i32
    %scan3A_103 = arith.constant 1 : i32
    scf.for %scan3A_121 = %scan3A_100 to %scan3A_102 step %scan3A_103  : i32 {
      %mul3A_122 = arith.constant 2 : i32
      %mul3A_123 = arith.muli %scan3A_121, %mul3A_122 : i32
      %add3A_124 = arith.constant 0 : i32
      %add3A_125 = arith.addi %mul3A_123, %add3A_124 : i32
      %dma_wait3A_126 = arith.constant 0 : i32
      %dma_wait3A_127 = arith.constant 0 : i32
      %dma_wait3A_128 = tpu.memref_slice %arg4[%dma_wait3A_126, %dma_wait3A_127] : memref<100000x128xf32, #tpu.memory_space<hbm>> -> memref<100000x128xf32, #tpu.memory_space<hbm>>
      tpu.wait_indirect_dma semaphore(%arg16 : memref<!tpu.dma_semaphore, #tpu.memory_space<semaphore_mem>>) src(%dma_wait3A_128 : memref<100000x128xf32, #tpu.memory_space<hbm>>) dst(%arg12 : memref<256x128xf32, #tpu.memory_space<vmem>>)
      %eq3A = arith.constant 0 : i32
      %eq3A_129 = arith.cmpi eq, %scan3A_121, %eq3A : i32
      %convert_element_type3A = arith.extui %eq3A_129 : i1 to i32
      %cond3A = arith.constant 0 : i32
      %cond3A_130 = arith.cmpi ne, %convert_element_type3A, %cond3A : i32
      scf.if %cond3A_130 {
        %add3A_179 = arith.constant 1 : i32
        %add3A_180 = arith.addi %add3A_125, %add3A_179 : i32
        %mul3A_181 = arith.constant 512 : i32
        %mul3A_182 = arith.muli %add3A_180, %mul3A_181 : i32
        %add3A_183 = arith.addi %mul3A_2, %mul3A_182 : i32
        %add3A_184 = arith.constant 256 : i32
        %add3A_185 = arith.addi %add3A_183, %add3A_184 : i32
        %dma_wait3A_186 = tpu.memref_slice %arg2[%add3A_185] : memref<524288xi32, #tpu.memory_space<hbm>> -> memref<256xi32, #tpu.memory_space<hbm>>
        %dma_wait3A_187 = tpu.memref_slice %arg2[%add3A_185] : memref<524288xi32, #tpu.memory_space<hbm>> -> memref<256xi32, #tpu.memory_space<hbm>>
        tpu.wait_dma2 semaphore(%arg21 : memref<!tpu.dma_semaphore, #tpu.memory_space<semaphore_mem>>) src(%dma_wait3A_187 : memref<256xi32, #tpu.memory_space<hbm>>) dst(%arg9 : memref<256xi32, #tpu.memory_space<vmem>>)
        %add3A_188 = arith.constant 1 : i32
        %add3A_189 = arith.addi %add3A_125, %add3A_188 : i32
        %mul3A_190 = arith.constant 512 : i32
        %mul3A_191 = arith.muli %add3A_189, %mul3A_190 : i32
        %add3A_192 = arith.addi %mul3A_2, %mul3A_191 : i32
        %add3A_193 = arith.constant 256 : i32
        %add3A_194 = arith.addi %add3A_192, %add3A_193 : i32
        %dma_wait3A_195 = tpu.memref_slice %arg3[%add3A_194] : memref<524288xi32, #tpu.memory_space<hbm>> -> memref<256xi32, #tpu.memory_space<hbm>>
        %dma_wait3A_196 = tpu.memref_slice %arg3[%add3A_194] : memref<524288xi32, #tpu.memory_space<hbm>> -> memref<256xi32, #tpu.memory_space<hbm>>
        tpu.wait_dma2 semaphore(%arg21 : memref<!tpu.dma_semaphore, #tpu.memory_space<semaphore_mem>>) src(%dma_wait3A_196 : memref<256xi32, #tpu.memory_space<hbm>>) dst(%arg11 : memref<256xi32, #tpu.memory_space<vmem>>)
        %dma_start3A_197 = arith.constant 0 : i32
        %dma_start3A_198 = arith.constant 0 : i32
        %dma_start3A_199 = tpu.memref_slice %arg4[%dma_start3A_197, %dma_start3A_198] : memref<100000x128xf32, #tpu.memory_space<hbm>> -> memref<100000x128xf32, #tpu.memory_space<hbm>>
        tpu.enqueue_indirect_dma source(%dma_start3A_199 : memref<100000x128xf32, #tpu.memory_space<hbm>>) target(%arg13 : memref<256x128xf32, #tpu.memory_space<vmem>>) offsets(%arg9 : memref<256xi32, #tpu.memory_space<vmem>>) semaphore(%arg17 : memref<!tpu.dma_semaphore, #tpu.memory_space<semaphore_mem>>)
      } else {
      }
      %gt3A = arith.constant 0 : i32
      %gt3A_131 = arith.cmpi sgt, %scan3A_121, %gt3A : i32
      %convert_element_type3A_132 = arith.extui %gt3A_131 : i1 to i32
      %cond3A_133 = arith.constant 0 : i32
      %cond3A_134 = arith.cmpi ne, %convert_element_type3A_132, %cond3A_133 : i32
      scf.if %cond3A_134 {
        %sub3A = arith.constant 1 : i32
        %sub3A_179 = arith.subi %add3A_125, %sub3A : i32
        %mul3A_180 = arith.constant 512 : i32
        %mul3A_181 = arith.muli %sub3A_179, %mul3A_180 : i32
        %add3A_182 = arith.addi %mul3A_2, %mul3A_181 : i32
        %add3A_183 = arith.constant 256 : i32
        %add3A_184 = arith.addi %add3A_182, %add3A_183 : i32
        %dma_wait3A_185 = arith.constant 0 : i32
        %dma_wait3A_186 = tpu.memref_slice %arg7[%add3A_184, %dma_wait3A_185] : memref<524288x128xf32, #tpu.memory_space<hbm>> -> memref<256x128xf32, #tpu.memory_space<hbm>>
        %dma_wait3A_187 = arith.constant 0 : i32
        %dma_wait3A_188 = tpu.memref_slice %arg7[%add3A_184, %dma_wait3A_187] : memref<524288x128xf32, #tpu.memory_space<hbm>> -> memref<256x128xf32, #tpu.memory_space<hbm>>
        tpu.wait_dma2 semaphore(%arg19 : memref<!tpu.dma_semaphore, #tpu.memory_space<semaphore_mem>>) src(%arg13 : memref<256x128xf32, #tpu.memory_space<vmem>>) dst(%dma_wait3A_188 : memref<256x128xf32, #tpu.memory_space<hbm>>)
        %add3A_189 = arith.constant 1 : i32
        %add3A_190 = arith.addi %add3A_125, %add3A_189 : i32
        %mul3A_191 = arith.constant 512 : i32
        %mul3A_192 = arith.muli %add3A_190, %mul3A_191 : i32
        %add3A_193 = arith.addi %mul3A_2, %mul3A_192 : i32
        %add3A_194 = arith.constant 256 : i32
        %add3A_195 = arith.addi %add3A_193, %add3A_194 : i32
        %dma_wait3A_196 = tpu.memref_slice %arg2[%add3A_195] : memref<524288xi32, #tpu.memory_space<hbm>> -> memref<256xi32, #tpu.memory_space<hbm>>
        %dma_wait3A_197 = tpu.memref_slice %arg2[%add3A_195] : memref<524288xi32, #tpu.memory_space<hbm>> -> memref<256xi32, #tpu.memory_space<hbm>>
        tpu.wait_dma2 semaphore(%arg21 : memref<!tpu.dma_semaphore, #tpu.memory_space<semaphore_mem>>) src(%dma_wait3A_197 : memref<256xi32, #tpu.memory_space<hbm>>) dst(%arg9 : memref<256xi32, #tpu.memory_space<vmem>>)
        %add3A_198 = arith.constant 1 : i32
        %add3A_199 = arith.addi %add3A_125, %add3A_198 : i32
        %mul3A_200 = arith.constant 512 : i32
        %mul3A_201 = arith.muli %add3A_199, %mul3A_200 : i32
        %add3A_202 = arith.addi %mul3A_2, %mul3A_201 : i32
        %add3A_203 = arith.constant 256 : i32
        %add3A_204 = arith.addi %add3A_202, %add3A_203 : i32
        %dma_wait3A_205 = tpu.memref_slice %arg3[%add3A_204] : memref<524288xi32, #tpu.memory_space<hbm>> -> memref<256xi32, #tpu.memory_space<hbm>>
        %dma_wait3A_206 = tpu.memref_slice %arg3[%add3A_204] : memref<524288xi32, #tpu.memory_space<hbm>> -> memref<256xi32, #tpu.memory_space<hbm>>
        tpu.wait_dma2 semaphore(%arg21 : memref<!tpu.dma_semaphore, #tpu.memory_space<semaphore_mem>>) src(%dma_wait3A_206 : memref<256xi32, #tpu.memory_space<hbm>>) dst(%arg11 : memref<256xi32, #tpu.memory_space<vmem>>)
        %dma_start3A_207 = arith.constant 0 : i32
        %dma_start3A_208 = arith.constant 0 : i32
        %dma_start3A_209 = tpu.memref_slice %arg4[%dma_start3A_207, %dma_start3A_208] : memref<100000x128xf32, #tpu.memory_space<hbm>> -> memref<100000x128xf32, #tpu.memory_space<hbm>>
        tpu.enqueue_indirect_dma source(%dma_start3A_209 : memref<100000x128xf32, #tpu.memory_space<hbm>>) target(%arg13 : memref<256x128xf32, #tpu.memory_space<vmem>>) offsets(%arg9 : memref<256xi32, #tpu.memory_space<vmem>>) semaphore(%arg17 : memref<!tpu.dma_semaphore, #tpu.memory_space<semaphore_mem>>)
      } else {
      }
      %parallel_loop3A = arith.constant 0 : i32
      %parallel_loop3A_135 = arith.constant 256 : i32
      %parallel_loop3A_136 = arith.constant 1 : i32
      scf.for %parallel_loop3A_179 = %parallel_loop3A to %parallel_loop3A_135 step %parallel_loop3A_136  : i32 {
        %parallel_loop3A_180 = arith.constant 16 : i32
        %parallel_loop3A_181 = arith.divsi %parallel_loop3A_179, %parallel_loop3A_180 : i32
        %parallel_loop3A_182 = arith.constant 0 : i32
        %parallel_loop3A_183 = arith.cmpi sgt, %parallel_loop3A_179, %parallel_loop3A_182 : i32
        %parallel_loop3A_184 = arith.extui %parallel_loop3A_183 : i1 to i32
        %parallel_loop3A_185 = arith.constant 0 : i32
        %parallel_loop3A_186 = arith.cmpi slt, %parallel_loop3A_179, %parallel_loop3A_185 : i32
        %parallel_loop3A_187 = arith.extui %parallel_loop3A_186 : i1 to i32
        %parallel_loop3A_188 = arith.subi %parallel_loop3A_184, %parallel_loop3A_187 : i32
        %parallel_loop3A_189 = arith.constant 0 : i32
        %parallel_loop3A_190 = arith.cmpi sgt, %parallel_loop3A_180, %parallel_loop3A_189 : i32
        %parallel_loop3A_191 = arith.extui %parallel_loop3A_190 : i1 to i32
        %parallel_loop3A_192 = arith.constant 0 : i32
        %parallel_loop3A_193 = arith.cmpi slt, %parallel_loop3A_180, %parallel_loop3A_192 : i32
        %parallel_loop3A_194 = arith.extui %parallel_loop3A_193 : i1 to i32
        %parallel_loop3A_195 = arith.subi %parallel_loop3A_191, %parallel_loop3A_194 : i32
        %parallel_loop3A_196 = arith.cmpi ne, %parallel_loop3A_188, %parallel_loop3A_195 : i32
        %parallel_loop3A_197 = arith.remsi %parallel_loop3A_179, %parallel_loop3A_180 : i32
        %parallel_loop3A_198 = arith.constant 0 : i32
        %parallel_loop3A_199 = arith.cmpi ne, %parallel_loop3A_197, %parallel_loop3A_198 : i32
        %parallel_loop3A_200 = arith.andi %parallel_loop3A_196, %parallel_loop3A_199 : i1
        %parallel_loop3A_201 = arith.constant 1 : i32
        %parallel_loop3A_202 = arith.subi %parallel_loop3A_181, %parallel_loop3A_201 : i32
        %parallel_loop3A_203 = arith.select %parallel_loop3A_200, %parallel_loop3A_202, %parallel_loop3A_181 : i32
        %parallel_loop3A_204 = arith.constant 16 : i32
        %parallel_loop3A_205 = arith.constant 0 : i32
        %parallel_loop3A_206 = arith.cmpi eq, %parallel_loop3A_204, %parallel_loop3A_205 : i32
        %parallel_loop3A_207 = arith.constant 1 : i32
        %parallel_loop3A_208 = arith.select %parallel_loop3A_206, %parallel_loop3A_207, %parallel_loop3A_204 : i32
        %parallel_loop3A_209 = arith.remsi %parallel_loop3A_179, %parallel_loop3A_208 : i32
        %parallel_loop3A_210 = arith.constant 0 : i32
        %parallel_loop3A_211 = arith.cmpi ne, %parallel_loop3A_209, %parallel_loop3A_210 : i32
        %parallel_loop3A_212 = arith.constant 0 : i32
        %parallel_loop3A_213 = arith.cmpi slt, %parallel_loop3A_209, %parallel_loop3A_212 : i32
        %parallel_loop3A_214 = arith.constant 0 : i32
        %parallel_loop3A_215 = arith.cmpi slt, %parallel_loop3A_208, %parallel_loop3A_214 : i32
        %parallel_loop3A_216 = arith.xori %parallel_loop3A_213, %parallel_loop3A_215 : i1
        %parallel_loop3A_217 = arith.andi %parallel_loop3A_216, %parallel_loop3A_211 : i1
        %parallel_loop3A_218 = arith.addi %parallel_loop3A_209, %parallel_loop3A_208 : i32
        %parallel_loop3A_219 = arith.select %parallel_loop3A_217, %parallel_loop3A_218, %parallel_loop3A_209 : i32
        %parallel_loop3A_220 = arith.constant 16 : i32
        %parallel_loop3A_221 = arith.muli %parallel_loop3A_203, %parallel_loop3A_220 : i32
        %parallel_loop3A_222 = arith.index_cast %parallel_loop3A_221 : i32 to index
        %parallel_loop3A_223 = tpu.vector_load %arg10[%parallel_loop3A_222] {strides = array<i32>} : memref<256xi32, #tpu.memory_space<vmem>>, vector<16xi32>,
        %parallel_loop3A_224 = vector.broadcast %parallel_loop3A_219 : i32 to vector<16xi32>
        %parallel_loop3A_225 = arith.constant 0 : i32
        %parallel_loop3A_226 = vector.broadcast %parallel_loop3A_225 : i32 to vector<16xi32>
        %parallel_loop3A_227 = arith.cmpi slt, %parallel_loop3A_224, %parallel_loop3A_226 : vector<16xi32>
        %parallel_loop3A_228 = arith.constant 16 : i32
        %parallel_loop3A_229 = vector.broadcast %parallel_loop3A_228 : i32 to vector<16xi32>
        %parallel_loop3A_230 = arith.addi %parallel_loop3A_224, %parallel_loop3A_229 : vector<16xi32>
        %parallel_loop3A_231 = arith.select %parallel_loop3A_227, %parallel_loop3A_230, %parallel_loop3A_224 : vector<16xi1>, vector<16xi32>
        %parallel_loop3A_232 = vector.shape_cast %parallel_loop3A_231 : vector<16xi32> to vector<16x1xi32>
        %parallel_loop3A_233 = vector.shape_cast %parallel_loop3A_232 : vector<16x1xi32> to vector<16xi32>
        %parallel_loop3A_234 = tpu.dynamic_gather %parallel_loop3A_223[%parallel_loop3A_233] in [0] : vector<16xi32>, vector<16xi32> -> vector<16xi32>
        %parallel_loop3A_235 = arith.constant 1 : i32
        %parallel_loop3A_236 = vector.broadcast %parallel_loop3A_235 : i32 to vector<16xi32>
        %parallel_loop3A_237 = arith.cmpi eq, %parallel_loop3A_234, %parallel_loop3A_236 : vector<16xi32>
        %parallel_loop3A_238 = arith.constant 2 : i32
        %parallel_loop3A_239 = vector.broadcast %parallel_loop3A_238 : i32 to vector<16xi32>
        %parallel_loop3A_240 = arith.cmpi eq, %parallel_loop3A_234, %parallel_loop3A_239 : vector<16xi32>
        %parallel_loop3A_241 = arith.index_cast %parallel_loop3A_179 : i32 to index
        %parallel_loop3A_242 = arith.constant 0 : index
        %parallel_loop3A_243 = tpu.vector_load %arg12[%parallel_loop3A_241, %parallel_loop3A_242] {strides = array<i32>} : memref<256x128xf32, #tpu.memory_space<vmem>>, vector<16xf32>,
        %parallel_loop3A_244 = arith.index_cast %parallel_loop3A_179 : i32 to index
        %parallel_loop3A_245 = arith.constant 0 : index
        %parallel_loop3A_246 = tpu.vector_load %arg14[%parallel_loop3A_244, %parallel_loop3A_245] {strides = array<i32>} : memref<256x128xf32, #tpu.memory_space<vmem>>, vector<16xf32>,
        %parallel_loop3A_247 = arith.addf %parallel_loop3A_243, %parallel_loop3A_246 : vector<16xf32>
        %parallel_loop3A_248 = arith.constant 0.000000e+00 : f32
        %parallel_loop3A_249 = vector.broadcast %parallel_loop3A_248 : f32 to vector<16xf32>
        %parallel_loop3A_250 = arith.select %parallel_loop3A_237, %get3A_3, %parallel_loop3A_249 : vector<16xi1>, vector<16xf32>
        %parallel_loop3A_251 = arith.constant 0.000000e+00 : f32
        %parallel_loop3A_252 = vector.broadcast %parallel_loop3A_251 : f32 to vector<16xf32>
        %parallel_loop3A_253 = arith.select %parallel_loop3A_240, %get3A_19, %parallel_loop3A_252 : vector<16xi1>, vector<16xf32>
        %parallel_loop3A_254 = arith.addf %parallel_loop3A_250, %parallel_loop3A_253 : vector<16xf32>
        %parallel_loop3A_255 = arith.addf %parallel_loop3A_247, %parallel_loop3A_254 : vector<16xf32>
        %parallel_loop3A_256 = arith.index_cast %parallel_loop3A_179 : i32 to index
        %parallel_loop3A_257 = arith.constant 0 : index
        %parallel_loop3A_258 = tpu.vector_load %arg12[%parallel_loop3A_256, %parallel_loop3A_257] {strides = array<i32>} : memref<256x128xf32, #tpu.memory_space<vmem>>, vector<16xf32>,
        tpu.vector_store %arg12[%parallel_loop3A_256, %parallel_loop3A_257], %parallel_loop3A_255 {strides = array<i32>} : memref<256x128xf32, #tpu.memory_space<vmem>>, vector<16xf32>,
        %parallel_loop3A_259 = arith.index_cast %parallel_loop3A_179 : i32 to index
        %parallel_loop3A_260 = arith.constant 16 : index
        %parallel_loop3A_261 = tpu.vector_load %arg12[%parallel_loop3A_259, %parallel_loop3A_260] {strides = array<i32>} : memref<256x128xf32, #tpu.memory_space<vmem>>, vector<16xf32>,
        %parallel_loop3A_262 = arith.index_cast %parallel_loop3A_179 : i32 to index
        %parallel_loop3A_263 = arith.constant 16 : index
        %parallel_loop3A_264 = tpu.vector_load %arg14[%parallel_loop3A_262, %parallel_loop3A_263] {strides = array<i32>} : memref<256x128xf32, #tpu.memory_space<vmem>>, vector<16xf32>,
        %parallel_loop3A_265 = arith.addf %parallel_loop3A_261, %parallel_loop3A_264 : vector<16xf32>
        %parallel_loop3A_266 = arith.constant 0.000000e+00 : f32
        %parallel_loop3A_267 = vector.broadcast %parallel_loop3A_266 : f32 to vector<16xf32>
        %parallel_loop3A_268 = arith.select %parallel_loop3A_237, %get3A_5, %parallel_loop3A_267 : vector<16xi1>, vector<16xf32>
        %parallel_loop3A_269 = arith.constant 0.000000e+00 : f32
        %parallel_loop3A_270 = vector.broadcast %parallel_loop3A_269 : f32 to vector<16xf32>
        %parallel_loop3A_271 = arith.select %parallel_loop3A_240, %get3A_21, %parallel_loop3A_270 : vector<16xi1>, vector<16xf32>
        %parallel_loop3A_272 = arith.addf %parallel_loop3A_268, %parallel_loop3A_271 : vector<16xf32>
        %parallel_loop3A_273 = arith.addf %parallel_loop3A_265, %parallel_loop3A_272 : vector<16xf32>
        %parallel_loop3A_274 = arith.index_cast %parallel_loop3A_179 : i32 to index
        %parallel_loop3A_275 = arith.constant 16 : index
        %parallel_loop3A_276 = tpu.vector_load %arg12[%parallel_loop3A_274, %parallel_loop3A_275] {strides = array<i32>} : memref<256x128xf32, #tpu.memory_space<vmem>>, vector<16xf32>,
        tpu.vector_store %arg12[%parallel_loop3A_274, %parallel_loop3A_275], %parallel_loop3A_273 {strides = array<i32>} : memref<256x128xf32, #tpu.memory_space<vmem>>, vector<16xf32>,
        %parallel_loop3A_277 = arith.index_cast %parallel_loop3A_179 : i32 to index
        %parallel_loop3A_278 = arith.constant 32 : index
        %parallel_loop3A_279 = tpu.vector_load %arg12[%parallel_loop3A_277, %parallel_loop3A_278] {strides = array<i32>} : memref<256x128xf32, #tpu.memory_space<vmem>>, vector<16xf32>,
        %parallel_loop3A_280 = arith.index_cast %parallel_loop3A_179 : i32 to index
        %parallel_loop3A_281 = arith.constant 32 : index
        %parallel_loop3A_282 = tpu.vector_load %arg14[%parallel_loop3A_280, %parallel_loop3A_281] {strides = array<i32>} : memref<256x128xf32, #tpu.memory_space<vmem>>, vector<16xf32>,
        %parallel_loop3A_283 = arith.addf %parallel_loop3A_279, %parallel_loop3A_282 : vector<16xf32>
        %parallel_loop3A_284 = arith.constant 0.000000e+00 : f32
        %parallel_loop3A_285 = vector.broadcast %parallel_loop3A_284 : f32 to vector<16xf32>
        %parallel_loop3A_286 = arith.select %parallel_loop3A_237, %get3A_7, %parallel_loop3A_285 : vector<16xi1>, vector<16xf32>
        %parallel_loop3A_287 = arith.constant 0.000000e+00 : f32
        %parallel_loop3A_288 = vector.broadcast %parallel_loop3A_287 : f32 to vector<16xf32>
        %parallel_loop3A_289 = arith.select %parallel_loop3A_240, %get3A_23, %parallel_loop3A_288 : vector<16xi1>, vector<16xf32>
        %parallel_loop3A_290 = arith.addf %parallel_loop3A_286, %parallel_loop3A_289 : vector<16xf32>
        %parallel_loop3A_291 = arith.addf %parallel_loop3A_283, %parallel_loop3A_290 : vector<16xf32>
        %parallel_loop3A_292 = arith.index_cast %parallel_loop3A_179 : i32 to index
        %parallel_loop3A_293 = arith.constant 32 : index
        %parallel_loop3A_294 = tpu.vector_load %arg12[%parallel_loop3A_292, %parallel_loop3A_293] {strides = array<i32>} : memref<256x128xf32, #tpu.memory_space<vmem>>, vector<16xf32>,
        tpu.vector_store %arg12[%parallel_loop3A_292, %parallel_loop3A_293], %parallel_loop3A_291 {strides = array<i32>} : memref<256x128xf32, #tpu.memory_space<vmem>>, vector<16xf32>,
        %parallel_loop3A_295 = arith.index_cast %parallel_loop3A_179 : i32 to index
        %parallel_loop3A_296 = arith.constant 48 : index
        %parallel_loop3A_297 = tpu.vector_load %arg12[%parallel_loop3A_295, %parallel_loop3A_296] {strides = array<i32>} : memref<256x128xf32, #tpu.memory_space<vmem>>, vector<16xf32>,
        %parallel_loop3A_298 = arith.index_cast %parallel_loop3A_179 : i32 to index
        %parallel_loop3A_299 = arith.constant 48 : index
        %parallel_loop3A_300 = tpu.vector_load %arg14[%parallel_loop3A_298, %parallel_loop3A_299] {strides = array<i32>} : memref<256x128xf32, #tpu.memory_space<vmem>>, vector<16xf32>,
        %parallel_loop3A_301 = arith.addf %parallel_loop3A_297, %parallel_loop3A_300 : vector<16xf32>
        %parallel_loop3A_302 = arith.constant 0.000000e+00 : f32
        %parallel_loop3A_303 = vector.broadcast %parallel_loop3A_302 : f32 to vector<16xf32>
        %parallel_loop3A_304 = arith.select %parallel_loop3A_237, %get3A_9, %parallel_loop3A_303 : vector<16xi1>, vector<16xf32>
        %parallel_loop3A_305 = arith.constant 0.000000e+00 : f32
        %parallel_loop3A_306 = vector.broadcast %parallel_loop3A_305 : f32 to vector<16xf32>
        %parallel_loop3A_307 = arith.select %parallel_loop3A_240, %get3A_25, %parallel_loop3A_306 : vector<16xi1>, vector<16xf32>
        %parallel_loop3A_308 = arith.addf %parallel_loop3A_304, %parallel_loop3A_307 : vector<16xf32>
        %parallel_loop3A_309 = arith.addf %parallel_loop3A_301, %parallel_loop3A_308 : vector<16xf32>
        %parallel_loop3A_310 = arith.index_cast %parallel_loop3A_179 : i32 to index
        %parallel_loop3A_311 = arith.constant 48 : index
        %parallel_loop3A_312 = tpu.vector_load %arg12[%parallel_loop3A_310, %parallel_loop3A_311] {strides = array<i32>} : memref<256x128xf32, #tpu.memory_space<vmem>>, vector<16xf32>,
        tpu.vector_store %arg12[%parallel_loop3A_310, %parallel_loop3A_311], %parallel_loop3A_309 {strides = array<i32>} : memref<256x128xf32, #tpu.memory_space<vmem>>, vector<16xf32>,
        %parallel_loop3A_313 = arith.index_cast %parallel_loop3A_179 : i32 to index
        %parallel_loop3A_314 = arith.constant 64 : index
        %parallel_loop3A_315 = tpu.vector_load %arg12[%parallel_loop3A_313, %parallel_loop3A_314] {strides = array<i32>} : memref<256x128xf32, #tpu.memory_space<vmem>>, vector<16xf32>,
        %parallel_loop3A_316 = arith.index_cast %parallel_loop3A_179 : i32 to index
        %parallel_loop3A_317 = arith.constant 64 : index
        %parallel_loop3A_318 = tpu.vector_load %arg14[%parallel_loop3A_316, %parallel_loop3A_317] {strides = array<i32>} : memref<256x128xf32, #tpu.memory_space<vmem>>, vector<16xf32>,
        %parallel_loop3A_319 = arith.addf %parallel_loop3A_315, %parallel_loop3A_318 : vector<16xf32>
        %parallel_loop3A_320 = arith.constant 0.000000e+00 : f32
        %parallel_loop3A_321 = vector.broadcast %parallel_loop3A_320 : f32 to vector<16xf32>
        %parallel_loop3A_322 = arith.select %parallel_loop3A_237, %get3A_11, %parallel_loop3A_321 : vector<16xi1>, vector<16xf32>
        %parallel_loop3A_323 = arith.constant 0.000000e+00 : f32
        %parallel_loop3A_324 = vector.broadcast %parallel_loop3A_323 : f32 to vector<16xf32>
        %parallel_loop3A_325 = arith.select %parallel_loop3A_240, %get3A_27, %parallel_loop3A_324 : vector<16xi1>, vector<16xf32>
        %parallel_loop3A_326 = arith.addf %parallel_loop3A_322, %parallel_loop3A_325 : vector<16xf32>
        %parallel_loop3A_327 = arith.addf %parallel_loop3A_319, %parallel_loop3A_326 : vector<16xf32>
        %parallel_loop3A_328 = arith.index_cast %parallel_loop3A_179 : i32 to index
        %parallel_loop3A_329 = arith.constant 64 : index
        %parallel_loop3A_330 = tpu.vector_load %arg12[%parallel_loop3A_328, %parallel_loop3A_329] {strides = array<i32>} : memref<256x128xf32, #tpu.memory_space<vmem>>, vector<16xf32>,
        tpu.vector_store %arg12[%parallel_loop3A_328, %parallel_loop3A_329], %parallel_loop3A_327 {strides = array<i32>} : memref<256x128xf32, #tpu.memory_space<vmem>>, vector<16xf32>,
        %parallel_loop3A_331 = arith.index_cast %parallel_loop3A_179 : i32 to index
        %parallel_loop3A_332 = arith.constant 80 : index
        %parallel_loop3A_333 = tpu.vector_load %arg12[%parallel_loop3A_331, %parallel_loop3A_332] {strides = array<i32>} : memref<256x128xf32, #tpu.memory_space<vmem>>, vector<16xf32>,
        %parallel_loop3A_334 = arith.index_cast %parallel_loop3A_179 : i32 to index
        %parallel_loop3A_335 = arith.constant 80 : index
        %parallel_loop3A_336 = tpu.vector_load %arg14[%parallel_loop3A_334, %parallel_loop3A_335] {strides = array<i32>} : memref<256x128xf32, #tpu.memory_space<vmem>>, vector<16xf32>,
        %parallel_loop3A_337 = arith.addf %parallel_loop3A_333, %parallel_loop3A_336 : vector<16xf32>
        %parallel_loop3A_338 = arith.constant 0.000000e+00 : f32
        %parallel_loop3A_339 = vector.broadcast %parallel_loop3A_338 : f32 to vector<16xf32>
        %parallel_loop3A_340 = arith.select %parallel_loop3A_237, %get3A_13, %parallel_loop3A_339 : vector<16xi1>, vector<16xf32>
        %parallel_loop3A_341 = arith.constant 0.000000e+00 : f32
        %parallel_loop3A_342 = vector.broadcast %parallel_loop3A_341 : f32 to vector<16xf32>
        %parallel_loop3A_343 = arith.select %parallel_loop3A_240, %get3A_29, %parallel_loop3A_342 : vector<16xi1>, vector<16xf32>
        %parallel_loop3A_344 = arith.addf %parallel_loop3A_340, %parallel_loop3A_343 : vector<16xf32>
        %parallel_loop3A_345 = arith.addf %parallel_loop3A_337, %parallel_loop3A_344 : vector<16xf32>
        %parallel_loop3A_346 = arith.index_cast %parallel_loop3A_179 : i32 to index
        %parallel_loop3A_347 = arith.constant 80 : index
        %parallel_loop3A_348 = tpu.vector_load %arg12[%parallel_loop3A_346, %parallel_loop3A_347] {strides = array<i32>} : memref<256x128xf32, #tpu.memory_space<vmem>>, vector<16xf32>,
        tpu.vector_store %arg12[%parallel_loop3A_346, %parallel_loop3A_347], %parallel_loop3A_345 {strides = array<i32>} : memref<256x128xf32, #tpu.memory_space<vmem>>, vector<16xf32>,
        %parallel_loop3A_349 = arith.index_cast %parallel_loop3A_179 : i32 to index
        %parallel_loop3A_350 = arith.constant 96 : index
        %parallel_loop3A_351 = tpu.vector_load %arg12[%parallel_loop3A_349, %parallel_loop3A_350] {strides = array<i32>} : memref<256x128xf32, #tpu.memory_space<vmem>>, vector<16xf32>,
        %parallel_loop3A_352 = arith.index_cast %parallel_loop3A_179 : i32 to index
        %parallel_loop3A_353 = arith.constant 96 : index
        %parallel_loop3A_354 = tpu.vector_load %arg14[%parallel_loop3A_352, %parallel_loop3A_353] {strides = array<i32>} : memref<256x128xf32, #tpu.memory_space<vmem>>, vector<16xf32>,
        %parallel_loop3A_355 = arith.addf %parallel_loop3A_351, %parallel_loop3A_354 : vector<16xf32>
        %parallel_loop3A_356 = arith.constant 0.000000e+00 : f32
        %parallel_loop3A_357 = vector.broadcast %parallel_loop3A_356 : f32 to vector<16xf32>
        %parallel_loop3A_358 = arith.select %parallel_loop3A_237, %get3A_15, %parallel_loop3A_357 : vector<16xi1>, vector<16xf32>
        %parallel_loop3A_359 = arith.constant 0.000000e+00 : f32
        %parallel_loop3A_360 = vector.broadcast %parallel_loop3A_359 : f32 to vector<16xf32>
        %parallel_loop3A_361 = arith.select %parallel_loop3A_240, %get3A_31, %parallel_loop3A_360 : vector<16xi1>, vector<16xf32>
        %parallel_loop3A_362 = arith.addf %parallel_loop3A_358, %parallel_loop3A_361 : vector<16xf32>
        %parallel_loop3A_363 = arith.addf %parallel_loop3A_355, %parallel_loop3A_362 : vector<16xf32>
        %parallel_loop3A_364 = arith.index_cast %parallel_loop3A_179 : i32 to index
        %parallel_loop3A_365 = arith.constant 96 : index
        %parallel_loop3A_366 = tpu.vector_load %arg12[%parallel_loop3A_364, %parallel_loop3A_365] {strides = array<i32>} : memref<256x128xf32, #tpu.memory_space<vmem>>, vector<16xf32>,
        tpu.vector_store %arg12[%parallel_loop3A_364, %parallel_loop3A_365], %parallel_loop3A_363 {strides = array<i32>} : memref<256x128xf32, #tpu.memory_space<vmem>>, vector<16xf32>,
        %parallel_loop3A_367 = arith.index_cast %parallel_loop3A_179 : i32 to index
        %parallel_loop3A_368 = arith.constant 112 : index
        %parallel_loop3A_369 = tpu.vector_load %arg12[%parallel_loop3A_367, %parallel_loop3A_368] {strides = array<i32>} : memref<256x128xf32, #tpu.memory_space<vmem>>, vector<16xf32>,
        %parallel_loop3A_370 = arith.index_cast %parallel_loop3A_179 : i32 to index
        %parallel_loop3A_371 = arith.constant 112 : index
        %parallel_loop3A_372 = tpu.vector_load %arg14[%parallel_loop3A_370, %parallel_loop3A_371] {strides = array<i32>} : memref<256x128xf32, #tpu.memory_space<vmem>>, vector<16xf32>,
        %parallel_loop3A_373 = arith.addf %parallel_loop3A_369, %parallel_loop3A_372 : vector<16xf32>
        %parallel_loop3A_374 = arith.constant 0.000000e+00 : f32
        %parallel_loop3A_375 = vector.broadcast %parallel_loop3A_374 : f32 to vector<16xf32>
        %parallel_loop3A_376 = arith.select %parallel_loop3A_237, %get3A_17, %parallel_loop3A_375 : vector<16xi1>, vector<16xf32>
        %parallel_loop3A_377 = arith.constant 0.000000e+00 : f32
        %parallel_loop3A_378 = vector.broadcast %parallel_loop3A_377 : f32 to vector<16xf32>
        %parallel_loop3A_379 = arith.select %parallel_loop3A_240, %get3A_33, %parallel_loop3A_378 : vector<16xi1>, vector<16xf32>
        %parallel_loop3A_380 = arith.addf %parallel_loop3A_376, %parallel_loop3A_379 : vector<16xf32>
        %parallel_loop3A_381 = arith.addf %parallel_loop3A_373, %parallel_loop3A_380 : vector<16xf32>
        %parallel_loop3A_382 = arith.index_cast %parallel_loop3A_179 : i32 to index
        %parallel_loop3A_383 = arith.constant 112 : index
        %parallel_loop3A_384 = tpu.vector_load %arg12[%parallel_loop3A_382, %parallel_loop3A_383] {strides = array<i32>} : memref<256x128xf32, #tpu.memory_space<vmem>>, vector<16xf32>,
        tpu.vector_store %arg12[%parallel_loop3A_382, %parallel_loop3A_383], %parallel_loop3A_381 {strides = array<i32>} : memref<256x128xf32, #tpu.memory_space<vmem>>, vector<16xf32>,
      } {sc.loop_unroll_factor = 8 : i64, sc.parallel_access}
      %lt3A = arith.constant 15 : i32
      %lt3A_137 = arith.cmpi slt, %scan3A_121, %lt3A : i32
      %convert_element_type3A_138 = arith.extui %lt3A_137 : i1 to i32
      %cond3A_139 = arith.constant 0 : i32
      %cond3A_140 = arith.cmpi ne, %convert_element_type3A_138, %cond3A_139 : i32
      scf.if %cond3A_140 {
        %add3A_179 = arith.constant 2 : i32
        %add3A_180 = arith.addi %add3A_125, %add3A_179 : i32
        %mul3A_181 = arith.constant 512 : i32
        %mul3A_182 = arith.muli %add3A_180, %mul3A_181 : i32
        %add3A_183 = arith.addi %mul3A_2, %mul3A_182 : i32
        %add3A_184 = arith.constant 256 : i32
        %add3A_185 = arith.addi %add3A_183, %add3A_184 : i32
        %dma_start3A_186 = tpu.memref_slice %arg2[%add3A_185] : memref<524288xi32, #tpu.memory_space<hbm>> -> memref<256xi32, #tpu.memory_space<hbm>>
        %dma_start3A_187 = tpu.memref_slice %arg2[%add3A_185] : memref<524288xi32, #tpu.memory_space<hbm>> -> memref<256xi32, #tpu.memory_space<hbm>>
        tpu.enqueue_dma source(%dma_start3A_187 : memref<256xi32, #tpu.memory_space<hbm>>) target(%arg8 : memref<256xi32, #tpu.memory_space<vmem>>) target_semaphore(%arg20 : memref<!tpu.dma_semaphore, #tpu.memory_space<semaphore_mem>>)
        %add3A_188 = arith.constant 2 : i32
        %add3A_189 = arith.addi %add3A_125, %add3A_188 : i32
        %mul3A_190 = arith.constant 512 : i32
        %mul3A_191 = arith.muli %add3A_189, %mul3A_190 : i32
        %add3A_192 = arith.addi %mul3A_2, %mul3A_191 : i32
        %add3A_193 = arith.constant 256 : i32
        %add3A_194 = arith.addi %add3A_192, %add3A_193 : i32
        %dma_start3A_195 = tpu.memref_slice %arg3[%add3A_194] : memref<524288xi32, #tpu.memory_space<hbm>> -> memref<256xi32, #tpu.memory_space<hbm>>
        %dma_start3A_196 = tpu.memref_slice %arg3[%add3A_194] : memref<524288xi32, #tpu.memory_space<hbm>> -> memref<256xi32, #tpu.memory_space<hbm>>
        tpu.enqueue_dma source(%dma_start3A_196 : memref<256xi32, #tpu.memory_space<hbm>>) target(%arg10 : memref<256xi32, #tpu.memory_space<vmem>>) target_semaphore(%arg20 : memref<!tpu.dma_semaphore, #tpu.memory_space<semaphore_mem>>)
      } else {
      }
      %mul3A_141 = arith.constant 512 : i32
      %mul3A_142 = arith.muli %add3A_125, %mul3A_141 : i32
      %add3A_143 = arith.addi %mul3A_2, %mul3A_142 : i32
      %add3A_144 = arith.constant 256 : i32
      %add3A_145 = arith.addi %add3A_143, %add3A_144 : i32
      %dma_start3A_146 = arith.constant 0 : i32
      %dma_start3A_147 = tpu.memref_slice %arg7[%add3A_145, %dma_start3A_146] : memref<524288x128xf32, #tpu.memory_space<hbm>> -> memref<256x128xf32, #tpu.memory_space<hbm>>
      %dma_start3A_148 = arith.constant 0 : i32
      %dma_start3A_149 = tpu.memref_slice %arg7[%add3A_145, %dma_start3A_148] : memref<524288x128xf32, #tpu.memory_space<hbm>> -> memref<256x128xf32, #tpu.memory_space<hbm>>
      tpu.enqueue_dma source(%arg12 : memref<256x128xf32, #tpu.memory_space<vmem>>) target(%dma_start3A_149 : memref<256x128xf32, #tpu.memory_space<hbm>>) target_semaphore(%arg18 : memref<!tpu.dma_semaphore, #tpu.memory_space<semaphore_mem>>)
      %mul3A_150 = arith.constant 2 : i32
      %mul3A_151 = arith.muli %scan3A_121, %mul3A_150 : i32
      %add3A_152 = arith.constant 1 : i32
      %add3A_153 = arith.addi %mul3A_151, %add3A_152 : i32
      %dma_wait3A_154 = arith.constant 0 : i32
      %dma_wait3A_155 = arith.constant 0 : i32
      %dma_wait3A_156 = tpu.memref_slice %arg4[%dma_wait3A_154, %dma_wait3A_155] : memref<100000x128xf32, #tpu.memory_space<hbm>> -> memref<100000x128xf32, #tpu.memory_space<hbm>>
      tpu.wait_indirect_dma semaphore(%arg17 : memref<!tpu.dma_semaphore, #tpu.memory_space<semaphore_mem>>) src(%dma_wait3A_156 : memref<100000x128xf32, #tpu.memory_space<hbm>>) dst(%arg13 : memref<256x128xf32, #tpu.memory_space<vmem>>)
      %lt3A_157 = arith.constant 15 : i32
      %lt3A_158 = arith.cmpi slt, %scan3A_121, %lt3A_157 : i32
      %convert_element_type3A_159 = arith.extui %lt3A_158 : i1 to i32
      %cond3A_160 = arith.constant 0 : i32
      %cond3A_161 = arith.cmpi ne, %convert_element_type3A_159, %cond3A_160 : i32
      scf.if %cond3A_161 {
        %sub3A = arith.constant 1 : i32
        %sub3A_179 = arith.subi %add3A_153, %sub3A : i32
        %mul3A_180 = arith.constant 512 : i32
        %mul3A_181 = arith.muli %sub3A_179, %mul3A_180 : i32
        %add3A_182 = arith.addi %mul3A_2, %mul3A_181 : i32
        %add3A_183 = arith.constant 256 : i32
        %add3A_184 = arith.addi %add3A_182, %add3A_183 : i32
        %dma_wait3A_185 = arith.constant 0 : i32
        %dma_wait3A_186 = tpu.memref_slice %arg7[%add3A_184, %dma_wait3A_185] : memref<524288x128xf32, #tpu.memory_space<hbm>> -> memref<256x128xf32, #tpu.memory_space<hbm>>
        %dma_wait3A_187 = arith.constant 0 : i32
        %dma_wait3A_188 = tpu.memref_slice %arg7[%add3A_184, %dma_wait3A_187] : memref<524288x128xf32, #tpu.memory_space<hbm>> -> memref<256x128xf32, #tpu.memory_space<hbm>>
        tpu.wait_dma2 semaphore(%arg18 : memref<!tpu.dma_semaphore, #tpu.memory_space<semaphore_mem>>) src(%arg12 : memref<256x128xf32, #tpu.memory_space<vmem>>) dst(%dma_wait3A_188 : memref<256x128xf32, #tpu.memory_space<hbm>>)
        %add3A_189 = arith.constant 1 : i32
        %add3A_190 = arith.addi %add3A_153, %add3A_189 : i32
        %mul3A_191 = arith.constant 512 : i32
        %mul3A_192 = arith.muli %add3A_190, %mul3A_191 : i32
        %add3A_193 = arith.addi %mul3A_2, %mul3A_192 : i32
        %add3A_194 = arith.constant 256 : i32
        %add3A_195 = arith.addi %add3A_193, %add3A_194 : i32
        %dma_wait3A_196 = tpu.memref_slice %arg2[%add3A_195] : memref<524288xi32, #tpu.memory_space<hbm>> -> memref<256xi32, #tpu.memory_space<hbm>>
        %dma_wait3A_197 = tpu.memref_slice %arg2[%add3A_195] : memref<524288xi32, #tpu.memory_space<hbm>> -> memref<256xi32, #tpu.memory_space<hbm>>
        tpu.wait_dma2 semaphore(%arg20 : memref<!tpu.dma_semaphore, #tpu.memory_space<semaphore_mem>>) src(%dma_wait3A_197 : memref<256xi32, #tpu.memory_space<hbm>>) dst(%arg8 : memref<256xi32, #tpu.memory_space<vmem>>)
        %add3A_198 = arith.constant 1 : i32
        %add3A_199 = arith.addi %add3A_153, %add3A_198 : i32
        %mul3A_200 = arith.constant 512 : i32
        %mul3A_201 = arith.muli %add3A_199, %mul3A_200 : i32
        %add3A_202 = arith.addi %mul3A_2, %mul3A_201 : i32
        %add3A_203 = arith.constant 256 : i32
        %add3A_204 = arith.addi %add3A_202, %add3A_203 : i32
        %dma_wait3A_205 = tpu.memref_slice %arg3[%add3A_204] : memref<524288xi32, #tpu.memory_space<hbm>> -> memref<256xi32, #tpu.memory_space<hbm>>
        %dma_wait3A_206 = tpu.memref_slice %arg3[%add3A_204] : memref<524288xi32, #tpu.memory_space<hbm>> -> memref<256xi32, #tpu.memory_space<hbm>>
        tpu.wait_dma2 semaphore(%arg20 : memref<!tpu.dma_semaphore, #tpu.memory_space<semaphore_mem>>) src(%dma_wait3A_206 : memref<256xi32, #tpu.memory_space<hbm>>) dst(%arg10 : memref<256xi32, #tpu.memory_space<vmem>>)
        %dma_start3A_207 = arith.constant 0 : i32
        %dma_start3A_208 = arith.constant 0 : i32
        %dma_start3A_209 = tpu.memref_slice %arg4[%dma_start3A_207, %dma_start3A_208] : memref<100000x128xf32, #tpu.memory_space<hbm>> -> memref<100000x128xf32, #tpu.memory_space<hbm>>
        tpu.enqueue_indirect_dma source(%dma_start3A_209 : memref<100000x128xf32, #tpu.memory_space<hbm>>) target(%arg12 : memref<256x128xf32, #tpu.memory_space<vmem>>) offsets(%arg8 : memref<256xi32, #tpu.memory_space<vmem>>) semaphore(%arg16 : memref<!tpu.dma_semaphore, #tpu.memory_space<semaphore_mem>>)
      } else {
      }
      %parallel_loop3A_162 = arith.constant 0 : i32
      %parallel_loop3A_163 = arith.constant 256 : i32
      %parallel_loop3A_164 = arith.constant 1 : i32
      scf.for %parallel_loop3A_179 = %parallel_loop3A_162 to %parallel_loop3A_163 step %parallel_loop3A_164  : i32 {
        %parallel_loop3A_180 = arith.constant 16 : i32
        %parallel_loop3A_181 = arith.divsi %parallel_loop3A_179, %parallel_loop3A_180 : i32
        %parallel_loop3A_182 = arith.constant 0 : i32
        %parallel_loop3A_183 = arith.cmpi sgt, %parallel_loop3A_179, %parallel_loop3A_182 : i32
        %parallel_loop3A_184 = arith.extui %parallel_loop3A_183 : i1 to i32
        %parallel_loop3A_185 = arith.constant 0 : i32
        %parallel_loop3A_186 = arith.cmpi slt, %parallel_loop3A_179, %parallel_loop3A_185 : i32
        %parallel_loop3A_187 = arith.extui %parallel_loop3A_186 : i1 to i32
        %parallel_loop3A_188 = arith.subi %parallel_loop3A_184, %parallel_loop3A_187 : i32
        %parallel_loop3A_189 = arith.constant 0 : i32
        %parallel_loop3A_190 = arith.cmpi sgt, %parallel_loop3A_180, %parallel_loop3A_189 : i32
        %parallel_loop3A_191 = arith.extui %parallel_loop3A_190 : i1 to i32
        %parallel_loop3A_192 = arith.constant 0 : i32
        %parallel_loop3A_193 = arith.cmpi slt, %parallel_loop3A_180, %parallel_loop3A_192 : i32
        %parallel_loop3A_194 = arith.extui %parallel_loop3A_193 : i1 to i32
        %parallel_loop3A_195 = arith.subi %parallel_loop3A_191, %parallel_loop3A_194 : i32
        %parallel_loop3A_196 = arith.cmpi ne, %parallel_loop3A_188, %parallel_loop3A_195 : i32
        %parallel_loop3A_197 = arith.remsi %parallel_loop3A_179, %parallel_loop3A_180 : i32
        %parallel_loop3A_198 = arith.constant 0 : i32
        %parallel_loop3A_199 = arith.cmpi ne, %parallel_loop3A_197, %parallel_loop3A_198 : i32
        %parallel_loop3A_200 = arith.andi %parallel_loop3A_196, %parallel_loop3A_199 : i1
        %parallel_loop3A_201 = arith.constant 1 : i32
        %parallel_loop3A_202 = arith.subi %parallel_loop3A_181, %parallel_loop3A_201 : i32
        %parallel_loop3A_203 = arith.select %parallel_loop3A_200, %parallel_loop3A_202, %parallel_loop3A_181 : i32
        %parallel_loop3A_204 = arith.constant 16 : i32
        %parallel_loop3A_205 = arith.constant 0 : i32
        %parallel_loop3A_206 = arith.cmpi eq, %parallel_loop3A_204, %parallel_loop3A_205 : i32
        %parallel_loop3A_207 = arith.constant 1 : i32
        %parallel_loop3A_208 = arith.select %parallel_loop3A_206, %parallel_loop3A_207, %parallel_loop3A_204 : i32
        %parallel_loop3A_209 = arith.remsi %parallel_loop3A_179, %parallel_loop3A_208 : i32
        %parallel_loop3A_210 = arith.constant 0 : i32
        %parallel_loop3A_211 = arith.cmpi ne, %parallel_loop3A_209, %parallel_loop3A_210 : i32
        %parallel_loop3A_212 = arith.constant 0 : i32
        %parallel_loop3A_213 = arith.cmpi slt, %parallel_loop3A_209, %parallel_loop3A_212 : i32
        %parallel_loop3A_214 = arith.constant 0 : i32
        %parallel_loop3A_215 = arith.cmpi slt, %parallel_loop3A_208, %parallel_loop3A_214 : i32
        %parallel_loop3A_216 = arith.xori %parallel_loop3A_213, %parallel_loop3A_215 : i1
        %parallel_loop3A_217 = arith.andi %parallel_loop3A_216, %parallel_loop3A_211 : i1
        %parallel_loop3A_218 = arith.addi %parallel_loop3A_209, %parallel_loop3A_208 : i32
        %parallel_loop3A_219 = arith.select %parallel_loop3A_217, %parallel_loop3A_218, %parallel_loop3A_209 : i32
        %parallel_loop3A_220 = arith.constant 16 : i32
        %parallel_loop3A_221 = arith.muli %parallel_loop3A_203, %parallel_loop3A_220 : i32
        %parallel_loop3A_222 = arith.index_cast %parallel_loop3A_221 : i32 to index
        %parallel_loop3A_223 = tpu.vector_load %arg11[%parallel_loop3A_222] {strides = array<i32>} : memref<256xi32, #tpu.memory_space<vmem>>, vector<16xi32>,
        %parallel_loop3A_224 = vector.broadcast %parallel_loop3A_219 : i32 to vector<16xi32>
        %parallel_loop3A_225 = arith.constant 0 : i32
        %parallel_loop3A_226 = vector.broadcast %parallel_loop3A_225 : i32 to vector<16xi32>
        %parallel_loop3A_227 = arith.cmpi slt, %parallel_loop3A_224, %parallel_loop3A_226 : vector<16xi32>
        %parallel_loop3A_228 = arith.constant 16 : i32
        %parallel_loop3A_229 = vector.broadcast %parallel_loop3A_228 : i32 to vector<16xi32>
        %parallel_loop3A_230 = arith.addi %parallel_loop3A_224, %parallel_loop3A_229 : vector<16xi32>
        %parallel_loop3A_231 = arith.select %parallel_loop3A_227, %parallel_loop3A_230, %parallel_loop3A_224 : vector<16xi1>, vector<16xi32>
        %parallel_loop3A_232 = vector.shape_cast %parallel_loop3A_231 : vector<16xi32> to vector<16x1xi32>
        %parallel_loop3A_233 = vector.shape_cast %parallel_loop3A_232 : vector<16x1xi32> to vector<16xi32>
        %parallel_loop3A_234 = tpu.dynamic_gather %parallel_loop3A_223[%parallel_loop3A_233] in [0] : vector<16xi32>, vector<16xi32> -> vector<16xi32>
        %parallel_loop3A_235 = arith.constant 1 : i32
        %parallel_loop3A_236 = vector.broadcast %parallel_loop3A_235 : i32 to vector<16xi32>
        %parallel_loop3A_237 = arith.cmpi eq, %parallel_loop3A_234, %parallel_loop3A_236 : vector<16xi32>
        %parallel_loop3A_238 = arith.constant 2 : i32
        %parallel_loop3A_239 = vector.broadcast %parallel_loop3A_238 : i32 to vector<16xi32>
        %parallel_loop3A_240 = arith.cmpi eq, %parallel_loop3A_234, %parallel_loop3A_239 : vector<16xi32>
        %parallel_loop3A_241 = arith.index_cast %parallel_loop3A_179 : i32 to index
        %parallel_loop3A_242 = arith.constant 0 : index
        %parallel_loop3A_243 = tpu.vector_load %arg13[%parallel_loop3A_241, %parallel_loop3A_242] {strides = array<i32>} : memref<256x128xf32, #tpu.memory_space<vmem>>, vector<16xf32>,
        %parallel_loop3A_244 = arith.index_cast %parallel_loop3A_179 : i32 to index
        %parallel_loop3A_245 = arith.constant 0 : index
        %parallel_loop3A_246 = tpu.vector_load %arg14[%parallel_loop3A_244, %parallel_loop3A_245] {strides = array<i32>} : memref<256x128xf32, #tpu.memory_space<vmem>>, vector<16xf32>,
        %parallel_loop3A_247 = arith.addf %parallel_loop3A_243, %parallel_loop3A_246 : vector<16xf32>
        %parallel_loop3A_248 = arith.constant 0.000000e+00 : f32
        %parallel_loop3A_249 = vector.broadcast %parallel_loop3A_248 : f32 to vector<16xf32>
        %parallel_loop3A_250 = arith.select %parallel_loop3A_237, %get3A_3, %parallel_loop3A_249 : vector<16xi1>, vector<16xf32>
        %parallel_loop3A_251 = arith.constant 0.000000e+00 : f32
        %parallel_loop3A_252 = vector.broadcast %parallel_loop3A_251 : f32 to vector<16xf32>
        %parallel_loop3A_253 = arith.select %parallel_loop3A_240, %get3A_19, %parallel_loop3A_252 : vector<16xi1>, vector<16xf32>
        %parallel_loop3A_254 = arith.addf %parallel_loop3A_250, %parallel_loop3A_253 : vector<16xf32>
        %parallel_loop3A_255 = arith.addf %parallel_loop3A_247, %parallel_loop3A_254 : vector<16xf32>
        %parallel_loop3A_256 = arith.index_cast %parallel_loop3A_179 : i32 to index
        %parallel_loop3A_257 = arith.constant 0 : index
        %parallel_loop3A_258 = tpu.vector_load %arg13[%parallel_loop3A_256, %parallel_loop3A_257] {strides = array<i32>} : memref<256x128xf32, #tpu.memory_space<vmem>>, vector<16xf32>,
        tpu.vector_store %arg13[%parallel_loop3A_256, %parallel_loop3A_257], %parallel_loop3A_255 {strides = array<i32>} : memref<256x128xf32, #tpu.memory_space<vmem>>, vector<16xf32>,
        %parallel_loop3A_259 = arith.index_cast %parallel_loop3A_179 : i32 to index
        %parallel_loop3A_260 = arith.constant 16 : index
        %parallel_loop3A_261 = tpu.vector_load %arg13[%parallel_loop3A_259, %parallel_loop3A_260] {strides = array<i32>} : memref<256x128xf32, #tpu.memory_space<vmem>>, vector<16xf32>,
        %parallel_loop3A_262 = arith.index_cast %parallel_loop3A_179 : i32 to index
        %parallel_loop3A_263 = arith.constant 16 : index
        %parallel_loop3A_264 = tpu.vector_load %arg14[%parallel_loop3A_262, %parallel_loop3A_263] {strides = array<i32>} : memref<256x128xf32, #tpu.memory_space<vmem>>, vector<16xf32>,
        %parallel_loop3A_265 = arith.addf %parallel_loop3A_261, %parallel_loop3A_264 : vector<16xf32>
        %parallel_loop3A_266 = arith.constant 0.000000e+00 : f32
        %parallel_loop3A_267 = vector.broadcast %parallel_loop3A_266 : f32 to vector<16xf32>
        %parallel_loop3A_268 = arith.select %parallel_loop3A_237, %get3A_5, %parallel_loop3A_267 : vector<16xi1>, vector<16xf32>
        %parallel_loop3A_269 = arith.constant 0.000000e+00 : f32
        %parallel_loop3A_270 = vector.broadcast %parallel_loop3A_269 : f32 to vector<16xf32>
        %parallel_loop3A_271 = arith.select %parallel_loop3A_240, %get3A_21, %parallel_loop3A_270 : vector<16xi1>, vector<16xf32>
        %parallel_loop3A_272 = arith.addf %parallel_loop3A_268, %parallel_loop3A_271 : vector<16xf32>
        %parallel_loop3A_273 = arith.addf %parallel_loop3A_265, %parallel_loop3A_272 : vector<16xf32>
        %parallel_loop3A_274 = arith.index_cast %parallel_loop3A_179 : i32 to index
        %parallel_loop3A_275 = arith.constant 16 : index
        %parallel_loop3A_276 = tpu.vector_load %arg13[%parallel_loop3A_274, %parallel_loop3A_275] {strides = array<i32>} : memref<256x128xf32, #tpu.memory_space<vmem>>, vector<16xf32>,
        tpu.vector_store %arg13[%parallel_loop3A_274, %parallel_loop3A_275], %parallel_loop3A_273 {strides = array<i32>} : memref<256x128xf32, #tpu.memory_space<vmem>>, vector<16xf32>,
        %parallel_loop3A_277 = arith.index_cast %parallel_loop3A_179 : i32 to index
        %parallel_loop3A_278 = arith.constant 32 : index
        %parallel_loop3A_279 = tpu.vector_load %arg13[%parallel_loop3A_277, %parallel_loop3A_278] {strides = array<i32>} : memref<256x128xf32, #tpu.memory_space<vmem>>, vector<16xf32>,
        %parallel_loop3A_280 = arith.index_cast %parallel_loop3A_179 : i32 to index
        %parallel_loop3A_281 = arith.constant 32 : index
        %parallel_loop3A_282 = tpu.vector_load %arg14[%parallel_loop3A_280, %parallel_loop3A_281] {strides = array<i32>} : memref<256x128xf32, #tpu.memory_space<vmem>>, vector<16xf32>,
        %parallel_loop3A_283 = arith.addf %parallel_loop3A_279, %parallel_loop3A_282 : vector<16xf32>
        %parallel_loop3A_284 = arith.constant 0.000000e+00 : f32
        %parallel_loop3A_285 = vector.broadcast %parallel_loop3A_284 : f32 to vector<16xf32>
        %parallel_loop3A_286 = arith.select %parallel_loop3A_237, %get3A_7, %parallel_loop3A_285 : vector<16xi1>, vector<16xf32>
        %parallel_loop3A_287 = arith.constant 0.000000e+00 : f32
        %parallel_loop3A_288 = vector.broadcast %parallel_loop3A_287 : f32 to vector<16xf32>
        %parallel_loop3A_289 = arith.select %parallel_loop3A_240, %get3A_23, %parallel_loop3A_288 : vector<16xi1>, vector<16xf32>
        %parallel_loop3A_290 = arith.addf %parallel_loop3A_286, %parallel_loop3A_289 : vector<16xf32>
        %parallel_loop3A_291 = arith.addf %parallel_loop3A_283, %parallel_loop3A_290 : vector<16xf32>
        %parallel_loop3A_292 = arith.index_cast %parallel_loop3A_179 : i32 to index
        %parallel_loop3A_293 = arith.constant 32 : index
        %parallel_loop3A_294 = tpu.vector_load %arg13[%parallel_loop3A_292, %parallel_loop3A_293] {strides = array<i32>} : memref<256x128xf32, #tpu.memory_space<vmem>>, vector<16xf32>,
        tpu.vector_store %arg13[%parallel_loop3A_292, %parallel_loop3A_293], %parallel_loop3A_291 {strides = array<i32>} : memref<256x128xf32, #tpu.memory_space<vmem>>, vector<16xf32>,
        %parallel_loop3A_295 = arith.index_cast %parallel_loop3A_179 : i32 to index
        %parallel_loop3A_296 = arith.constant 48 : index
        %parallel_loop3A_297 = tpu.vector_load %arg13[%parallel_loop3A_295, %parallel_loop3A_296] {strides = array<i32>} : memref<256x128xf32, #tpu.memory_space<vmem>>, vector<16xf32>,
        %parallel_loop3A_298 = arith.index_cast %parallel_loop3A_179 : i32 to index
        %parallel_loop3A_299 = arith.constant 48 : index
        %parallel_loop3A_300 = tpu.vector_load %arg14[%parallel_loop3A_298, %parallel_loop3A_299] {strides = array<i32>} : memref<256x128xf32, #tpu.memory_space<vmem>>, vector<16xf32>,
        %parallel_loop3A_301 = arith.addf %parallel_loop3A_297, %parallel_loop3A_300 : vector<16xf32>
        %parallel_loop3A_302 = arith.constant 0.000000e+00 : f32
        %parallel_loop3A_303 = vector.broadcast %parallel_loop3A_302 : f32 to vector<16xf32>
        %parallel_loop3A_304 = arith.select %parallel_loop3A_237, %get3A_9, %parallel_loop3A_303 : vector<16xi1>, vector<16xf32>
        %parallel_loop3A_305 = arith.constant 0.000000e+00 : f32
        %parallel_loop3A_306 = vector.broadcast %parallel_loop3A_305 : f32 to vector<16xf32>
        %parallel_loop3A_307 = arith.select %parallel_loop3A_240, %get3A_25, %parallel_loop3A_306 : vector<16xi1>, vector<16xf32>
        %parallel_loop3A_308 = arith.addf %parallel_loop3A_304, %parallel_loop3A_307 : vector<16xf32>
        %parallel_loop3A_309 = arith.addf %parallel_loop3A_301, %parallel_loop3A_308 : vector<16xf32>
        %parallel_loop3A_310 = arith.index_cast %parallel_loop3A_179 : i32 to index
        %parallel_loop3A_311 = arith.constant 48 : index
        %parallel_loop3A_312 = tpu.vector_load %arg13[%parallel_loop3A_310, %parallel_loop3A_311] {strides = array<i32>} : memref<256x128xf32, #tpu.memory_space<vmem>>, vector<16xf32>,
        tpu.vector_store %arg13[%parallel_loop3A_310, %parallel_loop3A_311], %parallel_loop3A_309 {strides = array<i32>} : memref<256x128xf32, #tpu.memory_space<vmem>>, vector<16xf32>,
        %parallel_loop3A_313 = arith.index_cast %parallel_loop3A_179 : i32 to index
        %parallel_loop3A_314 = arith.constant 64 : index
        %parallel_loop3A_315 = tpu.vector_load %arg13[%parallel_loop3A_313, %parallel_loop3A_314] {strides = array<i32>} : memref<256x128xf32, #tpu.memory_space<vmem>>, vector<16xf32>,
        %parallel_loop3A_316 = arith.index_cast %parallel_loop3A_179 : i32 to index
        %parallel_loop3A_317 = arith.constant 64 : index
        %parallel_loop3A_318 = tpu.vector_load %arg14[%parallel_loop3A_316, %parallel_loop3A_317] {strides = array<i32>} : memref<256x128xf32, #tpu.memory_space<vmem>>, vector<16xf32>,
        %parallel_loop3A_319 = arith.addf %parallel_loop3A_315, %parallel_loop3A_318 : vector<16xf32>
        %parallel_loop3A_320 = arith.constant 0.000000e+00 : f32
        %parallel_loop3A_321 = vector.broadcast %parallel_loop3A_320 : f32 to vector<16xf32>
        %parallel_loop3A_322 = arith.select %parallel_loop3A_237, %get3A_11, %parallel_loop3A_321 : vector<16xi1>, vector<16xf32>
        %parallel_loop3A_323 = arith.constant 0.000000e+00 : f32
        %parallel_loop3A_324 = vector.broadcast %parallel_loop3A_323 : f32 to vector<16xf32>
        %parallel_loop3A_325 = arith.select %parallel_loop3A_240, %get3A_27, %parallel_loop3A_324 : vector<16xi1>, vector<16xf32>
        %parallel_loop3A_326 = arith.addf %parallel_loop3A_322, %parallel_loop3A_325 : vector<16xf32>
        %parallel_loop3A_327 = arith.addf %parallel_loop3A_319, %parallel_loop3A_326 : vector<16xf32>
        %parallel_loop3A_328 = arith.index_cast %parallel_loop3A_179 : i32 to index
        %parallel_loop3A_329 = arith.constant 64 : index
        %parallel_loop3A_330 = tpu.vector_load %arg13[%parallel_loop3A_328, %parallel_loop3A_329] {strides = array<i32>} : memref<256x128xf32, #tpu.memory_space<vmem>>, vector<16xf32>,
        tpu.vector_store %arg13[%parallel_loop3A_328, %parallel_loop3A_329], %parallel_loop3A_327 {strides = array<i32>} : memref<256x128xf32, #tpu.memory_space<vmem>>, vector<16xf32>,
        %parallel_loop3A_331 = arith.index_cast %parallel_loop3A_179 : i32 to index
        %parallel_loop3A_332 = arith.constant 80 : index
        %parallel_loop3A_333 = tpu.vector_load %arg13[%parallel_loop3A_331, %parallel_loop3A_332] {strides = array<i32>} : memref<256x128xf32, #tpu.memory_space<vmem>>, vector<16xf32>,
        %parallel_loop3A_334 = arith.index_cast %parallel_loop3A_179 : i32 to index
        %parallel_loop3A_335 = arith.constant 80 : index
        %parallel_loop3A_336 = tpu.vector_load %arg14[%parallel_loop3A_334, %parallel_loop3A_335] {strides = array<i32>} : memref<256x128xf32, #tpu.memory_space<vmem>>, vector<16xf32>,
        %parallel_loop3A_337 = arith.addf %parallel_loop3A_333, %parallel_loop3A_336 : vector<16xf32>
        %parallel_loop3A_338 = arith.constant 0.000000e+00 : f32
        %parallel_loop3A_339 = vector.broadcast %parallel_loop3A_338 : f32 to vector<16xf32>
        %parallel_loop3A_340 = arith.select %parallel_loop3A_237, %get3A_13, %parallel_loop3A_339 : vector<16xi1>, vector<16xf32>
        %parallel_loop3A_341 = arith.constant 0.000000e+00 : f32
        %parallel_loop3A_342 = vector.broadcast %parallel_loop3A_341 : f32 to vector<16xf32>
        %parallel_loop3A_343 = arith.select %parallel_loop3A_240, %get3A_29, %parallel_loop3A_342 : vector<16xi1>, vector<16xf32>
        %parallel_loop3A_344 = arith.addf %parallel_loop3A_340, %parallel_loop3A_343 : vector<16xf32>
        %parallel_loop3A_345 = arith.addf %parallel_loop3A_337, %parallel_loop3A_344 : vector<16xf32>
        %parallel_loop3A_346 = arith.index_cast %parallel_loop3A_179 : i32 to index
        %parallel_loop3A_347 = arith.constant 80 : index
        %parallel_loop3A_348 = tpu.vector_load %arg13[%parallel_loop3A_346, %parallel_loop3A_347] {strides = array<i32>} : memref<256x128xf32, #tpu.memory_space<vmem>>, vector<16xf32>,
        tpu.vector_store %arg13[%parallel_loop3A_346, %parallel_loop3A_347], %parallel_loop3A_345 {strides = array<i32>} : memref<256x128xf32, #tpu.memory_space<vmem>>, vector<16xf32>,
        %parallel_loop3A_349 = arith.index_cast %parallel_loop3A_179 : i32 to index
        %parallel_loop3A_350 = arith.constant 96 : index
        %parallel_loop3A_351 = tpu.vector_load %arg13[%parallel_loop3A_349, %parallel_loop3A_350] {strides = array<i32>} : memref<256x128xf32, #tpu.memory_space<vmem>>, vector<16xf32>,
        %parallel_loop3A_352 = arith.index_cast %parallel_loop3A_179 : i32 to index
        %parallel_loop3A_353 = arith.constant 96 : index
        %parallel_loop3A_354 = tpu.vector_load %arg14[%parallel_loop3A_352, %parallel_loop3A_353] {strides = array<i32>} : memref<256x128xf32, #tpu.memory_space<vmem>>, vector<16xf32>,
        %parallel_loop3A_355 = arith.addf %parallel_loop3A_351, %parallel_loop3A_354 : vector<16xf32>
        %parallel_loop3A_356 = arith.constant 0.000000e+00 : f32
        %parallel_loop3A_357 = vector.broadcast %parallel_loop3A_356 : f32 to vector<16xf32>
        %parallel_loop3A_358 = arith.select %parallel_loop3A_237, %get3A_15, %parallel_loop3A_357 : vector<16xi1>, vector<16xf32>
        %parallel_loop3A_359 = arith.constant 0.000000e+00 : f32
        %parallel_loop3A_360 = vector.broadcast %parallel_loop3A_359 : f32 to vector<16xf32>
        %parallel_loop3A_361 = arith.select %parallel_loop3A_240, %get3A_31, %parallel_loop3A_360 : vector<16xi1>, vector<16xf32>
        %parallel_loop3A_362 = arith.addf %parallel_loop3A_358, %parallel_loop3A_361 : vector<16xf32>
        %parallel_loop3A_363 = arith.addf %parallel_loop3A_355, %parallel_loop3A_362 : vector<16xf32>
        %parallel_loop3A_364 = arith.index_cast %parallel_loop3A_179 : i32 to index
        %parallel_loop3A_365 = arith.constant 96 : index
        %parallel_loop3A_366 = tpu.vector_load %arg13[%parallel_loop3A_364, %parallel_loop3A_365] {strides = array<i32>} : memref<256x128xf32, #tpu.memory_space<vmem>>, vector<16xf32>,
        tpu.vector_store %arg13[%parallel_loop3A_364, %parallel_loop3A_365], %parallel_loop3A_363 {strides = array<i32>} : memref<256x128xf32, #tpu.memory_space<vmem>>, vector<16xf32>,
        %parallel_loop3A_367 = arith.index_cast %parallel_loop3A_179 : i32 to index
        %parallel_loop3A_368 = arith.constant 112 : index
        %parallel_loop3A_369 = tpu.vector_load %arg13[%parallel_loop3A_367, %parallel_loop3A_368] {strides = array<i32>} : memref<256x128xf32, #tpu.memory_space<vmem>>, vector<16xf32>,
        %parallel_loop3A_370 = arith.index_cast %parallel_loop3A_179 : i32 to index
        %parallel_loop3A_371 = arith.constant 112 : index
        %parallel_loop3A_372 = tpu.vector_load %arg14[%parallel_loop3A_370, %parallel_loop3A_371] {strides = array<i32>} : memref<256x128xf32, #tpu.memory_space<vmem>>, vector<16xf32>,
        %parallel_loop3A_373 = arith.addf %parallel_loop3A_369, %parallel_loop3A_372 : vector<16xf32>
        %parallel_loop3A_374 = arith.constant 0.000000e+00 : f32
        %parallel_loop3A_375 = vector.broadcast %parallel_loop3A_374 : f32 to vector<16xf32>
        %parallel_loop3A_376 = arith.select %parallel_loop3A_237, %get3A_17, %parallel_loop3A_375 : vector<16xi1>, vector<16xf32>
        %parallel_loop3A_377 = arith.constant 0.000000e+00 : f32
        %parallel_loop3A_378 = vector.broadcast %parallel_loop3A_377 : f32 to vector<16xf32>
        %parallel_loop3A_379 = arith.select %parallel_loop3A_240, %get3A_33, %parallel_loop3A_378 : vector<16xi1>, vector<16xf32>
        %parallel_loop3A_380 = arith.addf %parallel_loop3A_376, %parallel_loop3A_379 : vector<16xf32>
        %parallel_loop3A_381 = arith.addf %parallel_loop3A_373, %parallel_loop3A_380 : vector<16xf32>
        %parallel_loop3A_382 = arith.index_cast %parallel_loop3A_179 : i32 to index
        %parallel_loop3A_383 = arith.constant 112 : index
        %parallel_loop3A_384 = tpu.vector_load %arg13[%parallel_loop3A_382, %parallel_loop3A_383] {strides = array<i32>} : memref<256x128xf32, #tpu.memory_space<vmem>>, vector<16xf32>,
        tpu.vector_store %arg13[%parallel_loop3A_382, %parallel_loop3A_383], %parallel_loop3A_381 {strides = array<i32>} : memref<256x128xf32, #tpu.memory_space<vmem>>, vector<16xf32>,
      } {sc.loop_unroll_factor = 8 : i64, sc.parallel_access}
      %lt3A_165 = arith.constant 15 : i32
      %lt3A_166 = arith.cmpi slt, %scan3A_121, %lt3A_165 : i32
      %convert_element_type3A_167 = arith.extui %lt3A_166 : i1 to i32
      %cond3A_168 = arith.constant 0 : i32
      %cond3A_169 = arith.cmpi ne, %convert_element_type3A_167, %cond3A_168 : i32
      scf.if %cond3A_169 {
        %add3A_179 = arith.constant 2 : i32
        %add3A_180 = arith.addi %add3A_153, %add3A_179 : i32
        %mul3A_181 = arith.constant 512 : i32
        %mul3A_182 = arith.muli %add3A_180, %mul3A_181 : i32
        %add3A_183 = arith.addi %mul3A_2, %mul3A_182 : i32
        %add3A_184 = arith.constant 256 : i32
        %add3A_185 = arith.addi %add3A_183, %add3A_184 : i32
        %dma_start3A_186 = tpu.memref_slice %arg2[%add3A_185] : memref<524288xi32, #tpu.memory_space<hbm>> -> memref<256xi32, #tpu.memory_space<hbm>>
        %dma_start3A_187 = tpu.memref_slice %arg2[%add3A_185] : memref<524288xi32, #tpu.memory_space<hbm>> -> memref<256xi32, #tpu.memory_space<hbm>>
        tpu.enqueue_dma source(%dma_start3A_187 : memref<256xi32, #tpu.memory_space<hbm>>) target(%arg9 : memref<256xi32, #tpu.memory_space<vmem>>) target_semaphore(%arg21 : memref<!tpu.dma_semaphore, #tpu.memory_space<semaphore_mem>>)
        %add3A_188 = arith.constant 2 : i32
        %add3A_189 = arith.addi %add3A_153, %add3A_188 : i32
        %mul3A_190 = arith.constant 512 : i32
        %mul3A_191 = arith.muli %add3A_189, %mul3A_190 : i32
        %add3A_192 = arith.addi %mul3A_2, %mul3A_191 : i32
        %add3A_193 = arith.constant 256 : i32
        %add3A_194 = arith.addi %add3A_192, %add3A_193 : i32
        %dma_start3A_195 = tpu.memref_slice %arg3[%add3A_194] : memref<524288xi32, #tpu.memory_space<hbm>> -> memref<256xi32, #tpu.memory_space<hbm>>
        %dma_start3A_196 = tpu.memref_slice %arg3[%add3A_194] : memref<524288xi32, #tpu.memory_space<hbm>> -> memref<256xi32, #tpu.memory_space<hbm>>
        tpu.enqueue_dma source(%dma_start3A_196 : memref<256xi32, #tpu.memory_space<hbm>>) target(%arg11 : memref<256xi32, #tpu.memory_space<vmem>>) target_semaphore(%arg21 : memref<!tpu.dma_semaphore, #tpu.memory_space<semaphore_mem>>)
      } else {
      }
      %mul3A_170 = arith.constant 512 : i32
      %mul3A_171 = arith.muli %add3A_153, %mul3A_170 : i32
      %add3A_172 = arith.addi %mul3A_2, %mul3A_171 : i32
      %add3A_173 = arith.constant 256 : i32
      %add3A_174 = arith.addi %add3A_172, %add3A_173 : i32
      %dma_start3A_175 = arith.constant 0 : i32
      %dma_start3A_176 = tpu.memref_slice %arg7[%add3A_174, %dma_start3A_175] : memref<524288x128xf32, #tpu.memory_space<hbm>> -> memref<256x128xf32, #tpu.memory_space<hbm>>
      %dma_start3A_177 = arith.constant 0 : i32
      %dma_start3A_178 = tpu.memref_slice %arg7[%add3A_174, %dma_start3A_177] : memref<524288x128xf32, #tpu.memory_space<hbm>> -> memref<256x128xf32, #tpu.memory_space<hbm>>
      tpu.enqueue_dma source(%arg13 : memref<256x128xf32, #tpu.memory_space<vmem>>) target(%dma_start3A_178 : memref<256x128xf32, #tpu.memory_space<hbm>>) target_semaphore(%arg19 : memref<!tpu.dma_semaphore, #tpu.memory_space<semaphore_mem>>)
    }
    %scan3A_104 = arith.constant 16 : i32
    %add3A_105 = arith.constant 15360 : i32
    %add3A_106 = arith.addi %mul3A_2, %add3A_105 : i32
    %add3A_107 = arith.constant 256 : i32
    %add3A_108 = arith.addi %add3A_106, %add3A_107 : i32
    %dma_wait3A_109 = arith.constant 0 : i32
    %dma_wait3A_110 = tpu.memref_slice %arg7[%add3A_108, %dma_wait3A_109] : memref<524288x128xf32, #tpu.memory_space<hbm>> -> memref<256x128xf32, #tpu.memory_space<hbm>>
    %dma_wait3A_111 = arith.constant 0 : i32
    %dma_wait3A_112 = tpu.memref_slice %arg7[%add3A_108, %dma_wait3A_111] : memref<524288x128xf32, #tpu.memory_space<hbm>> -> memref<256x128xf32, #tpu.memory_space<hbm>>
    tpu.wait_dma2 semaphore(%arg18 : memref<!tpu.dma_semaphore, #tpu.memory_space<semaphore_mem>>) src(%arg12 : memref<256x128xf32, #tpu.memory_space<vmem>>) dst(%dma_wait3A_112 : memref<256x128xf32, #tpu.memory_space<hbm>>)
    %add3A_113 = arith.constant 15872 : i32
    %add3A_114 = arith.addi %mul3A_2, %add3A_113 : i32
    %add3A_115 = arith.constant 256 : i32
    %add3A_116 = arith.addi %add3A_114, %add3A_115 : i32
    %dma_wait3A_117 = arith.constant 0 : i32
    %dma_wait3A_118 = tpu.memref_slice %arg7[%add3A_116, %dma_wait3A_117] : memref<524288x128xf32, #tpu.memory_space<hbm>> -> memref<256x128xf32, #tpu.memory_space<hbm>>
    %dma_wait3A_119 = arith.constant 0 : i32
    %dma_wait3A_120 = tpu.memref_slice %arg7[%add3A_116, %dma_wait3A_119] : memref<524288x128xf32, #tpu.memory_space<hbm>> -> memref<256x128xf32, #tpu.memory_space<hbm>>
    tpu.wait_dma2 semaphore(%arg19 : memref<!tpu.dma_semaphore, #tpu.memory_space<semaphore_mem>>) src(%arg13 : memref<256x128xf32, #tpu.memory_space<vmem>>) dst(%dma_wait3A_120 : memref<256x128xf32, #tpu.memory_space<hbm>>)
    return
  }
}

</mosaic_0001>

<sc_bundles>
// kernel: _embed.3.cloned.1.call-start
scs
__scs_entry_jumppad:
0x0: {  	(pc) =	sbr.rel $0x88, $3  }
0x1: {  	(tag) =	ssettag $0x0;
	lr =	simm.s32 $0x1  }
0x2: {  	[smem:$0x3F9C] =	sst lr;
	_ =	strace $0xD0000000  }
0x3: {  	_ = 	snop  }
0x4: {  	_ = 	snop  }
0x5: {  	_ = 	snop  }
0x6: {  	_ = 	snop  }
0x7: {  	_ = 	snop  }
__scs_overlays_trampoline_lowered:
0x8: {  	[smem:$0x3FAB] =	sst s0  }
0x9: {  	[smem:$0x3FAC] =	sst s1  }
0xa: {  	[smem:$0x3FAD] =	sst s2  }
0xb: {  	[smem:$0x3FAE] =	sst s3  }
0xc: {  	[smem:$0x3FAF] =	sst s4  }
0xd: {  	[smem:$0x3FB0] =	sst s5  }
0xe: {  	[smem:$0x3FB1] =	sst s6  }
0xf: {  	[smem:$0x3FB2] =	sst s7  }
0x10: {  	[smem:$0x3FB3] =	sst s8  }
0x11: {  	[smem:$0x3FB4] =	sst s9;
	s0 =	simm.s32 @!p0 $0x0  }
0x12: {  	s1 =	sld [smem:$0x3F9A];
	s0 =	simm.s32 @p0 $0x1  }
0x13: {  	[smem:$0x3FB5] =	sst s0;
	s0 =	simm.s32 @!p1 $0x0  }
0x14: {  	s2 =	sld [smem:$0x3F99];
	s0 =	simm.s32 @p1 $0x1  }
0x15: {  	[smem:$0x3FB6] =	sst s0;
	s0 =	simm.s32 @!p2 $0x0  }
0x16: {  	s3 =	sld [smem:$0x3FDB];
	s0 =	simm.s32 @p2 $0x1  }
0x17: {  	s4 =	simm.s32 $0x1BF5;
	[smem:$0x3FB8] =	sst s0  }
0x18: {  	s0 =	sld [smem:$0x3F9B];
	_ =	swait.ge [sflag:s4], $0x0  }
0x19: {  	s7 =	sld [smem:$0x3F9C]  }
0x1a: {  	s8 =	sadd.s32 $0xFFFFE003, lr  }
0x1b: {  	s9 =	sadd.s32 $0xFFFFFEF7, lr;
	s5 =	simm.s32 $0xFFFFFFFF;
	p2 =	slt.u32 s8, $0xFFFFF086  }
0x1c: {  	p1 =	slt.u32 s9, $0xF7A;
	s5 =	simm.s32 @!p2 $0x0  }
0x1d: {  	s5 =	simm.s32 @p1 $0x1;
	p0 =	seq.s32 s7, s2  }
0x1e: {  	s7 =	smul.u32 @!p0 $0xF7A, s2;
	p2 =	seq.s32 @!p0 s5, $0x0  }
0x1f: {  	s9 =	smul.u32 $0xF7A, s1;
	s8 =	simm.s32 @!p0 $0x1BF5;
	p2 =	por !p2, p0  }
0x20: {  	[sflag:s8] =	ssyncset.s32 @!p0 $0xFFFFF086;
	s6 =	sadd.s32 @!p0 s3, s7;
	s7 =	simm.s32 @!p0 $0x108  }
0x21: {  	s3 =	sadd.s32 s3, s9;
	s6 =	sadd.s32 @!p0 $0x88, s6;
	s7 =	simm.s32 @p2 $0x1082  }
0x22: {  	[simem:s7], [sflag:s8] =	dma.local @!p0 [hbm:s6], $0xF7A  }
0x23: {  	s9 =	sor.u32 $0xD0000000, s2;
	s6 =	simm.s32 $0x108;
	_ =	swait.ge @!p0 [sflag:s8], $0x0  }
0x24: {  	s3 =	sadd.s32 $0x88, s3;
	s6 =	simm.s32 @!p1 $0x1082;
	[sflag:s4] =	ssyncset.s32 $0xFFFFF086  }
0x25: {  	[simem:s6], [sflag:s4] =	dma.local [hbm:s3], $0xF7A  }
0x26: {  	[smem:$0x3F9C] =	sst s1;
	(tag) =	ssettag s2;
	_ =	strace s9  }
0x27: {  	s1 =	sld [smem:$0x3FAC]  }
0x28: {  	s2 =	sld [smem:$0x3FAD]  }
0x29: {  	s4 =	sld [smem:$0x3FAF]  }
0x2a: {  	p0 =	seq.s32 s5, $0x0;
	s5 =	sld [smem:$0x3FB0]  }
0x2b: {  	s6 =	sld [smem:$0x3FB1]  }
0x2c: {  	s7 =	sld [smem:$0x3FB2]  }
0x2d: {  	s3 =	simm.s32 $0x108;
	s8 =	sld [smem:$0x3FB3]  }
0x2e: {  	s3 =	simm.s32 @!p0 $0x1082;
	s9 =	sld [smem:$0x3FB4]  }
0x2f: {  	lr =	sadd.s32 s0, s3;
	s0 =	sld [smem:$0x3FAB]  }
0x30: {  	s3 =	sld [smem:$0x3FAE]  }
0x31: {  	[smem:$0x3FB7] =	sst s10  }
0x32: {  	s10 =	sld [smem:$0x3FB5];
	_ =	sdelay $0x3  }
0x33: {  	p0 =	seq.s32 s10, $0x1;
	s10 =	sld [smem:$0x3FB7];
	_ =	sdelay $0x3  }
0x34: {  	[smem:$0x3FB7] =	sst s10  }
0x35: {  	s10 =	sld [smem:$0x3FB6];
	_ =	sdelay $0x3  }
0x36: {  	p1 =	seq.s32 s10, $0x1;
	s10 =	sld [smem:$0x3FB7];
	_ =	sdelay $0x3  }
0x37: {  	[smem:$0x3FB7] =	sst s10  }
0x38: {  	s10 =	sld [smem:$0x3FB8]  }
0x39: {  	_ = 	snop;
	(pc) =	sbr.ind lr, $3  }
0x3a: {  	_ = 	snop  }
0x3b: {  	_ = 	snop  }
0x3c: {  	p2 =	seq.s32 s10, $0x1;
	s10 =	sld [smem:$0x3FB7]  }
0x3d: {  	_ =	shalt  }
0x3e: {  	_ =	shalt  }
0x3f: {  	_ =	shalt  }
0x40: {  	_ =	shalt  }
0x41: {  	_ =	shalt  }
0x42: {  	_ =	shalt  }
0x43: {  	_ =	shalt  }
0x44: {  	_ =	shalt  }
0x45: {  	_ =	shalt  }
0x46: {  	_ =	shalt  }
0x47: {  	_ =	shalt  }
0x48: {  	_ =	shalt  }
0x49: {  	_ =	shalt  }
0x4a: {  	_ =	shalt  }
0x4b: {  	_ =	shalt  }
0x4c: {  	_ =	shalt  }
0x4d: {  	_ =	shalt  }
0x4e: {  	_ =	shalt  }
0x4f: {  	_ =	shalt  }
0x50: {  	_ =	shalt  }
0x51: {  	_ =	shalt  }
0x52: {  	_ =	shalt  }
0x53: {  	_ =	shalt  }
0x54: {  	_ =	shalt  }
0x55: {  	_ =	shalt  }
0x56: {  	_ =	shalt  }
0x57: {  	_ =	shalt  }
0x58: {  	_ =	shalt  }
0x59: {  	_ =	shalt  }
0x5a: {  	_ =	shalt  }
0x5b: {  	_ =	shalt  }
0x5c: {  	_ =	shalt  }
0x5d: {  	_ =	shalt  }
0x5e: {  	_ =	shalt  }
0x5f: {  	_ =	shalt  }
0x60: {  	_ =	shalt  }
0x61: {  	_ =	shalt  }
0x62: {  	_ =	shalt  }
0x63: {  	_ =	shalt  }
0x64: {  	_ =	shalt  }
0x65: {  	_ =	shalt  }
0x66: {  	_ =	shalt  }
0x67: {  	_ =	shalt  }
0x68: {  	_ =	shalt  }
0x69: {  	_ =	shalt  }
0x6a: {  	_ =	shalt  }
0x6b: {  	_ =	shalt  }
0x6c: {  	_ =	shalt  }
0x6d: {  	_ =	shalt  }
0x6e: {  	_ =	shalt  }
0x6f: {  	_ =	shalt  }
0x70: {  	_ =	shalt  }
0x71: {  	_ =	shalt  }
0x72: {  	_ =	shalt  }
0x73: {  	_ =	shalt  }
0x74: {  	_ =	shalt  }
0x75: {  	_ =	shalt  }
0x76: {  	_ =	shalt  }
0x77: {  	_ =	shalt  }
0x78: {  	_ =	shalt  }
0x79: {  	_ =	shalt  }
0x7a: {  	_ =	shalt  }
0x7b: {  	_ =	shalt  }
0x7c: {  	_ =	shalt  }
0x7d: {  	_ =	shalt  }
0x7e: {  	_ =	shalt  }
0x7f: {  	_ =	shalt  }
0x80: {  	_ =	shalt  }
0x81: {  	_ =	shalt  }
0x82: {  	_ =	shalt  }
0x83: {  	_ =	shalt  }
0x84: {  	_ =	shalt  }
0x85: {  	_ =	shalt  }
0x86: {  	_ =	shalt  }
0x87: {  	_ =	shalt  }
.Lfunc_end0:
.L_simem_size_0:
called_computation_lowered:
.L_overlay_start_0:
0x88: {  	s2 =	sld [smem:$0x3FD9]  }
0x89: {  	s3 =	sld [smem:$0x3FFE];
	_ =	sdelay $0x1  }
0x8a: {  	s1 =	srdreg.scid  }
0x8b: {  	s0 =	sand.u32 $0x1, s1  }
0x8c: {  	s18 =	sshll.u32 s0, $0xA;
	s2 =	sadd.s32 s3, s2  }
0x8d: {  	s2 =	sadd.s32 s2, s18  }
0x8e: {  	[smem:$0x3FC3] =	sst s2  }
0x8f: {  	_ = 	snop  }
0x90: {  	s2 =	sld [smem:$0x3FC9]  }
0x91: {  	s19 =	sld [smem:$0x3FC8]  }
0x92: {  	s4 =	sld [smem:$0x3FC7]  }
0x93: {  	s5 =	sld [smem:$0x3FC6]  }
0x94: {  	s6 =	sld [smem:$0x3FC5]  }
0x95: {  	s7 =	sld [smem:$0x3FD0];
	(tm) =	ssettm $0x1  }
0x96: {  	s8 =	sld [smem:$0x3FFB];
	_ =	sdelay $0x3  }
0x97: {  	_ =	strace s8  }
0x98: {  	s8 =	sld [smem:$0x3FFC];
	_ =	sdelay $0x3  }
0x99: {  	_ =	strace s8  }
0x9a: {  	s8 =	sld [smem:$0x3FFD];
	_ =	sdelay $0x3  }
0x9b: {  	_ =	strace s8  }
0x9c: {  	_ =	strace $0x8FFFFFFF  }
0x9d: {  	s20 =	sld [smem:$0x3FDB];
	_ =	sdelay $0x1  }
0x9e: {  	s9 =	simm.s32 $_scs_section_size  }
0x9f: {  	s10 =	simm.s32 $_size__tile_overlayer_lowered;
	s11 =	simm.s32 $_tile_overlayer_lowered  }
0xa0: {  	s23 =	simm.s32 $0x1BFF;
	s22 =	sshll.u32 s11, $0x1;
	s8 =	sadd.s32 s9, s20  }
0xa1: {  	s12 =	simm.s32 $0x0;
	s21 =	sshll.u32 s10, $0x1;
	s10 =	sadd.s32 s22, s8  }
0xa2: {  	[timem:s12], [sflag:s23] =	dma.local [hbm:s10], s21  }
0xa3: {  	_ =	swait.ge [sflag:s23], s21  }
0xa4: {  	s9 =	ssub.s32 $0x0, s21;
	[sflag:s23] =	ssyncset.done $0x0  }
0xa5: {  	[sflag:s23] =	ssyncadd.s32 s9;
	_ =	sdelay $0x1  }
0xa6: {  	s24 =	simm.s32 $0x1B8B  }
0xa7: {  	_ =	swait.ge [sflag:s24], $0x1  }
0xa8: {  	[sflag:s24] =	ssyncset.done $0x0  }
0xa9: {  	s25 =	simm.s32 $0x1B8E;
	[sflag:s24] =	ssyncadd.s32 $0xFFFFFFFF  }
0xaa: {  	s26 =	simm.s32 $execute0_lowered;
	[smem:$0x3FD2] =	sst s25  }
0xab: {  	s9 =	sshll.u32 s26, $0x1;
	_ =	strace $0x80000046;
	[dreg:$0x1] =	wrdreg $0xFFFFFFFF  }
0xac: {  	s28 =	simm.s32 $_size_execute0_lowered;
	s8 =	sadd.s32 s8, s9;
	[dreg:$0x0] =	wrdreg $0x0  }
0xad: {  	s9 =	sshll.u32 s28, $0x1;
	[dreg:$0x2] =	wrdreg s8  }
0xae: {  	[dreg:$0x3] =	wrdreg s9  }
0xaf: {  	[dreg:$0x4] =	wrdreg $0xC0  }
0xb0: {  	_ =	task [dreg:s12], $0x5FFFF  }
0xb1: {  	[dreg:$0x1] =	wrdreg $0xFFFFFFFF  }
0xb2: {  	[dreg:$0x0] =	wrdreg $0x60  }
0xb3: {  	[dreg:$0x2] =	wrdreg s2  }
0xb4: {  	[dreg:$0x3] =	wrdreg s19  }
0xb5: {  	[dreg:$0x4] =	wrdreg s4  }
0xb6: {  	[dreg:$0x5] =	wrdreg s5  }
0xb7: {  	[dreg:$0x6] =	wrdreg s6  }
0xb8: {  	[dreg:$0x7] =	wrdreg s7  }
0xb9: {  	[dreg:$0x8] =	wrdreg $0x9  }
0xba: {  	_ =	task.clear_ibuf [dreg:s12], $0x9FFFF;
	_ =	strace $0x90000046  }
0xbb: {  	s29 =	simm.s32 $0x9;
	_ =	strace $0x80000048  }
0xbc: {  	_ =	swait.ge [sflag:s29], $0x1  }
0xbd: {  	[sflag:s29] =	ssyncadd.s32 $0xFFFFFFFF  }
0xbe: {  	_ =	strace $0x90000048  }
0xbf: {  	_ =	sfence  }
0xc0: {  	s30 =	sld [smem:$0x0];
	_ =	sdelay $0x2  }
0xc1: {  	s31 =	sshll.u32 s1, $0xD;
	s1 =	sshrl.u32 s1, $0x2  }
0xc2: {  	s3 =	sand.u32 $0x4000, s31;
	s1 =	sadd.s32 s1, s30  }
0xc3: {  	s0 =	sor.u32 s3, s0;
	s1 =	sshll.u32 s1, $0x11  }
0xc4: {  	s0 =	sor.u32 s1, s0  }
0xc5: {  	s0 =	sadd.s32 $0x8F2B, s0  }
0xc6: {  	[sflag:s0] =	ssyncadd.remote.s32 $0x1  }
0xc7: {  	_ =	sfence.sel $0xFFFF  }
0xc8: {  	[dreg:$0x0] =	wrdreg $0xFFFFFFFF;
	(pc) =	sbr.abs _section_cstart, $3  }
0xc9: {  	[dreg:$0x1] =	wrdreg $0xFFFFFFFF  }
0xca: {  	_ =	task.clear_ibuf [dreg:s12], $0x2FFFF;
	_ =	strace $0x9FFFFFFF  }
0xcb: {  	(tm) =	ssettm $0x7FFFFFFF  }
tec
execute0_lowered:
.L_overlay_start_1:
0x0: {  	(tag) =	ssettag $0x1  }
0x1: {  	s1 =	rddreg [dreg:$0x0]  }
0x2: {  	s2 =	rddreg [dreg:$0x1]  }
0x3: {  	s3 =	rddreg [dreg:$0x2]  }
0x4: {  	s10 =	rddreg [dreg:$0x4]  }
0x5: {  	s7 =	rddreg [dreg:$0x5]  }
0x6: {  	s0 =	srdreg.scid;
	s8 =	simm.s32 $0x0;
	s5 =	stileid.u32  }
0x7: {  	s30 =	simm.s32 $0x100;
	s31 =	simm.s32 $0x400;
	s29 =	simm.s32 $0x4  }
0x8: {  	s0 =	sand.u32 $0x1, s0;
	s5 =	sshll.u32 s5, $0xF;
	[smem:$0x7FF] =	sst s8  }
0x9: {  	s10 =	sadd.s32 $0x1000, s10;
	s4 =	ssub.s32 $0x2, s0;
	s0 =	sshll.u32 s0, $0xE  }
0xa: {  	_ =	strace $0x80000047;
	s6 =	sshrl.u32 s4, $0x1;
	s9 =	sor.u32 s0, s5  }
0xb: {  	[dreg:$0xb] =	wrdreg s10;
	s18 =	ssub.s32 s4, s6;
	s19 =	sshrl.u32 s9, $0x3  }
0xc: {  	s24 =	sshll.u32 s9, $0x4;
	s14 =	sor.u32 $0x400, s9;
	s20 =	sadd.s32 s1, s19  }
0xd: {  	s16 =	sor.u32 $0x600, s9;
	s21 =	sadd.s32 s2, s19;
	[dreg:$0x7] =	wrdreg s20  }
0xe: {  	s22 =	sor.u32 $0x40, s19;
	s0 =	smax.u32 s18, $0x1;
	[dreg:$0x8] =	wrdreg s21  }
0xf: {  	s15 =	sadd.s32 s7, s24;
	s23 =	sadd.s32 s1, s22;
	[dreg:$0x10] =	wrdreg s0  }
0x10: {  	s25 =	sor.u32 $0x20, s19;
	s5 =	sadd.s32 s2, s22;
	[dreg:$0x9] =	wrdreg s23  }
0x11: {  	s4 =	sor.u32 $0x60, s19;
	s26 =	sadd.s32 s1, s25;
	[dreg:$0xa] =	wrdreg s5  }
0x12: {  	s6 =	sadd.s32 s2, s25;
	s20 =	sadd.s32 $0x1000, s7;
	[dreg:$0xc] =	wrdreg s26  }
0x13: {  	s28 =	sadd.s32 s1, s4;
	s4 =	sadd.s32 s2, s4;
	[dreg:$0xd] =	wrdreg s6  }
0x14: {  	s25 =	simm.s32 $0x8400;
	s0 =	simm.s32 $0x0;
	[dreg:$0xe] =	wrdreg s28  }
0x15: {  	[dreg:$0xf] =	wrdreg s4;
	s23 =	sadd.s32 s24, s20;
	s26 =	simm.s32 $0x7  }
0x16: {  	s6 =	simm.s32 $0x1;
	s4 =	simm.s32 $0x6;
	s5 =	simm.s32 $0x2  }
.LBB2_1:
0x17: {  	s10 =	rddreg [dreg:$0x3];
	s11 =	simm.s32 $0x18400  }
0x18: {  	[tilespmem:s11], [sflag:$0x7] =	stream.linear.gather [hbm4b:s10+s8], $0x180, $0x38;
	[tilespmem:$0x18580] =	vst v63  }
0x19: {  	_ =	swait.ge [sflag:s26], $0x180  }
0x1a: {  	[sflag:s26] =	ssyncset.done $0x0  }
0x1b: {  	[sflag:s26] =	ssyncadd.s32 $0xFFFFFE80  }
0x1c: {  	v0 =	vld [tilespmem:$0x18480]  }
0x1d: {  	v1 =	vld [tilespmem:$0x18490]  }
0x1e: {  	v2 =	vld [tilespmem:$0x184A0]  }
0x1f: {  	v3 =	vld [tilespmem:$0x184B0]  }
0x20: {  	v4 =	vld [tilespmem:$0x184C0]  }
0x21: {  	v5 =	vld [tilespmem:$0x184D0]  }
0x22: {  	v6 =	vld [tilespmem:$0x184E0]  }
0x23: {  	v7 =	vld [tilespmem:$0x184F0]  }
0x24: {  	v8 =	vld [tilespmem:$0x18500]  }
0x25: {  	v9 =	vld [tilespmem:$0x18510]  }
0x26: {  	v10 =	vld [tilespmem:$0x18520]  }
0x27: {  	v11 =	vld [tilespmem:$0x18530]  }
0x28: {  	v12 =	vld [tilespmem:$0x18540]  }
0x29: {  	v13 =	vld [tilespmem:$0x18550]  }
0x2a: {  	s17 =	simm.s32 $0x10400;
	v14 =	vld [tilespmem:$0x18560];
	s13 =	rddreg [dreg:$0x4]  }
0x2b: {  	v15 =	vld [tilespmem:$0x18570];
	[tilespmem:s17], [sflag:$0x7] =	stream.linear.gather [hbm4b:s13+s8], $0x8000, $0x38  }
0x2c: {  	_ =	swait.ge [sflag:s26], $0x8000  }
0x2d: {  	[sflag:s26] =	ssyncset.done $0x0  }
0x2e: {  	s18 =	rddreg [dreg:$0x7];
	[sflag:s26] =	ssyncadd.s32 $0xFFFF8000  }
0x2f: {  	[tilespmem:s8], [sflag:$0x7] =	stream.linear.gather [hbm4b:s18+s8], $0x100, $0x38;
	[tilespmem:$0x18580] =	vst v63  }
0x30: {  	_ =	swait.ge [sflag:s26], $0x100  }
0x31: {  	[sflag:s26] =	ssyncset.done $0x0  }
0x32: {  	s21 =	simm.s32 $0x200;
	s19 =	rddreg [dreg:$0x8];
	[sflag:s26] =	ssyncadd.s32 $0xFFFFFF00  }
0x33: {  	[tilespmem:s21], [sflag:$0x7] =	stream.linear.gather [hbm4b:s19+s8], $0x100, $0x38;
	[tilespmem:$0x18580] =	vst v63  }
0x34: {  	_ =	swait.ge [sflag:s26], $0x100  }
0x35: {  	[sflag:s26] =	ssyncset.done $0x0  }
0x36: {  	[sflag:s26] =	ssyncadd.s32 $0xFFFFFF00  }
0x37: {  	[tilespmem:s31], [sflag:$0x1] =	stream.indirect.gather [hbm4b:s3+s30], $0x80, s8, s30, $0xb8;
	[tilespmem:$0x18580] =	vst v63  }
0x38: {  	s22 =	rddreg [dreg:$0x9]  }
0x39: {  	[tilespmem:s30], [sflag:$0x6] =	stream.linear.gather [hbm4b:s22+s8], $0x100, $0x38;
	[tilespmem:$0x18580] =	vst v63  }
0x3a: {  	s28 =	simm.s32 $0x300;
	s10 =	simm.s32 $0x0;
	s24 =	rddreg [dreg:$0xa]  }
0x3b: {  	[tilespmem:s28], [sflag:$0x6] =	stream.linear.gather [hbm4b:s24+s8], $0x100, $0x38;
	[tilespmem:$0x18580] =	vst v63  }
.LBB2_2:
0x3c: {  	_ =	swait.ge [sflag:s6], $0x8000  }
0x3d: {  	p0 =	seq.s32 s10, $0x0;
	[sflag:s6] =	ssyncset.done $0x0  }
0x3e: {  	s11 =	simm.s32 @!p0 $0x4;
	[sflag:s6] =	ssyncadd.s32 $0xFFFF8000  }
0x3f: {  	_ =	swait.ge @!p0 [sflag:s11], $0x8000  }
0x40: {  	[sflag:s11] =	ssyncset.done @!p0 $0x0  }
0x41: {  	[sflag:s11] =	ssyncadd.s32 @!p0 $0xFFFF8000  }
0x42: {  	_ =	swait.ge [sflag:s4], $0x100  }
0x43: {  	[sflag:s4] =	ssyncset.done $0x0  }
0x44: {  	[sflag:s4] =	ssyncadd.s32 $0xFFFFFF00  }
0x45: {  	_ =	swait.ge [sflag:s4], $0x100  }
0x46: {  	[sflag:s4] =	ssyncset.done $0x0  }
0x47: {  	s12 =	simm.s32 $0x0;
	s11 =	sshll.u32 s10, $0xA;
	[sflag:s4] =	ssyncadd.s32 $0xFFFFFF00  }
0x48: {  	[tilespmem:s25], [sflag:$0x2] =	stream.indirect.gather [hbm4b:s3+s30], $0x80, s30, s30, $0xb8;
	[tilespmem:$0x18580] =	vst v63  }
.LBB2_3:
0x49: {  	s13 =	sand.u32 $0xF0, s12  }
0x4a: {  	v16 =	vld [tilespmem:s13+$0x200];
	s13 =	sshll.u32 s12, $0x7  }
0x4b: {  	v17 =	vld [tilespmem:s13+$0x400]  }
0x4c: {  	v18 =	vld [tilespmem:s13+$0x10400]  }
0x4d: {  	v20 =	vld [tilespmem:s13+$0x410]  }
0x4e: {  	v21 =	vld [tilespmem:s13+$0x10410]  }
0x4f: {  	v22 =	vld [tilespmem:s13+$0x420]  }
0x50: {  	v45 =	vld [tilespmem:s13+$0x10420]  }
0x51: {  	s18 =	sor.u32 $0x1, s12;
	v26 =	vld [tilespmem:s13+$0x440]  }
0x52: {  	s28 =	sshll.u32 s18, $0x7;
	v28 =	vld [tilespmem:s13+$0x10440]  }
0x53: {  	v40 =	vld [tilespmem:s28+$0x410]  }
0x54: {  	s17 =	sand.u32 $0x8, s12;
	v33 =	vld [tilespmem:s28+$0x10410]  }
0x55: {  	v19 =	vmov s17;
	v25 =	vld [tilespmem:s13+$0x430]  }
0x56: {  	v47 =	vld [tilespmem:s13+$0x10430];
	v19 =	vperm.xlane v16, v19;
	v17 =	vadd.f32 v18, v17  }
0x57: {  	v51 =	vld [tilespmem:s13+$0x450];
	v20 =	vadd.f32 v21, v20;
	v22 =	vadd.f32 v45, v22  }
0x58: {  	v52 =	vld [tilespmem:s13+$0x10450];
	v56 =	vadd.f32 v28, v26;
	vm0 =	veq.s32 v19, $0x1;
	vm1 =	veq.s32 v19, $0x2  }
0x59: {  	v30 =	vld [tilespmem:s13+$0x470];
	v28 =	vadd.f32 v33, v40;
	v23 =	vnsel vm0, $0x0, v0;
	v24 =	vnsel vm1, $0x0, v8  }
0x5a: {  	v62 =	vld [tilespmem:s13+$0x10470];
	v48 =	vnsel vm0, $0x0, v1;
	v49 =	vnsel vm1, $0x0, v9;
	v50 =	vnsel vm0, $0x0, v2  }
0x5b: {  	v55 =	vld [tilespmem:s13+$0x460];
	v27 =	vnsel vm1, $0x0, v10;
	v53 =	vnsel vm0, $0x0, v3;
	v57 =	vnsel vm0, $0x0, v4  }
0x5c: {  	v59 =	vld [tilespmem:s13+$0x10460];
	v58 =	vnsel vm1, $0x0, v12;
	v60 =	vnsel vm0, $0x0, v5;
	v46 =	vadd.f32 v24, v23  }
0x5d: {  	v63 =	vld [tilespmem:s28+$0x400];
	v29 =	vnsel vm1, $0x0, v13;
	v21 =	vadd.f32 v49, v48;
	v24 =	vadd.f32 v27, v50  }
0x5e: {  	v38 =	vld [tilespmem:s28+$0x10400];
	v31 =	vnsel vm0, $0x0, v7;
	v23 =	vadd.f32 v47, v25;
	v26 =	vadd.f32 v58, v57  }
0x5f: {  	v42 =	vld [tilespmem:s28+$0x420];
	v32 =	vnsel vm1, $0x0, v15;
	v61 =	vadd.f32 v29, v60;
	v29 =	vadd.f32 v62, v30  }
0x60: {  	s18 =	sand.u32 $0x9, s18;
	v43 =	vld [tilespmem:s28+$0x10420];
	v54 =	vnsel vm1, $0x0, v11;
	v41 =	vadd.f32 v32, v31;
	v19 =	vadd.f32 v46, v17  }
0x61: {  	v39 =	vmov s18;
	v18 =	vadd.f32 v20, v21;
	v21 =	vadd.f32 v54, v53  }
0x62: {  	v34 =	vld [tilespmem:s28+$0x440];
	v36 =	vnsel vm0, $0x0, v6;
	v17 =	vadd.f32 v22, v24;
	v20 =	vadd.f32 v52, v51  }
0x63: {  	v37 =	vnsel vm1, $0x0, v14;
	v48 =	vld [tilespmem:s28+$0x10430];
	v24 =	vadd.f32 v59, v55;
	v22 =	vadd.f32 v23, v21  }
0x64: {  	v60 =	vld [tilespmem:s28+$0x10460];
	v21 =	vadd.f32 v56, v26;
	v23 =	vadd.f32 v37, v36;
	v26 =	vperm.xlane v16, v39  }
0x65: {  	v25 =	vadd.f32 v38, v63;
	v31 =	vadd.f32 v43, v42;
	v46 =	vld [tilespmem:s28+$0x430]  }
0x66: {  	s19 =	sor.u32 $0x2, s12;
	v38 =	vld [tilespmem:s28+$0x470];
	v20 =	vadd.f32 v20, v61;
	v24 =	vadd.f32 v24, v23;
	vm14 =	veq.s32 v26, $0x1  }
0x67: {  	s18 =	sshll.u32 s19, $0x7;
	v62 =	vld [tilespmem:s28+$0x10470];
	vm15 =	veq.s32 v26, $0x2;
	v23 =	vadd.f32 v29, v41;
	v44 =	vnsel vm14, $0x0, v0  }
0x68: {  	v63 =	vld [tilespmem:s18+$0x400];
	v45 =	vnsel vm15, $0x0, v8;
	v49 =	vnsel vm14, $0x0, v1;
	v50 =	vnsel vm15, $0x0, v9  }
0x69: {  	v36 =	vld [tilespmem:s28+$0x10440];
	v51 =	vnsel vm14, $0x0, v2;
	v35 =	vnsel vm15, $0x0, v10;
	v54 =	vnsel vm14, $0x0, v3  }
0x6a: {  	v42 =	vld [tilespmem:s18+$0x440];
	v55 =	vnsel vm15, $0x0, v11;
	v29 =	vadd.f32 v48, v46;
	v61 =	vnsel vm14, $0x0, v5  }
0x6b: {  	v52 =	vld [tilespmem:s28+$0x450];
	v37 =	vnsel vm15, $0x0, v13;
	v39 =	vnsel vm14, $0x0, v7;
	v47 =	vadd.f32 v45, v44  }
0x6c: {  	v53 =	vld [tilespmem:s28+$0x10450];
	v40 =	vnsel vm15, $0x0, v15;
	v30 =	vadd.f32 v50, v49;
	v33 =	vadd.f32 v35, v51  }
0x6d: {  	v56 =	vld [tilespmem:s28+$0x460];
	v43 =	vnsel vm14, $0x0, v6;
	v35 =	vadd.f32 v62, v38;
	v48 =	vadd.f32 v40, v39  }
0x6e: {  	v41 =	vld [tilespmem:s18+$0x10410];
	v44 =	vnsel vm15, $0x0, v14;
	v57 =	vadd.f32 v36, v34;
	v34 =	vadd.f32 v37, v61  }
0x6f: {  	v58 =	vnsel vm14, $0x0, v4;
	v45 =	vld [tilespmem:s18+$0x10400];
	v32 =	vadd.f32 v44, v43;
	v27 =	vadd.f32 v47, v25  }
0x70: {  	v59 =	vnsel vm15, $0x0, v12;
	v49 =	vld [tilespmem:s18+$0x420];
	v26 =	vadd.f32 v28, v30;
	v25 =	vadd.f32 v31, v33  }
0x71: {  	v50 =	vld [tilespmem:s18+$0x10420];
	v30 =	vadd.f32 v55, v54;
	v33 =	vadd.f32 v59, v58  }
0x72: {  	s19 =	sand.u32 $0xA, s19;
	v44 =	vld [tilespmem:s18+$0x10440];
	v28 =	vadd.f32 v53, v52;
	v31 =	vadd.f32 v60, v56  }
0x73: {  	v46 =	vmov s19;
	v47 =	vld [tilespmem:s18+$0x410];
	v30 =	vadd.f32 v29, v30;
	v29 =	vadd.f32 v57, v33  }
0x74: {  	v53 =	vld [tilespmem:s18+$0x430];
	v28 =	vadd.f32 v28, v34;
	v34 =	vperm.xlane v16, v46;
	v32 =	vadd.f32 v31, v32  }
0x75: {  	v54 =	vld [tilespmem:s18+$0x10430];
	v31 =	vadd.f32 v35, v48;
	v33 =	vadd.f32 v45, v63  }
0x76: {  	v39 =	vadd.f32 v50, v49;
	vm4 =	veq.s32 v34, $0x1;
	vm5 =	veq.s32 v34, $0x2  }
0x77: {  	v63 =	vadd.f32 v44, v42;
	v51 =	vnsel vm4, $0x0, v0;
	v52 =	vnsel vm5, $0x0, v8  }
0x78: {  	v62 =	vld [tilespmem:s18+$0x460];
	v36 =	vadd.f32 v41, v47;
	v55 =	vnsel vm4, $0x0, v1;
	v56 =	vnsel vm5, $0x0, v9  }
0x79: {  	v58 =	vld [tilespmem:s18+$0x450];
	v57 =	vnsel vm4, $0x0, v2;
	v43 =	vnsel vm5, $0x0, v10;
	v60 =	vnsel vm4, $0x0, v3  }
0x7a: {  	v59 =	vld [tilespmem:s18+$0x10450];
	v61 =	vnsel vm5, $0x0, v11;
	v37 =	vadd.f32 v54, v53;
	v45 =	vnsel vm5, $0x0, v13  }
0x7b: {  	s21 =	sor.u32 $0x3, s12;
	v46 =	vld [tilespmem:s18+$0x470];
	v54 =	vnsel vm4, $0x0, v6;
	v35 =	vadd.f32 v52, v51;
	v38 =	vadd.f32 v56, v55  }
0x7c: {  	s19 =	sshll.u32 s21, $0x7;
	v50 =	vld [tilespmem:s18+$0x10460];
	v41 =	vadd.f32 v43, v57;
	v51 =	vnsel vm4, $0x0, v5;
	v55 =	vnsel vm5, $0x0, v14  }
0x7d: {  	v48 =	vnsel vm4, $0x0, v4;
	v53 =	vld [tilespmem:s19+$0x400];
	v42 =	vadd.f32 v45, v51;
	v40 =	vadd.f32 v55, v54  }
0x7e: {  	v49 =	vnsel vm5, $0x0, v12;
	v52 =	vld [tilespmem:s18+$0x10470];
	v35 =	vadd.f32 v35, v33;
	v34 =	vadd.f32 v36, v38  }
0x7f: {  	v47 =	vnsel vm4, $0x0, v7;
	v56 =	vld [tilespmem:s19+$0x10400];
	v33 =	vadd.f32 v39, v41;
	v38 =	vadd.f32 v61, v60  }
0x80: {  	v41 =	vadd.f32 v49, v48;
	v36 =	vadd.f32 v59, v58;
	v58 =	vld [tilespmem:s19+$0x410];
	v48 =	vnsel vm5, $0x0, v15  }
0x81: {  	s21 =	sand.u32 $0xB, s21;
	v39 =	vadd.f32 v50, v62;
	v49 =	vld [tilespmem:s19+$0x10410];
	v59 =	vadd.f32 v48, v47  }
0x82: {  	v57 =	vmov s21;
	v54 =	vld [tilespmem:s19+$0x470];
	v38 =	vadd.f32 v37, v38;
	v37 =	vadd.f32 v63, v41  }
0x83: {  	v60 =	vld [tilespmem:s19+$0x10420];
	v36 =	vadd.f32 v36, v42;
	v42 =	vperm.xlane v16, v57;
	v43 =	vadd.f32 v52, v46  }
0x84: {  	v50 =	vld [tilespmem:s19+$0x440];
	v39 =	vadd.f32 v39, v40;
	v41 =	vadd.f32 v56, v53  }
0x85: {  	v47 =	vld [tilespmem:s19+$0x420];
	vm6 =	veq.s32 v42, $0x1;
	vm7 =	veq.s32 v42, $0x2;
	v40 =	vadd.f32 v43, v59  }
0x86: {  	v63 =	vld [tilespmem:s19+$0x430];
	v61 =	vnsel vm6, $0x0, v0;
	v62 =	vnsel vm7, $0x0, v8;
	v44 =	vadd.f32 v49, v58  }
0x87: {  	v56 =	vld [tilespmem:s19+$0x10430];
	v57 =	vnsel vm6, $0x0, v1;
	v58 =	vnsel vm7, $0x0, v9;
	v59 =	vnsel vm6, $0x0, v2  }
0x88: {  	v52 =	vld [tilespmem:s19+$0x10440];
	v51 =	vnsel vm7, $0x0, v10;
	v53 =	vnsel vm7, $0x0, v13;
	v43 =	vadd.f32 v62, v61  }
0x89: {  	v55 =	vnsel vm6, $0x0, v7;
	v46 =	vadd.f32 v58, v57;
	v49 =	vadd.f32 v51, v59;
	v51 =	vld [tilespmem:s19+$0x450]  }
0x8a: {  	v47 =	vadd.f32 v60, v47;
	v60 =	vnsel vm6, $0x0, v3;
	v61 =	vnsel vm7, $0x0, v11;
	v62 =	vld [tilespmem:s19+$0x460]  }
0x8b: {  	s22 =	sor.u32 $0x4, s12;
	v57 =	vnsel vm7, $0x0, v12;
	v58 =	vld [tilespmem:s19+$0x10460];
	v43 =	vadd.f32 v43, v41;
	v42 =	vadd.f32 v44, v46  }
0x8c: {  	s21 =	sshll.u32 s22, $0x7;
	v59 =	vnsel vm6, $0x0, v5;
	v44 =	vld [tilespmem:s19+$0x10450];
	v41 =	vadd.f32 v47, v49;
	v45 =	vadd.f32 v56, v63  }
0x8d: {  	v63 =	vadd.f32 v52, v50;
	v56 =	vnsel vm6, $0x0, v4;
	v50 =	vadd.f32 v53, v59;
	v53 =	vld [tilespmem:s21+$0x10400]  }
0x8e: {  	v46 =	vadd.f32 v61, v60;
	v49 =	vadd.f32 v57, v56;
	v56 =	vnsel vm7, $0x0, v15;
	v57 =	vld [tilespmem:s21+$0x10410]  }
0x8f: {  	v59 =	vadd.f32 v56, v55;
	v55 =	vld [tilespmem:s21+$0x420]  }
0x90: {  	v46 =	vadd.f32 v45, v46;
	v45 =	vadd.f32 v63, v49;
	v49 =	vld [tilespmem:s21+$0x400]  }
0x91: {  	v63 =	vld [tilespmem:s21+$0x410]  }
0x92: {  	s22 =	sand.u32 $0xC, s22;
	v60 =	vnsel vm6, $0x0, v6;
	v44 =	vadd.f32 v44, v51;
	v51 =	vld [tilespmem:s19+$0x10470]  }
0x93: {  	v61 =	vnsel vm7, $0x0, v14;
	v56 =	vld [tilespmem:s21+$0x430];
	v47 =	vadd.f32 v58, v62;
	v62 =	vmov s22  }
0x94: {  	[tilespmem:s13+$0x400] =	vst v19;
	v48 =	vadd.f32 v61, v60;
	v58 =	vld [tilespmem:s21+$0x440];
	v44 =	vadd.f32 v44, v50;
	v50 =	vperm.xlane v16, v62  }
0x95: {  	s24 =	sor.u32 $0x5, s12;
	[tilespmem:s13+$0x410] =	vst v18;
	v49 =	vadd.f32 v53, v49;
	v53 =	vld [tilespmem:s21+$0x10430]  }
0x96: {  	[tilespmem:s13+$0x420] =	vst v17;
	s22 =	sshll.u32 s24, $0x7;
	v48 =	vadd.f32 v47, v48;
	vm8 =	veq.s32 v50, $0x1;
	vm9 =	veq.s32 v50, $0x2;
	v50 =	vld [tilespmem:s21+$0x10420]  }
0x97: {  	[tilespmem:s13+$0x460] =	vst v24;
	v24 =	vld [tilespmem:s22+$0x10400];
	v52 =	vadd.f32 v57, v63;
	v51 =	vadd.f32 v51, v54  }
0x98: {  	[tilespmem:s28+$0x410] =	vst v26;
	v26 =	vld [tilespmem:s22+$0x10430];
	v60 =	vnsel vm8, $0x0, v0;
	v61 =	vnsel vm9, $0x0, v8;
	v57 =	vnsel vm8, $0x0, v2  }
0x99: {  	[tilespmem:s13+$0x430] =	vst v22;
	v47 =	vadd.f32 v51, v59;
	v51 =	vadd.f32 v61, v60;
	v59 =	vnsel vm9, $0x0, v10;
	v60 =	vld [tilespmem:s21+$0x10440]  }
0x9a: {  	[tilespmem:s13+$0x440] =	vst v21;
	v62 =	vnsel vm8, $0x0, v1;
	v57 =	vadd.f32 v59, v57;
	v59 =	vld [tilespmem:s21+$0x450]  }
0x9b: {  	[tilespmem:s13+$0x450] =	vst v20;
	v63 =	vnsel vm9, $0x0, v9;
	v18 =	vadd.f32 v53, v56;
	v53 =	vld [tilespmem:s21+$0x460];
	v55 =	vadd.f32 v50, v55  }
0x9c: {  	[tilespmem:s13+$0x470] =	vst v23;
	v54 =	vadd.f32 v63, v62;
	v62 =	vnsel vm8, $0x0, v4;
	v50 =	vadd.f32 v51, v49;
	v51 =	vld [tilespmem:s21+$0x10450]  }
0x9d: {  	[tilespmem:s28+$0x400] =	vst v27;
	v61 =	vnsel vm9, $0x0, v11;
	v56 =	vld [tilespmem:s21+$0x10460];
	v19 =	vadd.f32 v55, v57;
	v57 =	vnsel vm8, $0x0, v3  }
0x9e: {  	[tilespmem:s28+$0x420] =	vst v25;
	v63 =	vnsel vm9, $0x0, v12;
	v49 =	vadd.f32 v52, v54;
	v54 =	vld [tilespmem:s21+$0x10470];
	v52 =	vadd.f32 v61, v57  }
0x9f: {  	[tilespmem:s28+$0x430] =	vst v30;
	v22 =	vadd.f32 v63, v62;
	v17 =	vadd.f32 v60, v58;
	v60 =	vnsel vm8, $0x0, v5;
	v57 =	vld [tilespmem:s21+$0x470]  }
0xa0: {  	[tilespmem:s28+$0x440] =	vst v29;
	s24 =	sand.u32 $0xD, s24;
	v61 =	vnsel vm9, $0x0, v13;
	v58 =	vnsel vm8, $0x0, v6;
	v20 =	vadd.f32 v18, v52;
	v52 =	vld [tilespmem:s22+$0x400]  }
0xa1: {  	[tilespmem:s28+$0x450] =	vst v28;
	v63 =	vadd.f32 v61, v60;
	v60 =	vmov s24;
	v62 =	vadd.f32 v51, v59;
	v51 =	vld [tilespmem:s22+$0x410]  }
0xa2: {  	[tilespmem:s28+$0x460] =	vst v32;
	s24 =	sor.u32 $0x6, s12;
	v18 =	vadd.f32 v17, v22;
	v59 =	vnsel vm9, $0x0, v14;
	v22 =	vperm.xlane v16, v60;
	v60 =	vld [tilespmem:s22+$0x10420]  }
0xa3: {  	[tilespmem:s28+$0x470] =	vst v31;
	v23 =	vadd.f32 v56, v53;
	s28 =	sshll.u32 s24, $0x7;
	v21 =	vadd.f32 v59, v58;
	v59 =	vld [tilespmem:s22+$0x420]  }
0xa4: {  	[tilespmem:s19+$0x470] =	vst v47;
	v61 =	vnsel vm8, $0x0, v7;
	v47 =	vld [tilespmem:s28+$0x10440];
	v17 =	vadd.f32 v62, v63;
	v62 =	vnsel vm9, $0x0, v15  }
0xa5: {  	[tilespmem:s21+$0x400] =	vst v50;
	v50 =	vld [tilespmem:s28+$0x450];
	vm10 =	veq.s32 v22, $0x1;
	vm11 =	veq.s32 v22, $0x2;
	v58 =	vadd.f32 v54, v57  }
0xa6: {  	v63 =	vld [tilespmem:s22+$0x10410];
	v27 =	vadd.f32 v62, v61;
	v54 =	vnsel vm10, $0x0, v1;
	v55 =	vnsel vm11, $0x0, v9  }
0xa7: {  	s17 =	sand.u32 $0xE, s24;
	v29 =	vadd.f32 v55, v54;
	v54 =	vld [tilespmem:s22+$0x10460]  }
0xa8: {  	[tilespmem:s19+$0x400] =	vst v43;
	v43 =	vmov s17;
	v21 =	vadd.f32 v23, v21;
	v22 =	vadd.f32 v58, v27;
	v27 =	vld [tilespmem:s22+$0x430]  }
0xa9: {  	v61 =	vnsel vm10, $0x0, v0;
	v62 =	vnsel vm11, $0x0, v8;
	v23 =	vadd.f32 v60, v59;
	v59 =	vld [tilespmem:s22+$0x450]  }
0xaa: {  	[tilespmem:s18+$0x400] =	vst v35;
	v56 =	vnsel vm10, $0x0, v2;
	v57 =	vnsel vm11, $0x0, v10;
	v25 =	vadd.f32 v62, v61;
	v60 =	vld [tilespmem:s22+$0x10450]  }
0xab: {  	[tilespmem:s18+$0x410] =	vst v34;
	v53 =	vnsel vm11, $0x0, v12;
	v30 =	vadd.f32 v57, v56;
	v24 =	vadd.f32 v24, v52;
	v58 =	vld [tilespmem:s22+$0x10440]  }
0xac: {  	[tilespmem:s18+$0x450] =	vst v36;
	v61 =	vnsel vm10, $0x0, v3;
	v52 =	vnsel vm10, $0x0, v4;
	v63 =	vadd.f32 v63, v51;
	v51 =	vld [tilespmem:s22+$0x440]  }
0xad: {  	[tilespmem:s19+$0x410] =	vst v42;
	v62 =	vnsel vm11, $0x0, v11;
	v57 =	vld [tilespmem:s22+$0x470];
	v32 =	vadd.f32 v53, v52;
	v24 =	vadd.f32 v25, v24  }
0xae: {  	[tilespmem:s19+$0x420] =	vst v41;
	v52 =	vnsel vm10, $0x0, v7;
	v25 =	vadd.f32 v63, v29;
	v63 =	vadd.f32 v62, v61;
	v29 =	vld [tilespmem:s22+$0x460]  }
0xaf: {  	[tilespmem:s19+$0x430] =	vst v46;
	v53 =	vnsel vm11, $0x0, v15;
	v26 =	vadd.f32 v26, v27;
	v28 =	vadd.f32 v60, v59;
	v59 =	vld [tilespmem:s22+$0x10470]  }
0xb0: {  	[tilespmem:s19+$0x440] =	vst v45;
	v55 =	vnsel vm10, $0x0, v5;
	v36 =	vadd.f32 v53, v52;
	v23 =	vadd.f32 v23, v30;
	v60 =	vld [tilespmem:s28+$0x400]  }
0xb1: {  	[tilespmem:s19+$0x460] =	vst v48;
	v56 =	vnsel vm11, $0x0, v13;
	v51 =	vadd.f32 v58, v51;
	v26 =	vadd.f32 v26, v63;
	v63 =	vld [tilespmem:s28+$0x10400]  }
0xb2: {  	[tilespmem:s19+$0x450] =	vst v44;
	s19 =	sor.u32 $0x7, s12;
	v61 =	vnsel vm10, $0x0, v6;
	v62 =	vnsel vm11, $0x0, v14;
	v58 =	vadd.f32 v56, v55;
	v55 =	vld [tilespmem:s28+$0x420]  }
0xb3: {  	[tilespmem:s18+$0x420] =	vst v33;
	s24 =	sshll.u32 s19, $0x7;
	v31 =	vadd.f32 v62, v61;
	v56 =	vld [tilespmem:s28+$0x10420];
	v27 =	vadd.f32 v51, v32;
	v32 =	vperm.xlane v16, v43  }
0xb4: {  	[tilespmem:s18+$0x430] =	vst v38;
	v44 =	vld [tilespmem:s24+$0x400];
	v28 =	vadd.f32 v28, v58;
	v29 =	vadd.f32 v54, v29  }
0xb5: {  	[tilespmem:s21+$0x410] =	vst v49;
	v49 =	vld [tilespmem:s24+$0x410];
	v33 =	vadd.f32 v59, v57;
	vm12 =	veq.s32 v32, $0x1;
	vm13 =	veq.s32 v32, $0x2  }
0xb6: {  	[tilespmem:s18+$0x440] =	vst v37;
	v51 =	vld [tilespmem:s28+$0x410];
	v29 =	vadd.f32 v29, v31;
	v57 =	vnsel vm12, $0x0, v0;
	v58 =	vnsel vm13, $0x0, v8  }
0xb7: {  	[tilespmem:s18+$0x460] =	vst v39;
	v54 =	vld [tilespmem:s28+$0x10410];
	v30 =	vadd.f32 v63, v60;
	v61 =	vnsel vm12, $0x0, v1;
	v62 =	vnsel vm13, $0x0, v9  }
0xb8: {  	[tilespmem:s18+$0x470] =	vst v40;
	v38 =	vld [tilespmem:s24+$0x450];
	v45 =	vnsel vm12, $0x0, v2;
	v46 =	vnsel vm13, $0x0, v10;
	v31 =	vadd.f32 v56, v55  }
0xb9: {  	[tilespmem:s21+$0x420] =	vst v19;
	v59 =	vld [tilespmem:s28+$0x430];
	v52 =	vnsel vm12, $0x0, v3;
	v32 =	vadd.f32 v33, v36;
	v33 =	vadd.f32 v58, v57  }
0xba: {  	[tilespmem:s21+$0x430] =	vst v20;
	v60 =	vld [tilespmem:s28+$0x10430];
	v53 =	vnsel vm13, $0x0, v11;
	v36 =	vadd.f32 v62, v61;
	v48 =	vadd.f32 v46, v45  }
0xbb: {  	[tilespmem:s21+$0x440] =	vst v18;
	v63 =	vld [tilespmem:s28+$0x440];
	v58 =	vnsel vm12, $0x0, v4;
	v61 =	vnsel vm12, $0x0, v5;
	v62 =	vnsel vm13, $0x0, v13  }
0xbc: {  	[tilespmem:s21+$0x450] =	vst v17;
	v56 =	vld [tilespmem:s28+$0x10460];
	v45 =	vmov s19;
	v34 =	vadd.f32 v54, v51;
	v43 =	vadd.f32 v62, v61  }
0xbd: {  	[tilespmem:s21+$0x460] =	vst v21;
	v46 =	vld [tilespmem:s24+$0x10400];
	v16 =	vperm.xlane v16, v45;
	v30 =	vadd.f32 v33, v30;
	v19 =	vadd.f32 v31, v48  }
0xbe: {  	[tilespmem:s21+$0x470] =	vst v22;
	v51 =	vld [tilespmem:s28+$0x10450];
	v31 =	vadd.f32 v53, v52;
	v48 =	vnsel vm13, $0x0, v14;
	v53 =	vnsel vm12, $0x0, v7  }
0xbf: {  	[tilespmem:s22+$0x400] =	vst v24;
	v54 =	vld [tilespmem:s28+$0x460];
	v33 =	vadd.f32 v34, v36;
	vm14 =	veq.s32 v16, $0x1;
	vm15 =	veq.s32 v16, $0x2  }
0xc0: {  	v41 =	vld [tilespmem:s24+$0x10450];
	[tilespmem:s22+$0x420] =	vst v23;
	v55 =	vadd.f32 v60, v59;
	v57 =	vadd.f32 v47, v63;
	v59 =	vnsel vm13, $0x0, v12  }
0xc1: {  	[tilespmem:s22+$0x410] =	vst v25;
	v62 =	vld [tilespmem:s24+$0x10430];
	v47 =	vnsel vm12, $0x0, v6;
	v61 =	vnsel vm15, $0x0, v9;
	v39 =	vnsel vm14, $0x0, v2  }
0xc2: {  	[tilespmem:s22+$0x430] =	vst v26;
	v60 =	vld [tilespmem:s28+$0x470];
	v40 =	vnsel vm15, $0x0, v10;
	v17 =	vadd.f32 v59, v58;
	v24 =	vadd.f32 v48, v47  }
0xc3: {  	[tilespmem:s22+$0x440] =	vst v27;
	v63 =	vld [tilespmem:s28+$0x10470];
	v18 =	vadd.f32 v46, v44;
	v58 =	vnsel vm15, $0x0, v8;
	v42 =	vadd.f32 v51, v50  }
0xc4: {  	[tilespmem:s22+$0x450] =	vst v28;
	v16 =	vld [tilespmem:s24+$0x10420];
	v20 =	vadd.f32 v55, v31;
	v50 =	vadd.f32 v56, v54;
	v54 =	vnsel vm13, $0x0, v15  }
0xc5: {  	[tilespmem:s22+$0x460] =	vst v29;
	v59 =	vld [tilespmem:s24+$0x430];
	v47 =	vnsel vm14, $0x0, v4;
	v17 =	vadd.f32 v57, v17;
	v56 =	vadd.f32 v54, v53  }
0xc6: {  	[tilespmem:s22+$0x470] =	vst v32;
	v51 =	vld [tilespmem:s24+$0x10410];
	v57 =	vnsel vm14, $0x0, v0;
	v54 =	vadd.f32 v41, v38;
	v21 =	vadd.f32 v42, v43  }
0xc7: {  	[tilespmem:s28+$0x400] =	vst v30;
	v48 =	vnsel vm15, $0x0, v12;
	v55 =	vld [tilespmem:s24+$0x420];
	v27 =	vadd.f32 v58, v57;
	v24 =	vadd.f32 v50, v24  }
0xc8: {  	v34 =	vld [tilespmem:s24+$0x10440];
	[tilespmem:s28+$0x420] =	vst v19;
	v42 =	vadd.f32 v40, v39;
	v52 =	vadd.f32 v63, v60;
	v60 =	vnsel vm14, $0x0, v1  }
0xc9: {  	[tilespmem:s28+$0x410] =	vst v33;
	v44 =	vnsel vm15, $0x0, v11;
	v46 =	vld [tilespmem:s24+$0x460];
	v50 =	vadd.f32 v48, v47;
	v28 =	vadd.f32 v61, v60  }
0xca: {  	v53 =	vld [tilespmem:s24+$0x470];
	v43 =	vnsel vm14, $0x0, v3;
	[tilespmem:s28+$0x430] =	vst v20;
	v18 =	vadd.f32 v27, v18;
	v45 =	vadd.f32 v62, v59  }
0xcb: {  	v63 =	vld [tilespmem:s24+$0x440];
	[tilespmem:s28+$0x440] =	vst v17;
	v27 =	vadd.f32 v44, v43;
	v61 =	vnsel vm14, $0x0, v7;
	v22 =	vadd.f32 v51, v49  }
0xcc: {  	[tilespmem:s28+$0x450] =	vst v21;
	v62 =	vnsel vm15, $0x0, v15;
	v23 =	vadd.f32 v52, v56;
	v16 =	vadd.f32 v16, v55;
	v49 =	vld [tilespmem:s24+$0x10460]  }
0xcd: {  	[tilespmem:s28+$0x460] =	vst v24;
	v51 =	vnsel vm14, $0x0, v5;
	v52 =	vnsel vm15, $0x0, v13;
	v55 =	vld [tilespmem:s24+$0x10470];
	v21 =	vadd.f32 v62, v61  }
0xce: {  	v25 =	vadd.f32 v52, v51;
	v56 =	vadd.f32 v45, v27;
	[tilespmem:s24+$0x400] =	vst v18  }
0xcf: {  	v59 =	vnsel vm14, $0x0, v6;
	v22 =	vadd.f32 v22, v28;
	[tilespmem:s28+$0x470] =	vst v23;
	v16 =	vadd.f32 v16, v42  }
0xd0: {  	v60 =	vnsel vm15, $0x0, v14;
	v17 =	vadd.f32 v34, v63;
	v57 =	vadd.f32 v54, v25;
	[tilespmem:s24+$0x430] =	vst v56  }
0xd1: {  	p0 =	slt.u32 s12, $0xF8;
	[tilespmem:s24+$0x420] =	vst v16;
	v16 =	vadd.f32 v60, v59;
	v58 =	vadd.f32 v49, v46  }
.Ltmp0:
0xd2: {  	[tilespmem:s24+$0x410] =	vst v22;
	v17 =	vadd.f32 v17, v50;
	v63 =	vadd.f32 v55, v53;
	(pc) =	sbr.rel @p0 .LBB2_3-.Ltmp0, $4  }
0xd3: {  	[tilespmem:s24+$0x450] =	vst v57;
	v16 =	vadd.f32 v58, v16  }
0xd4: {  	[tilespmem:s24+$0x440] =	vst v17;
	v17 =	vadd.f32 v63, v21  }
0xd5: {  	s28 =	sadd.s32 $0x8, s12;
	[tilespmem:s24+$0x460] =	vst v16  }
0xd6: {  	s12 =	smov.u32 s28;
	[tilespmem:s24+$0x470] =	vst v17  }
0xd7: {  	p0 =	seq.s32 s10, $0xF  }
0xd8: {  	s12 =	sadd.s32 @!p0 s11, s14  }
0xd9: {  	s12 =	sshrl.u32 @!p0 s12, $0x3  }
0xda: {  	s17 =	simm.s32 @!p0 $0x0;
	s13 =	sadd.s32 @!p0 s1, s12  }
0xdb: {  	[tilespmem:s17], [sflag:$0x5] =	stream.linear.gather @!p0 [hbm4b:s13+s17], $0x100, $0x38;
	[tilespmem:$0x18580] =	vst v63  }
0xdc: {  	s28 =	sshll.u32 s10, $0xE;
	s12 =	sadd.s32 @!p0 s2, s12;
	s13 =	simm.s32 @!p0 $0x200  }
0xdd: {  	[tilespmem:s13], [sflag:$0x5] =	stream.linear.gather @!p0 [hbm4b:s12+s17], $0x100, $0x38;
	[tilespmem:$0x18580] =	vst v63  }
0xde: {  	s12 =	sadd.s32 s28, s15  }
0xdf: {  	[hbm4b:s12+s8] =	stream.linear.scatter [tilespmem:s31], [sflag:$0x3], $0x8000, $0x38;
	[tilespmem:$0x18580] =	vst v63  }
0xe0: {  	_ =	swait.ge [sflag:s5], $0x8000  }
0xe1: {  	[sflag:s5] =	ssyncset.done $0x0  }
0xe2: {  	s12 =	simm.s32 @!p0 $0x3;
	[sflag:s5] =	ssyncadd.s32 $0xFFFF8000  }
0xe3: {  	_ =	swait.ge @!p0 [sflag:s12], $0x8000  }
0xe4: {  	[sflag:s12] =	ssyncset.done @!p0 $0x0  }
0xe5: {  	[sflag:s12] =	ssyncadd.s32 @!p0 $0xFFFF8000;
	s12 =	simm.s32 @!p0 $0x5  }
0xe6: {  	_ =	swait.ge @!p0 [sflag:s12], $0x100  }
0xe7: {  	[sflag:s12] =	ssyncset.done @!p0 $0x0  }
0xe8: {  	[sflag:s12] =	ssyncadd.s32 @!p0 $0xFFFFFF00  }
0xe9: {  	_ =	swait.ge @!p0 [sflag:s12], $0x100  }
0xea: {  	[sflag:s12] =	ssyncset.done @!p0 $0x0  }
0xeb: {  	s13 =	simm.s32 @!p0 $0x400;
	[sflag:s12] =	ssyncadd.s32 @!p0 $0xFFFFFF00;
	s12 =	simm.s32 @!p0 $0x100  }
0xec: {  	[tilespmem:s13], [sflag:$0x1] =	stream.indirect.gather @!p0 [hbm4b:s3+s12], $0x80, s17, s12, $0xb8;
	[tilespmem:$0x18580] =	vst v63  }
0xed: {  	s12 =	sor.u32 $0x200, s11;
	s13 =	simm.s32 $0x0  }
.LBB2_5:
0xee: {  	s17 =	sand.u32 $0xF0, s13  }
0xef: {  	v16 =	vld [tilespmem:s17+$0x300];
	s17 =	sshll.u32 s13, $0x7  }
0xf0: {  	v17 =	vld [tilespmem:s17+$0x8400]  }
0xf1: {  	v18 =	vld [tilespmem:s17+$0x10400]  }
0xf2: {  	v20 =	vld [tilespmem:s17+$0x8410]  }
0xf3: {  	v21 =	vld [tilespmem:s17+$0x10410]  }
0xf4: {  	v22 =	vld [tilespmem:s17+$0x8420]  }
0xf5: {  	v45 =	vld [tilespmem:s17+$0x10420]  }
0xf6: {  	s18 =	sand.u32 $0x8, s13;
	s19 =	sor.u32 $0x1, s13;
	v26 =	vld [tilespmem:s17+$0x8440]  }
0xf7: {  	v19 =	vmov s18;
	s18 =	sshll.u32 s19, $0x7;
	v28 =	vld [tilespmem:s17+$0x10440]  }
0xf8: {  	v40 =	vld [tilespmem:s18+$0x8410]  }
0xf9: {  	v33 =	vld [tilespmem:s18+$0x10410]  }
0xfa: {  	v25 =	vld [tilespmem:s17+$0x8430]  }
0xfb: {  	v47 =	vld [tilespmem:s17+$0x10430];
	v19 =	vperm.xlane v16, v19;
	v17 =	vadd.f32 v18, v17  }
0xfc: {  	v51 =	vld [tilespmem:s17+$0x8450];
	v20 =	vadd.f32 v21, v20;
	v22 =	vadd.f32 v45, v22  }
0xfd: {  	v52 =	vld [tilespmem:s17+$0x10450];
	v56 =	vadd.f32 v28, v26;
	vm0 =	veq.s32 v19, $0x1;
	vm1 =	veq.s32 v19, $0x2  }
0xfe: {  	v30 =	vld [tilespmem:s17+$0x8470];
	v28 =	vadd.f32 v33, v40;
	v23 =	vnsel vm0, $0x0, v0;
	v24 =	vnsel vm1, $0x0, v8  }
0xff: {  	v62 =	vld [tilespmem:s17+$0x10470];
	v48 =	vnsel vm0, $0x0, v1;
	v49 =	vnsel vm1, $0x0, v9;
	v50 =	vnsel vm0, $0x0, v2  }
0x100: {  	v55 =	vld [tilespmem:s17+$0x8460];
	v27 =	vnsel vm1, $0x0, v10;
	v53 =	vnsel vm0, $0x0, v3;
	v57 =	vnsel vm0, $0x0, v4  }
0x101: {  	v59 =	vld [tilespmem:s17+$0x10460];
	v58 =	vnsel vm1, $0x0, v12;
	v60 =	vnsel vm0, $0x0, v5;
	v46 =	vadd.f32 v24, v23  }
0x102: {  	v63 =	vld [tilespmem:s18+$0x8400];
	v29 =	vnsel vm1, $0x0, v13;
	v21 =	vadd.f32 v49, v48;
	v24 =	vadd.f32 v27, v50  }
0x103: {  	v38 =	vld [tilespmem:s18+$0x10400];
	v31 =	vnsel vm0, $0x0, v7;
	v23 =	vadd.f32 v47, v25;
	v26 =	vadd.f32 v58, v57  }
0x104: {  	v42 =	vld [tilespmem:s18+$0x8420];
	v32 =	vnsel vm1, $0x0, v15;
	v61 =	vadd.f32 v29, v60;
	v29 =	vadd.f32 v62, v30  }
0x105: {  	s19 =	sand.u32 $0x9, s19;
	v43 =	vld [tilespmem:s18+$0x10420];
	v54 =	vnsel vm1, $0x0, v11;
	v41 =	vadd.f32 v32, v31;
	v19 =	vadd.f32 v46, v17  }
0x106: {  	v39 =	vmov s19;
	v18 =	vadd.f32 v20, v21;
	v21 =	vadd.f32 v54, v53  }
0x107: {  	v34 =	vld [tilespmem:s18+$0x8440];
	v36 =	vnsel vm0, $0x0, v6;
	v17 =	vadd.f32 v22, v24;
	v20 =	vadd.f32 v52, v51  }
0x108: {  	v37 =	vnsel vm1, $0x0, v14;
	v48 =	vld [tilespmem:s18+$0x10430];
	v24 =	vadd.f32 v59, v55;
	v22 =	vadd.f32 v23, v21  }
0x109: {  	v60 =	vld [tilespmem:s18+$0x10460];
	v21 =	vadd.f32 v56, v26;
	v23 =	vadd.f32 v37, v36;
	v26 =	vperm.xlane v16, v39  }
0x10a: {  	v25 =	vadd.f32 v38, v63;
	v31 =	vadd.f32 v43, v42;
	v46 =	vld [tilespmem:s18+$0x8430]  }
0x10b: {  	s21 =	sor.u32 $0x2, s13;
	v38 =	vld [tilespmem:s18+$0x8470];
	v20 =	vadd.f32 v20, v61;
	v24 =	vadd.f32 v24, v23;
	vm14 =	veq.s32 v26, $0x1  }
0x10c: {  	s19 =	sshll.u32 s21, $0x7;
	v62 =	vld [tilespmem:s18+$0x10470];
	vm15 =	veq.s32 v26, $0x2;
	v23 =	vadd.f32 v29, v41;
	v44 =	vnsel vm14, $0x0, v0  }
0x10d: {  	v63 =	vld [tilespmem:s19+$0x8400];
	v45 =	vnsel vm15, $0x0, v8;
	v49 =	vnsel vm14, $0x0, v1;
	v50 =	vnsel vm15, $0x0, v9  }
0x10e: {  	v36 =	vld [tilespmem:s18+$0x10440];
	v51 =	vnsel vm14, $0x0, v2;
	v35 =	vnsel vm15, $0x0, v10;
	v54 =	vnsel vm14, $0x0, v3  }
0x10f: {  	v42 =	vld [tilespmem:s19+$0x8440];
	v55 =	vnsel vm15, $0x0, v11;
	v29 =	vadd.f32 v48, v46;
	v61 =	vnsel vm14, $0x0, v5  }
0x110: {  	v52 =	vld [tilespmem:s18+$0x8450];
	v37 =	vnsel vm15, $0x0, v13;
	v39 =	vnsel vm14, $0x0, v7;
	v47 =	vadd.f32 v45, v44  }
0x111: {  	v53 =	vld [tilespmem:s18+$0x10450];
	v40 =	vnsel vm15, $0x0, v15;
	v30 =	vadd.f32 v50, v49;
	v33 =	vadd.f32 v35, v51  }
0x112: {  	v56 =	vld [tilespmem:s18+$0x8460];
	v43 =	vnsel vm14, $0x0, v6;
	v35 =	vadd.f32 v62, v38;
	v48 =	vadd.f32 v40, v39  }
0x113: {  	v41 =	vld [tilespmem:s19+$0x10410];
	v44 =	vnsel vm15, $0x0, v14;
	v57 =	vadd.f32 v36, v34;
	v34 =	vadd.f32 v37, v61  }
0x114: {  	v58 =	vnsel vm14, $0x0, v4;
	v45 =	vld [tilespmem:s19+$0x10400];
	v32 =	vadd.f32 v44, v43;
	v27 =	vadd.f32 v47, v25  }
0x115: {  	v59 =	vnsel vm15, $0x0, v12;
	v49 =	vld [tilespmem:s19+$0x8420];
	v26 =	vadd.f32 v28, v30;
	v25 =	vadd.f32 v31, v33  }
0x116: {  	v50 =	vld [tilespmem:s19+$0x10420];
	v30 =	vadd.f32 v55, v54;
	v33 =	vadd.f32 v59, v58  }
0x117: {  	s21 =	sand.u32 $0xA, s21;
	v44 =	vld [tilespmem:s19+$0x10440];
	v28 =	vadd.f32 v53, v52;
	v31 =	vadd.f32 v60, v56  }
0x118: {  	v46 =	vmov s21;
	v47 =	vld [tilespmem:s19+$0x8410];
	v30 =	vadd.f32 v29, v30;
	v29 =	vadd.f32 v57, v33  }
0x119: {  	v53 =	vld [tilespmem:s19+$0x8430];
	v28 =	vadd.f32 v28, v34;
	v34 =	vperm.xlane v16, v46;
	v32 =	vadd.f32 v31, v32  }
0x11a: {  	v54 =	vld [tilespmem:s19+$0x10430];
	v31 =	vadd.f32 v35, v48;
	v33 =	vadd.f32 v45, v63  }
0x11b: {  	v39 =	vadd.f32 v50, v49;
	vm4 =	veq.s32 v34, $0x1;
	vm5 =	veq.s32 v34, $0x2  }
0x11c: {  	v63 =	vadd.f32 v44, v42;
	v51 =	vnsel vm4, $0x0, v0;
	v52 =	vnsel vm5, $0x0, v8  }
0x11d: {  	v62 =	vld [tilespmem:s19+$0x8460];
	v36 =	vadd.f32 v41, v47;
	v55 =	vnsel vm4, $0x0, v1;
	v56 =	vnsel vm5, $0x0, v9  }
0x11e: {  	v58 =	vld [tilespmem:s19+$0x8450];
	v57 =	vnsel vm4, $0x0, v2;
	v43 =	vnsel vm5, $0x0, v10;
	v60 =	vnsel vm4, $0x0, v3  }
0x11f: {  	v59 =	vld [tilespmem:s19+$0x10450];
	v61 =	vnsel vm5, $0x0, v11;
	v37 =	vadd.f32 v54, v53;
	v45 =	vnsel vm5, $0x0, v13  }
0x120: {  	s22 =	sor.u32 $0x3, s13;
	v46 =	vld [tilespmem:s19+$0x8470];
	v54 =	vnsel vm4, $0x0, v6;
	v35 =	vadd.f32 v52, v51;
	v38 =	vadd.f32 v56, v55  }
0x121: {  	s21 =	sshll.u32 s22, $0x7;
	v50 =	vld [tilespmem:s19+$0x10460];
	v41 =	vadd.f32 v43, v57;
	v51 =	vnsel vm4, $0x0, v5;
	v55 =	vnsel vm5, $0x0, v14  }
0x122: {  	v48 =	vnsel vm4, $0x0, v4;
	v53 =	vld [tilespmem:s21+$0x8400];
	v42 =	vadd.f32 v45, v51;
	v40 =	vadd.f32 v55, v54  }
0x123: {  	v49 =	vnsel vm5, $0x0, v12;
	v52 =	vld [tilespmem:s19+$0x10470];
	v35 =	vadd.f32 v35, v33;
	v34 =	vadd.f32 v36, v38  }
0x124: {  	v47 =	vnsel vm4, $0x0, v7;
	v56 =	vld [tilespmem:s21+$0x10400];
	v33 =	vadd.f32 v39, v41;
	v38 =	vadd.f32 v61, v60  }
0x125: {  	v41 =	vadd.f32 v49, v48;
	v36 =	vadd.f32 v59, v58;
	v58 =	vld [tilespmem:s21+$0x8410];
	v48 =	vnsel vm5, $0x0, v15  }
0x126: {  	s22 =	sand.u32 $0xB, s22;
	v39 =	vadd.f32 v50, v62;
	v49 =	vld [tilespmem:s21+$0x10410];
	v59 =	vadd.f32 v48, v47  }
0x127: {  	v57 =	vmov s22;
	v54 =	vld [tilespmem:s21+$0x8470];
	v38 =	vadd.f32 v37, v38;
	v37 =	vadd.f32 v63, v41  }
0x128: {  	v60 =	vld [tilespmem:s21+$0x10420];
	v36 =	vadd.f32 v36, v42;
	v42 =	vperm.xlane v16, v57;
	v43 =	vadd.f32 v52, v46  }
0x129: {  	v50 =	vld [tilespmem:s21+$0x8440];
	v39 =	vadd.f32 v39, v40;
	v41 =	vadd.f32 v56, v53  }
0x12a: {  	v47 =	vld [tilespmem:s21+$0x8420];
	vm6 =	veq.s32 v42, $0x1;
	vm7 =	veq.s32 v42, $0x2;
	v40 =	vadd.f32 v43, v59  }
0x12b: {  	v63 =	vld [tilespmem:s21+$0x8430];
	v61 =	vnsel vm6, $0x0, v0;
	v62 =	vnsel vm7, $0x0, v8;
	v44 =	vadd.f32 v49, v58  }
0x12c: {  	[tilespmem:s17+$0x8400] =	vst v19;
	v56 =	vld [tilespmem:s21+$0x10430];
	v57 =	vnsel vm6, $0x0, v1;
	v58 =	vnsel vm7, $0x0, v9;
	v59 =	vnsel vm6, $0x0, v2  }
0x12d: {  	[tilespmem:s17+$0x8410] =	vst v18;
	v52 =	vld [tilespmem:s21+$0x10440];
	v51 =	vnsel vm7, $0x0, v10;
	v53 =	vnsel vm7, $0x0, v13;
	v43 =	vadd.f32 v62, v61  }
0x12e: {  	[tilespmem:s17+$0x8420] =	vst v17;
	v55 =	vnsel vm6, $0x0, v7;
	v46 =	vadd.f32 v58, v57;
	v49 =	vadd.f32 v51, v59;
	v51 =	vld [tilespmem:s21+$0x8450]  }
0x12f: {  	[tilespmem:s17+$0x8430] =	vst v22;
	v47 =	vadd.f32 v60, v47;
	v60 =	vnsel vm6, $0x0, v3;
	v61 =	vnsel vm7, $0x0, v11;
	v62 =	vld [tilespmem:s21+$0x8460]  }
0x130: {  	s24 =	sor.u32 $0x4, s13;
	[tilespmem:s17+$0x8440] =	vst v21;
	v57 =	vnsel vm7, $0x0, v12;
	v58 =	vld [tilespmem:s21+$0x10460];
	v43 =	vadd.f32 v43, v41;
	v42 =	vadd.f32 v44, v46  }
0x131: {  	[tilespmem:s17+$0x8450] =	vst v20;
	s22 =	sshll.u32 s24, $0x7;
	v59 =	vnsel vm6, $0x0, v5;
	v44 =	vld [tilespmem:s21+$0x10450];
	v41 =	vadd.f32 v47, v49;
	v45 =	vadd.f32 v56, v63  }
0x132: {  	[tilespmem:s17+$0x8460] =	vst v24;
	v63 =	vadd.f32 v52, v50;
	v56 =	vnsel vm6, $0x0, v4;
	v50 =	vadd.f32 v53, v59;
	v53 =	vld [tilespmem:s22+$0x10400]  }
0x133: {  	[tilespmem:s17+$0x8470] =	vst v23;
	v46 =	vadd.f32 v61, v60;
	v49 =	vadd.f32 v57, v56;
	v56 =	vnsel vm7, $0x0, v15;
	v57 =	vld [tilespmem:s22+$0x10410]  }
0x134: {  	[tilespmem:s18+$0x8400] =	vst v27;
	v59 =	vadd.f32 v56, v55;
	v55 =	vld [tilespmem:s22+$0x8420]  }
0x135: {  	[tilespmem:s18+$0x8410] =	vst v26;
	v46 =	vadd.f32 v45, v46;
	v45 =	vadd.f32 v63, v49;
	v49 =	vld [tilespmem:s22+$0x8400]  }
0x136: {  	[tilespmem:s18+$0x8420] =	vst v25;
	v63 =	vld [tilespmem:s22+$0x8410]  }
0x137: {  	[tilespmem:s18+$0x8430] =	vst v30;
	v60 =	vnsel vm6, $0x0, v6;
	v61 =	vnsel vm7, $0x0, v14;
	v44 =	vadd.f32 v44, v51;
	v51 =	vld [tilespmem:s21+$0x10470]  }
0x138: {  	s28 =	sor.u32 $0x5, s13;
	[tilespmem:s18+$0x8440] =	vst v29;
	s24 =	sand.u32 $0xC, s24;
	v48 =	vadd.f32 v61, v60;
	v56 =	vld [tilespmem:s22+$0x8430];
	v47 =	vadd.f32 v58, v62  }
0x139: {  	[tilespmem:s18+$0x8450] =	vst v28;
	v62 =	vmov s24;
	v58 =	vld [tilespmem:s22+$0x8440];
	s24 =	sshll.u32 s28, $0x7  }
0x13a: {  	[tilespmem:s18+$0x8460] =	vst v32;
	v24 =	vld [tilespmem:s24+$0x10400];
	v48 =	vadd.f32 v47, v48;
	v44 =	vadd.f32 v44, v50;
	v50 =	vperm.xlane v16, v62  }
0x13b: {  	[tilespmem:s18+$0x8470] =	vst v31;
	v49 =	vadd.f32 v53, v49;
	v53 =	vld [tilespmem:s22+$0x10430];
	v52 =	vadd.f32 v57, v63  }
0x13c: {  	[tilespmem:s21+$0x8400] =	vst v43;
	vm8 =	veq.s32 v50, $0x1;
	vm9 =	veq.s32 v50, $0x2;
	v50 =	vld [tilespmem:s22+$0x10420];
	v51 =	vadd.f32 v51, v54  }
0x13d: {  	[tilespmem:s21+$0x8410] =	vst v42;
	v26 =	vld [tilespmem:s24+$0x10430];
	v60 =	vnsel vm8, $0x0, v0;
	v61 =	vnsel vm9, $0x0, v8;
	v57 =	vnsel vm8, $0x0, v2  }
0x13e: {  	s17 =	sor.u32 $0x6, s13;
	[tilespmem:s21+$0x8420] =	vst v41;
	v47 =	vadd.f32 v51, v59;
	v51 =	vadd.f32 v61, v60;
	v59 =	vnsel vm9, $0x0, v10;
	v60 =	vld [tilespmem:s22+$0x10440]  }
0x13f: {  	s18 =	sand.u32 $0xE, s17;
	[tilespmem:s21+$0x8430] =	vst v46;
	v62 =	vnsel vm8, $0x0, v1;
	v63 =	vnsel vm9, $0x0, v9;
	v57 =	vadd.f32 v59, v57;
	v59 =	vld [tilespmem:s22+$0x8450]  }
0x140: {  	v43 =	vmov s18;
	[tilespmem:s21+$0x8440] =	vst v45;
	v54 =	vadd.f32 v63, v62;
	v18 =	vadd.f32 v53, v56;
	v53 =	vld [tilespmem:s22+$0x8460]  }
0x141: {  	[tilespmem:s21+$0x8460] =	vst v48;
	v62 =	vnsel vm8, $0x0, v4;
	v63 =	vnsel vm9, $0x0, v12;
	v56 =	vld [tilespmem:s22+$0x10460];
	v55 =	vadd.f32 v50, v55  }
0x142: {  	s18 =	sor.u32 $0x7, s13;
	[tilespmem:s21+$0x8450] =	vst v44;
	v61 =	vnsel vm9, $0x0, v11;
	v22 =	vadd.f32 v63, v62;
	v50 =	vadd.f32 v51, v49;
	v51 =	vld [tilespmem:s22+$0x10450]  }
0x143: {  	v49 =	vadd.f32 v52, v54;
	v54 =	vld [tilespmem:s22+$0x10470];
	[tilespmem:s21+$0x8470] =	vst v47;
	s21 =	sshll.u32 s18, $0x7;
	v19 =	vadd.f32 v55, v57;
	v57 =	vnsel vm8, $0x0, v3  }
0x144: {  	v44 =	vld [tilespmem:s21+$0x8400];
	v52 =	vadd.f32 v61, v57;
	v17 =	vadd.f32 v60, v58  }
0x145: {  	s28 =	sand.u32 $0xD, s28;
	v60 =	vnsel vm8, $0x0, v5;
	v61 =	vnsel vm9, $0x0, v13;
	v57 =	vld [tilespmem:s22+$0x8470];
	v58 =	vnsel vm8, $0x0, v6  }
0x146: {  	[tilespmem:s19+$0x8430] =	vst v38;
	v38 =	vld [tilespmem:s21+$0x8450];
	v63 =	vadd.f32 v61, v60;
	v23 =	vadd.f32 v56, v53;
	v60 =	vmov s28  }
0x147: {  	v61 =	vnsel vm8, $0x0, v7;
	v62 =	vadd.f32 v51, v59;
	v20 =	vadd.f32 v18, v52;
	v52 =	vld [tilespmem:s24+$0x8400]  }
0x148: {  	v18 =	vadd.f32 v17, v22;
	v59 =	vnsel vm9, $0x0, v14;
	v22 =	vperm.xlane v16, v60;
	v60 =	vld [tilespmem:s24+$0x10420]  }
0x149: {  	v21 =	vadd.f32 v59, v58;
	v59 =	vld [tilespmem:s24+$0x8420];
	v17 =	vadd.f32 v62, v63;
	v62 =	vnsel vm9, $0x0, v15  }
0x14a: {  	v51 =	vld [tilespmem:s24+$0x8410];
	vm10 =	veq.s32 v22, $0x1;
	vm11 =	veq.s32 v22, $0x2;
	v58 =	vadd.f32 v54, v57  }
0x14b: {  	v63 =	vld [tilespmem:s24+$0x10410];
	v27 =	vadd.f32 v62, v61;
	v54 =	vnsel vm10, $0x0, v1;
	v55 =	vnsel vm11, $0x0, v9  }
0x14c: {  	v29 =	vadd.f32 v55, v54;
	v54 =	vld [tilespmem:s24+$0x10460]  }
0x14d: {  	v21 =	vadd.f32 v23, v21;
	v22 =	vadd.f32 v58, v27;
	v27 =	vld [tilespmem:s24+$0x8430]  }
0x14e: {  	v61 =	vnsel vm10, $0x0, v0;
	v62 =	vnsel vm11, $0x0, v8;
	v23 =	vadd.f32 v60, v59;
	v59 =	vld [tilespmem:s24+$0x8450]  }
0x14f: {  	v56 =	vnsel vm10, $0x0, v2;
	v57 =	vnsel vm11, $0x0, v10;
	v25 =	vadd.f32 v62, v61;
	v60 =	vld [tilespmem:s24+$0x10450]  }
0x150: {  	v53 =	vnsel vm11, $0x0, v12;
	v30 =	vadd.f32 v57, v56;
	v24 =	vadd.f32 v24, v52;
	v58 =	vld [tilespmem:s24+$0x10440]  }
0x151: {  	v61 =	vnsel vm10, $0x0, v3;
	v52 =	vnsel vm10, $0x0, v4;
	v63 =	vadd.f32 v63, v51;
	v51 =	vld [tilespmem:s24+$0x8440]  }
0x152: {  	v62 =	vnsel vm11, $0x0, v11;
	v57 =	vld [tilespmem:s24+$0x8470];
	v32 =	vadd.f32 v53, v52;
	v24 =	vadd.f32 v25, v24  }
0x153: {  	v52 =	vnsel vm10, $0x0, v7;
	v25 =	vadd.f32 v63, v29;
	v63 =	vadd.f32 v62, v61;
	v29 =	vld [tilespmem:s24+$0x8460]  }
0x154: {  	s28 =	sshll.u32 s17, $0x7;
	v53 =	vnsel vm11, $0x0, v15;
	v26 =	vadd.f32 v26, v27;
	v28 =	vadd.f32 v60, v59;
	v59 =	vld [tilespmem:s24+$0x10470]  }
0x155: {  	[tilespmem:s19+$0x8450] =	vst v36;
	v55 =	vnsel vm10, $0x0, v5;
	v36 =	vadd.f32 v53, v52;
	v23 =	vadd.f32 v23, v30;
	v60 =	vld [tilespmem:s28+$0x8400]  }
0x156: {  	[tilespmem:s19+$0x8400] =	vst v35;
	v56 =	vnsel vm11, $0x0, v13;
	v51 =	vadd.f32 v58, v51;
	v26 =	vadd.f32 v26, v63;
	v63 =	vld [tilespmem:s28+$0x10400]  }
0x157: {  	[tilespmem:s19+$0x8410] =	vst v34;
	v61 =	vnsel vm10, $0x0, v6;
	v62 =	vnsel vm11, $0x0, v14;
	v58 =	vadd.f32 v56, v55;
	v55 =	vld [tilespmem:s28+$0x8420]  }
0x158: {  	[tilespmem:s19+$0x8420] =	vst v33;
	v31 =	vadd.f32 v62, v61;
	v56 =	vld [tilespmem:s28+$0x10420];
	v27 =	vadd.f32 v51, v32;
	v32 =	vperm.xlane v16, v43  }
0x159: {  	[tilespmem:s19+$0x8440] =	vst v37;
	v41 =	vld [tilespmem:s21+$0x10450];
	v28 =	vadd.f32 v28, v58;
	v29 =	vadd.f32 v54, v29  }
0x15a: {  	[tilespmem:s19+$0x8460] =	vst v39;
	v47 =	vld [tilespmem:s28+$0x10440];
	v33 =	vadd.f32 v59, v57;
	vm12 =	veq.s32 v32, $0x1;
	vm13 =	veq.s32 v32, $0x2  }
0x15b: {  	[tilespmem:s19+$0x8470] =	vst v40;
	v51 =	vld [tilespmem:s28+$0x8410];
	v29 =	vadd.f32 v29, v31;
	v57 =	vnsel vm12, $0x0, v0;
	v58 =	vnsel vm13, $0x0, v8  }
0x15c: {  	[tilespmem:s22+$0x8400] =	vst v50;
	v54 =	vld [tilespmem:s28+$0x10410];
	v30 =	vadd.f32 v63, v60;
	v61 =	vnsel vm12, $0x0, v1;
	v62 =	vnsel vm13, $0x0, v9  }
0x15d: {  	[tilespmem:s22+$0x8410] =	vst v49;
	v50 =	vld [tilespmem:s28+$0x8450];
	v45 =	vnsel vm12, $0x0, v2;
	v46 =	vnsel vm13, $0x0, v10;
	v31 =	vadd.f32 v56, v55  }
0x15e: {  	[tilespmem:s22+$0x8420] =	vst v19;
	v59 =	vld [tilespmem:s28+$0x8430];
	v52 =	vnsel vm12, $0x0, v3;
	v32 =	vadd.f32 v33, v36;
	v33 =	vadd.f32 v58, v57  }
0x15f: {  	[tilespmem:s22+$0x8430] =	vst v20;
	v60 =	vld [tilespmem:s28+$0x10430];
	v53 =	vnsel vm13, $0x0, v11;
	v36 =	vadd.f32 v62, v61;
	v48 =	vadd.f32 v46, v45  }
0x160: {  	[tilespmem:s22+$0x8440] =	vst v18;
	v63 =	vld [tilespmem:s28+$0x8440];
	v58 =	vnsel vm12, $0x0, v4;
	v61 =	vnsel vm12, $0x0, v5;
	v62 =	vnsel vm13, $0x0, v13  }
0x161: {  	[tilespmem:s22+$0x8450] =	vst v17;
	v56 =	vld [tilespmem:s28+$0x10460];
	v45 =	vmov s18;
	v34 =	vadd.f32 v54, v51;
	v43 =	vadd.f32 v62, v61  }
0x162: {  	[tilespmem:s22+$0x8460] =	vst v21;
	v46 =	vld [tilespmem:s21+$0x10400];
	v16 =	vperm.xlane v16, v45;
	v30 =	vadd.f32 v33, v30;
	v19 =	vadd.f32 v31, v48  }
0x163: {  	[tilespmem:s22+$0x8470] =	vst v22;
	v51 =	vld [tilespmem:s28+$0x10450];
	v31 =	vadd.f32 v53, v52;
	v48 =	vnsel vm13, $0x0, v14;
	v53 =	vnsel vm12, $0x0, v7  }
0x164: {  	[tilespmem:s24+$0x8400] =	vst v24;
	v54 =	vld [tilespmem:s28+$0x8460];
	v33 =	vadd.f32 v34, v36;
	vm14 =	veq.s32 v16, $0x1;
	vm15 =	veq.s32 v16, $0x2  }
0x165: {  	v49 =	vld [tilespmem:s21+$0x8410];
	[tilespmem:s24+$0x8420] =	vst v23;
	v55 =	vadd.f32 v60, v59;
	v57 =	vadd.f32 v47, v63;
	v59 =	vnsel vm13, $0x0, v12  }
0x166: {  	[tilespmem:s24+$0x8410] =	vst v25;
	v62 =	vld [tilespmem:s21+$0x10430];
	v47 =	vnsel vm12, $0x0, v6;
	v61 =	vnsel vm15, $0x0, v9;
	v39 =	vnsel vm14, $0x0, v2  }
0x167: {  	[tilespmem:s24+$0x8430] =	vst v26;
	v60 =	vld [tilespmem:s28+$0x8470];
	v40 =	vnsel vm15, $0x0, v10;
	v17 =	vadd.f32 v59, v58;
	v24 =	vadd.f32 v48, v47  }
0x168: {  	[tilespmem:s24+$0x8440] =	vst v27;
	v63 =	vld [tilespmem:s28+$0x10470];
	v18 =	vadd.f32 v46, v44;
	v58 =	vnsel vm15, $0x0, v8;
	v42 =	vadd.f32 v51, v50  }
0x169: {  	[tilespmem:s24+$0x8450] =	vst v28;
	v16 =	vld [tilespmem:s21+$0x10420];
	v20 =	vadd.f32 v55, v31;
	v50 =	vadd.f32 v56, v54;
	v54 =	vnsel vm13, $0x0, v15  }
0x16a: {  	[tilespmem:s24+$0x8460] =	vst v29;
	v59 =	vld [tilespmem:s21+$0x8430];
	v47 =	vnsel vm14, $0x0, v4;
	v17 =	vadd.f32 v57, v17;
	v56 =	vadd.f32 v54, v53  }
0x16b: {  	[tilespmem:s24+$0x8470] =	vst v32;
	v51 =	vld [tilespmem:s21+$0x10410];
	v57 =	vnsel vm14, $0x0, v0;
	v54 =	vadd.f32 v41, v38;
	v21 =	vadd.f32 v42, v43  }
0x16c: {  	[tilespmem:s28+$0x8400] =	vst v30;
	v48 =	vnsel vm15, $0x0, v12;
	v55 =	vld [tilespmem:s21+$0x8420];
	v27 =	vadd.f32 v58, v57;
	v24 =	vadd.f32 v50, v24  }
0x16d: {  	v34 =	vld [tilespmem:s21+$0x10440];
	[tilespmem:s28+$0x8420] =	vst v19;
	v42 =	vadd.f32 v40, v39;
	v52 =	vadd.f32 v63, v60;
	v60 =	vnsel vm14, $0x0, v1  }
0x16e: {  	[tilespmem:s28+$0x8410] =	vst v33;
	v44 =	vnsel vm15, $0x0, v11;
	v46 =	vld [tilespmem:s21+$0x8460];
	v50 =	vadd.f32 v48, v47;
	v28 =	vadd.f32 v61, v60  }
0x16f: {  	v53 =	vld [tilespmem:s21+$0x8470];
	v43 =	vnsel vm14, $0x0, v3;
	[tilespmem:s28+$0x8430] =	vst v20;
	v18 =	vadd.f32 v27, v18;
	v45 =	vadd.f32 v62, v59  }
0x170: {  	v63 =	vld [tilespmem:s21+$0x8440];
	[tilespmem:s28+$0x8440] =	vst v17;
	v27 =	vadd.f32 v44, v43;
	v61 =	vnsel vm14, $0x0, v7;
	v22 =	vadd.f32 v51, v49  }
0x171: {  	[tilespmem:s28+$0x8450] =	vst v21;
	v62 =	vnsel vm15, $0x0, v15;
	v23 =	vadd.f32 v52, v56;
	v16 =	vadd.f32 v16, v55;
	v49 =	vld [tilespmem:s21+$0x10460]  }
0x172: {  	[tilespmem:s28+$0x8460] =	vst v24;
	v51 =	vnsel vm14, $0x0, v5;
	v52 =	vnsel vm15, $0x0, v13;
	v55 =	vld [tilespmem:s21+$0x10470];
	v21 =	vadd.f32 v62, v61  }
0x173: {  	v25 =	vadd.f32 v52, v51;
	v56 =	vadd.f32 v45, v27;
	[tilespmem:s21+$0x8400] =	vst v18  }
0x174: {  	v59 =	vnsel vm14, $0x0, v6;
	v22 =	vadd.f32 v22, v28;
	[tilespmem:s28+$0x8470] =	vst v23;
	v16 =	vadd.f32 v16, v42  }
0x175: {  	v60 =	vnsel vm15, $0x0, v14;
	v17 =	vadd.f32 v34, v63;
	v57 =	vadd.f32 v54, v25;
	[tilespmem:s21+$0x8430] =	vst v56  }
0x176: {  	p1 =	slt.u32 s13, $0xF8;
	[tilespmem:s21+$0x8420] =	vst v16;
	v16 =	vadd.f32 v60, v59;
	v58 =	vadd.f32 v49, v46  }
.Ltmp1:
0x177: {  	[tilespmem:s21+$0x8410] =	vst v22;
	v17 =	vadd.f32 v17, v50;
	v63 =	vadd.f32 v55, v53;
	(pc) =	sbr.rel @p1 .LBB2_5-.Ltmp1, $4  }
0x178: {  	[tilespmem:s21+$0x8450] =	vst v57;
	v16 =	vadd.f32 v58, v16  }
0x179: {  	[tilespmem:s21+$0x8440] =	vst v17;
	v17 =	vadd.f32 v63, v21  }
0x17a: {  	s28 =	sadd.s32 $0x8, s13;
	[tilespmem:s21+$0x8460] =	vst v16  }
0x17b: {  	s13 =	smov.u32 s28;
	[tilespmem:s21+$0x8470] =	vst v17  }
0x17c: {  	s11 =	sadd.s32 @!p0 s11, s16  }
0x17d: {  	s11 =	sshrl.u32 @!p0 s11, $0x3  }
0x17e: {  	s17 =	simm.s32 @!p0 $0x0;
	s18 =	simm.s32 @!p0 $0x100;
	s13 =	sadd.s32 @!p0 s1, s11  }
0x17f: {  	[tilespmem:s18], [sflag:$0x6] =	stream.linear.gather @!p0 [hbm4b:s13+s17], $0x100, $0x38;
	[tilespmem:$0x18580] =	vst v63  }
0x180: {  	s10 =	sadd.s32 $0x1, s10;
	s11 =	sadd.s32 @!p0 s2, s11;
	s13 =	simm.s32 @!p0 $0x300  }
0x181: {  	[tilespmem:s13], [sflag:$0x6] =	stream.linear.gather @!p0 [hbm4b:s11+s17], $0x100, $0x38;
	[tilespmem:$0x18580] =	vst v63  }
0x182: {  	p0 =	sne.s32 s10, $0x10  }
.Ltmp2:
0x183: {  	_ = 	snop;
	(pc) =	sbr.rel @p0 .LBB2_2-.Ltmp2, $4  }
0x184: {  	s28 =	sadd.s32 s9, s12  }
0x185: {  	s11 =	sshll.u32 s28, $0x4  }
0x186: {  	s11 =	sadd.s32 s7, s11  }
0x187: {  	[hbm4b:s11+s8] =	stream.linear.scatter [tilespmem:s25], [sflag:$0x4], $0x8000, $0x38;
	[tilespmem:$0x18580] =	vst v63  }
0x188: {  	s10 =	simm.s32 $0x3  }
0x189: {  	_ =	swait.ge [sflag:s10], $0x8000  }
0x18a: {  	[sflag:s10] =	ssyncset.done $0x0  }
0x18b: {  	[sflag:s10] =	ssyncadd.s32 $0xFFFF8000  }
0x18c: {  	_ =	swait.ge [sflag:s29], $0x8000  }
0x18d: {  	s12 =	simm.s32 $0x10400;
	[sflag:s29] =	ssyncset.done $0x0  }
0x18e: {  	s10 =	simm.s32 $0x0;
	s11 =	rddreg [dreg:$0xb];
	[sflag:s29] =	ssyncadd.s32 $0xFFFF8000  }
0x18f: {  	[tilespmem:s12], [sflag:$0x7] =	stream.linear.gather [hbm4b:s11+s10], $0x8000, $0x38;
	[tilespmem:$0x18580] =	vst v63  }
0x190: {  	_ =	swait.ge [sflag:s26], $0x8000  }
0x191: {  	[sflag:s26] =	ssyncset.done $0x0  }
0x192: {  	s18 =	rddreg [dreg:$0xc];
	[sflag:s26] =	ssyncadd.s32 $0xFFFF8000  }
0x193: {  	[tilespmem:s10], [sflag:$0x7] =	stream.linear.gather [hbm4b:s18+s10], $0x100, $0x38;
	[tilespmem:$0x18580] =	vst v63  }
0x194: {  	_ =	swait.ge [sflag:s26], $0x100  }
0x195: {  	[sflag:s26] =	ssyncset.done $0x0  }
0x196: {  	s21 =	simm.s32 $0x200;
	s19 =	rddreg [dreg:$0xd];
	[sflag:s26] =	ssyncadd.s32 $0xFFFFFF00  }
0x197: {  	[tilespmem:s21], [sflag:$0x7] =	stream.linear.gather [hbm4b:s19+s10], $0x100, $0x38;
	[tilespmem:$0x18580] =	vst v63  }
0x198: {  	_ =	swait.ge [sflag:s26], $0x100  }
0x199: {  	[sflag:s26] =	ssyncset.done $0x0  }
0x19a: {  	[sflag:s26] =	ssyncadd.s32 $0xFFFFFF00  }
0x19b: {  	[tilespmem:s31], [sflag:$0x1] =	stream.indirect.gather [hbm4b:s3+s30], $0x80, s10, s30, $0xb8;
	[tilespmem:$0x18580] =	vst v63  }
0x19c: {  	s22 =	rddreg [dreg:$0xe]  }
0x19d: {  	[tilespmem:s30], [sflag:$0x6] =	stream.linear.gather [hbm4b:s22+s10], $0x100, $0x38;
	[tilespmem:$0x18580] =	vst v63  }
0x19e: {  	s28 =	simm.s32 $0x300;
	s24 =	rddreg [dreg:$0xf]  }
0x19f: {  	[tilespmem:s28], [sflag:$0x6] =	stream.linear.gather [hbm4b:s24+s10], $0x100, $0x38;
	[tilespmem:$0x18580] =	vst v63  }
.LBB2_8:
0x1a0: {  	_ =	swait.ge [sflag:s6], $0x8000  }
0x1a1: {  	p0 =	seq.s32 s10, $0x0;
	[sflag:s6] =	ssyncset.done $0x0  }
0x1a2: {  	s11 =	simm.s32 @!p0 $0x4;
	[sflag:s6] =	ssyncadd.s32 $0xFFFF8000  }
0x1a3: {  	_ =	swait.ge @!p0 [sflag:s11], $0x8000  }
0x1a4: {  	[sflag:s11] =	ssyncset.done @!p0 $0x0  }
0x1a5: {  	[sflag:s11] =	ssyncadd.s32 @!p0 $0xFFFF8000  }
0x1a6: {  	_ =	swait.ge [sflag:s4], $0x100  }
0x1a7: {  	[sflag:s4] =	ssyncset.done $0x0  }
0x1a8: {  	[sflag:s4] =	ssyncadd.s32 $0xFFFFFF00  }
0x1a9: {  	_ =	swait.ge [sflag:s4], $0x100  }
0x1aa: {  	[sflag:s4] =	ssyncset.done $0x0  }
0x1ab: {  	s12 =	simm.s32 $0x0;
	s11 =	sshll.u32 s10, $0xA;
	[sflag:s4] =	ssyncadd.s32 $0xFFFFFF00  }
0x1ac: {  	[tilespmem:s25], [sflag:$0x2] =	stream.indirect.gather [hbm4b:s3+s30], $0x80, s30, s30, $0xb8;
	[tilespmem:$0x18580] =	vst v63  }
.LBB2_9:
0x1ad: {  	s13 =	sand.u32 $0xF0, s12  }
0x1ae: {  	v16 =	vld [tilespmem:s13+$0x200];
	s13 =	sshll.u32 s12, $0x7  }
0x1af: {  	v17 =	vld [tilespmem:s13+$0x400]  }
0x1b0: {  	v18 =	vld [tilespmem:s13+$0x10400]  }
0x1b1: {  	v20 =	vld [tilespmem:s13+$0x410]  }
0x1b2: {  	v21 =	vld [tilespmem:s13+$0x10410]  }
0x1b3: {  	v22 =	vld [tilespmem:s13+$0x420]  }
0x1b4: {  	v45 =	vld [tilespmem:s13+$0x10420]  }
0x1b5: {  	s18 =	sor.u32 $0x1, s12;
	v26 =	vld [tilespmem:s13+$0x440]  }
0x1b6: {  	s28 =	sshll.u32 s18, $0x7;
	v28 =	vld [tilespmem:s13+$0x10440]  }
0x1b7: {  	v40 =	vld [tilespmem:s28+$0x410]  }
0x1b8: {  	s17 =	sand.u32 $0x8, s12;
	v33 =	vld [tilespmem:s28+$0x10410]  }
0x1b9: {  	v19 =	vmov s17;
	v25 =	vld [tilespmem:s13+$0x430]  }
0x1ba: {  	v47 =	vld [tilespmem:s13+$0x10430];
	v19 =	vperm.xlane v16, v19;
	v17 =	vadd.f32 v18, v17  }
0x1bb: {  	v51 =	vld [tilespmem:s13+$0x450];
	v20 =	vadd.f32 v21, v20;
	v22 =	vadd.f32 v45, v22  }
0x1bc: {  	v52 =	vld [tilespmem:s13+$0x10450];
	v56 =	vadd.f32 v28, v26;
	vm0 =	veq.s32 v19, $0x1;
	vm1 =	veq.s32 v19, $0x2  }
0x1bd: {  	v30 =	vld [tilespmem:s13+$0x470];
	v28 =	vadd.f32 v33, v40;
	v23 =	vnsel vm0, $0x0, v0;
	v24 =	vnsel vm1, $0x0, v8  }
0x1be: {  	v62 =	vld [tilespmem:s13+$0x10470];
	v48 =	vnsel vm0, $0x0, v1;
	v49 =	vnsel vm1, $0x0, v9;
	v50 =	vnsel vm0, $0x0, v2  }
0x1bf: {  	v55 =	vld [tilespmem:s13+$0x460];
	v27 =	vnsel vm1, $0x0, v10;
	v53 =	vnsel vm0, $0x0, v3;
	v57 =	vnsel vm0, $0x0, v4  }
0x1c0: {  	v59 =	vld [tilespmem:s13+$0x10460];
	v58 =	vnsel vm1, $0x0, v12;
	v60 =	vnsel vm0, $0x0, v5;
	v46 =	vadd.f32 v24, v23  }
0x1c1: {  	v63 =	vld [tilespmem:s28+$0x400];
	v29 =	vnsel vm1, $0x0, v13;
	v21 =	vadd.f32 v49, v48;
	v24 =	vadd.f32 v27, v50  }
0x1c2: {  	v38 =	vld [tilespmem:s28+$0x10400];
	v31 =	vnsel vm0, $0x0, v7;
	v23 =	vadd.f32 v47, v25;
	v26 =	vadd.f32 v58, v57  }
0x1c3: {  	v42 =	vld [tilespmem:s28+$0x420];
	v32 =	vnsel vm1, $0x0, v15;
	v61 =	vadd.f32 v29, v60;
	v29 =	vadd.f32 v62, v30  }
0x1c4: {  	s18 =	sand.u32 $0x9, s18;
	v43 =	vld [tilespmem:s28+$0x10420];
	v54 =	vnsel vm1, $0x0, v11;
	v41 =	vadd.f32 v32, v31;
	v19 =	vadd.f32 v46, v17  }
0x1c5: {  	v39 =	vmov s18;
	v18 =	vadd.f32 v20, v21;
	v21 =	vadd.f32 v54, v53  }
0x1c6: {  	v34 =	vld [tilespmem:s28+$0x440];
	v36 =	vnsel vm0, $0x0, v6;
	v17 =	vadd.f32 v22, v24;
	v20 =	vadd.f32 v52, v51  }
0x1c7: {  	v37 =	vnsel vm1, $0x0, v14;
	v48 =	vld [tilespmem:s28+$0x10430];
	v24 =	vadd.f32 v59, v55;
	v22 =	vadd.f32 v23, v21  }
0x1c8: {  	v60 =	vld [tilespmem:s28+$0x10460];
	v21 =	vadd.f32 v56, v26;
	v23 =	vadd.f32 v37, v36;
	v26 =	vperm.xlane v16, v39  }
0x1c9: {  	v25 =	vadd.f32 v38, v63;
	v31 =	vadd.f32 v43, v42;
	v46 =	vld [tilespmem:s28+$0x430]  }
0x1ca: {  	s19 =	sor.u32 $0x2, s12;
	v38 =	vld [tilespmem:s28+$0x470];
	v20 =	vadd.f32 v20, v61;
	v24 =	vadd.f32 v24, v23;
	vm14 =	veq.s32 v26, $0x1  }
0x1cb: {  	s18 =	sshll.u32 s19, $0x7;
	v62 =	vld [tilespmem:s28+$0x10470];
	vm15 =	veq.s32 v26, $0x2;
	v23 =	vadd.f32 v29, v41;
	v44 =	vnsel vm14, $0x0, v0  }
0x1cc: {  	v63 =	vld [tilespmem:s18+$0x400];
	v45 =	vnsel vm15, $0x0, v8;
	v49 =	vnsel vm14, $0x0, v1;
	v50 =	vnsel vm15, $0x0, v9  }
0x1cd: {  	v36 =	vld [tilespmem:s28+$0x10440];
	v51 =	vnsel vm14, $0x0, v2;
	v35 =	vnsel vm15, $0x0, v10;
	v54 =	vnsel vm14, $0x0, v3  }
0x1ce: {  	v42 =	vld [tilespmem:s18+$0x440];
	v55 =	vnsel vm15, $0x0, v11;
	v29 =	vadd.f32 v48, v46;
	v61 =	vnsel vm14, $0x0, v5  }
0x1cf: {  	v52 =	vld [tilespmem:s28+$0x450];
	v37 =	vnsel vm15, $0x0, v13;
	v39 =	vnsel vm14, $0x0, v7;
	v47 =	vadd.f32 v45, v44  }
0x1d0: {  	v53 =	vld [tilespmem:s28+$0x10450];
	v40 =	vnsel vm15, $0x0, v15;
	v30 =	vadd.f32 v50, v49;
	v33 =	vadd.f32 v35, v51  }
0x1d1: {  	v56 =	vld [tilespmem:s28+$0x460];
	v43 =	vnsel vm14, $0x0, v6;
	v35 =	vadd.f32 v62, v38;
	v48 =	vadd.f32 v40, v39  }
0x1d2: {  	v41 =	vld [tilespmem:s18+$0x10410];
	v44 =	vnsel vm15, $0x0, v14;
	v57 =	vadd.f32 v36, v34;
	v34 =	vadd.f32 v37, v61  }
0x1d3: {  	v58 =	vnsel vm14, $0x0, v4;
	v45 =	vld [tilespmem:s18+$0x10400];
	v32 =	vadd.f32 v44, v43;
	v27 =	vadd.f32 v47, v25  }
0x1d4: {  	v59 =	vnsel vm15, $0x0, v12;
	v49 =	vld [tilespmem:s18+$0x420];
	v26 =	vadd.f32 v28, v30;
	v25 =	vadd.f32 v31, v33  }
0x1d5: {  	v50 =	vld [tilespmem:s18+$0x10420];
	v30 =	vadd.f32 v55, v54;
	v33 =	vadd.f32 v59, v58  }
0x1d6: {  	s19 =	sand.u32 $0xA, s19;
	v44 =	vld [tilespmem:s18+$0x10440];
	v28 =	vadd.f32 v53, v52;
	v31 =	vadd.f32 v60, v56  }
0x1d7: {  	v46 =	vmov s19;
	v47 =	vld [tilespmem:s18+$0x410];
	v30 =	vadd.f32 v29, v30;
	v29 =	vadd.f32 v57, v33  }
0x1d8: {  	v53 =	vld [tilespmem:s18+$0x430];
	v28 =	vadd.f32 v28, v34;
	v34 =	vperm.xlane v16, v46;
	v32 =	vadd.f32 v31, v32  }
0x1d9: {  	v54 =	vld [tilespmem:s18+$0x10430];
	v31 =	vadd.f32 v35, v48;
	v33 =	vadd.f32 v45, v63  }
0x1da: {  	v39 =	vadd.f32 v50, v49;
	vm4 =	veq.s32 v34, $0x1;
	vm5 =	veq.s32 v34, $0x2  }
0x1db: {  	v63 =	vadd.f32 v44, v42;
	v51 =	vnsel vm4, $0x0, v0;
	v52 =	vnsel vm5, $0x0, v8  }
0x1dc: {  	v62 =	vld [tilespmem:s18+$0x460];
	v36 =	vadd.f32 v41, v47;
	v55 =	vnsel vm4, $0x0, v1;
	v56 =	vnsel vm5, $0x0, v9  }
0x1dd: {  	v58 =	vld [tilespmem:s18+$0x450];
	v57 =	vnsel vm4, $0x0, v2;
	v43 =	vnsel vm5, $0x0, v10;
	v60 =	vnsel vm4, $0x0, v3  }
0x1de: {  	v59 =	vld [tilespmem:s18+$0x10450];
	v61 =	vnsel vm5, $0x0, v11;
	v37 =	vadd.f32 v54, v53;
	v45 =	vnsel vm5, $0x0, v13  }
0x1df: {  	s21 =	sor.u32 $0x3, s12;
	v46 =	vld [tilespmem:s18+$0x470];
	v54 =	vnsel vm4, $0x0, v6;
	v35 =	vadd.f32 v52, v51;
	v38 =	vadd.f32 v56, v55  }
0x1e0: {  	s19 =	sshll.u32 s21, $0x7;
	v50 =	vld [tilespmem:s18+$0x10460];
	v41 =	vadd.f32 v43, v57;
	v51 =	vnsel vm4, $0x0, v5;
	v55 =	vnsel vm5, $0x0, v14  }
0x1e1: {  	v48 =	vnsel vm4, $0x0, v4;
	v53 =	vld [tilespmem:s19+$0x400];
	v42 =	vadd.f32 v45, v51;
	v40 =	vadd.f32 v55, v54  }
0x1e2: {  	v49 =	vnsel vm5, $0x0, v12;
	v52 =	vld [tilespmem:s18+$0x10470];
	v35 =	vadd.f32 v35, v33;
	v34 =	vadd.f32 v36, v38  }
0x1e3: {  	v47 =	vnsel vm4, $0x0, v7;
	v56 =	vld [tilespmem:s19+$0x10400];
	v33 =	vadd.f32 v39, v41;
	v38 =	vadd.f32 v61, v60  }
0x1e4: {  	v41 =	vadd.f32 v49, v48;
	v36 =	vadd.f32 v59, v58;
	v58 =	vld [tilespmem:s19+$0x410];
	v48 =	vnsel vm5, $0x0, v15  }
0x1e5: {  	s21 =	sand.u32 $0xB, s21;
	v39 =	vadd.f32 v50, v62;
	v49 =	vld [tilespmem:s19+$0x10410];
	v59 =	vadd.f32 v48, v47  }
0x1e6: {  	v57 =	vmov s21;
	v54 =	vld [tilespmem:s19+$0x470];
	v38 =	vadd.f32 v37, v38;
	v37 =	vadd.f32 v63, v41  }
0x1e7: {  	v60 =	vld [tilespmem:s19+$0x10420];
	v36 =	vadd.f32 v36, v42;
	v42 =	vperm.xlane v16, v57;
	v43 =	vadd.f32 v52, v46  }
0x1e8: {  	v50 =	vld [tilespmem:s19+$0x440];
	v39 =	vadd.f32 v39, v40;
	v41 =	vadd.f32 v56, v53  }
0x1e9: {  	v47 =	vld [tilespmem:s19+$0x420];
	vm6 =	veq.s32 v42, $0x1;
	vm7 =	veq.s32 v42, $0x2;
	v40 =	vadd.f32 v43, v59  }
0x1ea: {  	v63 =	vld [tilespmem:s19+$0x430];
	v61 =	vnsel vm6, $0x0, v0;
	v62 =	vnsel vm7, $0x0, v8;
	v44 =	vadd.f32 v49, v58  }
0x1eb: {  	v56 =	vld [tilespmem:s19+$0x10430];
	v57 =	vnsel vm6, $0x0, v1;
	v58 =	vnsel vm7, $0x0, v9;
	v59 =	vnsel vm6, $0x0, v2  }
0x1ec: {  	v52 =	vld [tilespmem:s19+$0x10440];
	v51 =	vnsel vm7, $0x0, v10;
	v53 =	vnsel vm7, $0x0, v13;
	v43 =	vadd.f32 v62, v61  }
0x1ed: {  	v55 =	vnsel vm6, $0x0, v7;
	v46 =	vadd.f32 v58, v57;
	v49 =	vadd.f32 v51, v59;
	v51 =	vld [tilespmem:s19+$0x450]  }
0x1ee: {  	v47 =	vadd.f32 v60, v47;
	v60 =	vnsel vm6, $0x0, v3;
	v61 =	vnsel vm7, $0x0, v11;
	v62 =	vld [tilespmem:s19+$0x460]  }
0x1ef: {  	s22 =	sor.u32 $0x4, s12;
	v57 =	vnsel vm7, $0x0, v12;
	v58 =	vld [tilespmem:s19+$0x10460];
	v43 =	vadd.f32 v43, v41;
	v42 =	vadd.f32 v44, v46  }
0x1f0: {  	s21 =	sshll.u32 s22, $0x7;
	v59 =	vnsel vm6, $0x0, v5;
	v44 =	vld [tilespmem:s19+$0x10450];
	v41 =	vadd.f32 v47, v49;
	v45 =	vadd.f32 v56, v63  }
0x1f1: {  	v63 =	vadd.f32 v52, v50;
	v56 =	vnsel vm6, $0x0, v4;
	v50 =	vadd.f32 v53, v59;
	v53 =	vld [tilespmem:s21+$0x10400]  }
0x1f2: {  	v46 =	vadd.f32 v61, v60;
	v49 =	vadd.f32 v57, v56;
	v56 =	vnsel vm7, $0x0, v15;
	v57 =	vld [tilespmem:s21+$0x10410]  }
0x1f3: {  	v59 =	vadd.f32 v56, v55;
	v55 =	vld [tilespmem:s21+$0x420]  }
0x1f4: {  	v46 =	vadd.f32 v45, v46;
	v45 =	vadd.f32 v63, v49;
	v49 =	vld [tilespmem:s21+$0x400]  }
0x1f5: {  	v63 =	vld [tilespmem:s21+$0x410]  }
0x1f6: {  	s22 =	sand.u32 $0xC, s22;
	v60 =	vnsel vm6, $0x0, v6;
	v44 =	vadd.f32 v44, v51;
	v51 =	vld [tilespmem:s19+$0x10470]  }
0x1f7: {  	v61 =	vnsel vm7, $0x0, v14;
	v56 =	vld [tilespmem:s21+$0x430];
	v47 =	vadd.f32 v58, v62;
	v62 =	vmov s22  }
0x1f8: {  	[tilespmem:s13+$0x400] =	vst v19;
	v48 =	vadd.f32 v61, v60;
	v58 =	vld [tilespmem:s21+$0x440];
	v44 =	vadd.f32 v44, v50;
	v50 =	vperm.xlane v16, v62  }
0x1f9: {  	s24 =	sor.u32 $0x5, s12;
	[tilespmem:s13+$0x410] =	vst v18;
	v49 =	vadd.f32 v53, v49;
	v53 =	vld [tilespmem:s21+$0x10430]  }
0x1fa: {  	[tilespmem:s13+$0x420] =	vst v17;
	s22 =	sshll.u32 s24, $0x7;
	v48 =	vadd.f32 v47, v48;
	vm8 =	veq.s32 v50, $0x1;
	vm9 =	veq.s32 v50, $0x2;
	v50 =	vld [tilespmem:s21+$0x10420]  }
0x1fb: {  	[tilespmem:s13+$0x460] =	vst v24;
	v24 =	vld [tilespmem:s22+$0x10400];
	v52 =	vadd.f32 v57, v63;
	v51 =	vadd.f32 v51, v54  }
0x1fc: {  	[tilespmem:s28+$0x410] =	vst v26;
	v26 =	vld [tilespmem:s22+$0x10430];
	v60 =	vnsel vm8, $0x0, v0;
	v61 =	vnsel vm9, $0x0, v8;
	v57 =	vnsel vm8, $0x0, v2  }
0x1fd: {  	[tilespmem:s13+$0x430] =	vst v22;
	v47 =	vadd.f32 v51, v59;
	v51 =	vadd.f32 v61, v60;
	v59 =	vnsel vm9, $0x0, v10;
	v60 =	vld [tilespmem:s21+$0x10440]  }
0x1fe: {  	[tilespmem:s13+$0x440] =	vst v21;
	v62 =	vnsel vm8, $0x0, v1;
	v57 =	vadd.f32 v59, v57;
	v59 =	vld [tilespmem:s21+$0x450]  }
0x1ff: {  	[tilespmem:s13+$0x450] =	vst v20;
	v63 =	vnsel vm9, $0x0, v9;
	v18 =	vadd.f32 v53, v56;
	v53 =	vld [tilespmem:s21+$0x460];
	v55 =	vadd.f32 v50, v55  }
0x200: {  	[tilespmem:s13+$0x470] =	vst v23;
	v54 =	vadd.f32 v63, v62;
	v62 =	vnsel vm8, $0x0, v4;
	v50 =	vadd.f32 v51, v49;
	v51 =	vld [tilespmem:s21+$0x10450]  }
0x201: {  	[tilespmem:s28+$0x400] =	vst v27;
	v61 =	vnsel vm9, $0x0, v11;
	v56 =	vld [tilespmem:s21+$0x10460];
	v19 =	vadd.f32 v55, v57;
	v57 =	vnsel vm8, $0x0, v3  }
0x202: {  	[tilespmem:s28+$0x420] =	vst v25;
	v63 =	vnsel vm9, $0x0, v12;
	v49 =	vadd.f32 v52, v54;
	v54 =	vld [tilespmem:s21+$0x10470];
	v52 =	vadd.f32 v61, v57  }
0x203: {  	[tilespmem:s28+$0x430] =	vst v30;
	v22 =	vadd.f32 v63, v62;
	v17 =	vadd.f32 v60, v58;
	v60 =	vnsel vm8, $0x0, v5;
	v57 =	vld [tilespmem:s21+$0x470]  }
0x204: {  	[tilespmem:s28+$0x440] =	vst v29;
	s24 =	sand.u32 $0xD, s24;
	v61 =	vnsel vm9, $0x0, v13;
	v58 =	vnsel vm8, $0x0, v6;
	v20 =	vadd.f32 v18, v52;
	v52 =	vld [tilespmem:s22+$0x400]  }
0x205: {  	[tilespmem:s28+$0x450] =	vst v28;
	v63 =	vadd.f32 v61, v60;
	v60 =	vmov s24;
	v62 =	vadd.f32 v51, v59;
	v51 =	vld [tilespmem:s22+$0x410]  }
0x206: {  	[tilespmem:s28+$0x460] =	vst v32;
	s24 =	sor.u32 $0x6, s12;
	v18 =	vadd.f32 v17, v22;
	v59 =	vnsel vm9, $0x0, v14;
	v22 =	vperm.xlane v16, v60;
	v60 =	vld [tilespmem:s22+$0x10420]  }
0x207: {  	[tilespmem:s28+$0x470] =	vst v31;
	v23 =	vadd.f32 v56, v53;
	s28 =	sshll.u32 s24, $0x7;
	v21 =	vadd.f32 v59, v58;
	v59 =	vld [tilespmem:s22+$0x420]  }
0x208: {  	[tilespmem:s19+$0x470] =	vst v47;
	v61 =	vnsel vm8, $0x0, v7;
	v47 =	vld [tilespmem:s28+$0x10440];
	v17 =	vadd.f32 v62, v63;
	v62 =	vnsel vm9, $0x0, v15  }
0x209: {  	[tilespmem:s21+$0x400] =	vst v50;
	v50 =	vld [tilespmem:s28+$0x450];
	vm10 =	veq.s32 v22, $0x1;
	vm11 =	veq.s32 v22, $0x2;
	v58 =	vadd.f32 v54, v57  }
0x20a: {  	v63 =	vld [tilespmem:s22+$0x10410];
	v27 =	vadd.f32 v62, v61;
	v54 =	vnsel vm10, $0x0, v1;
	v55 =	vnsel vm11, $0x0, v9  }
0x20b: {  	s17 =	sand.u32 $0xE, s24;
	v29 =	vadd.f32 v55, v54;
	v54 =	vld [tilespmem:s22+$0x10460]  }
0x20c: {  	[tilespmem:s19+$0x400] =	vst v43;
	v43 =	vmov s17;
	v21 =	vadd.f32 v23, v21;
	v22 =	vadd.f32 v58, v27;
	v27 =	vld [tilespmem:s22+$0x430]  }
0x20d: {  	v61 =	vnsel vm10, $0x0, v0;
	v62 =	vnsel vm11, $0x0, v8;
	v23 =	vadd.f32 v60, v59;
	v59 =	vld [tilespmem:s22+$0x450]  }
0x20e: {  	[tilespmem:s18+$0x400] =	vst v35;
	v56 =	vnsel vm10, $0x0, v2;
	v57 =	vnsel vm11, $0x0, v10;
	v25 =	vadd.f32 v62, v61;
	v60 =	vld [tilespmem:s22+$0x10450]  }
0x20f: {  	[tilespmem:s18+$0x410] =	vst v34;
	v53 =	vnsel vm11, $0x0, v12;
	v30 =	vadd.f32 v57, v56;
	v24 =	vadd.f32 v24, v52;
	v58 =	vld [tilespmem:s22+$0x10440]  }
0x210: {  	[tilespmem:s18+$0x450] =	vst v36;
	v61 =	vnsel vm10, $0x0, v3;
	v52 =	vnsel vm10, $0x0, v4;
	v63 =	vadd.f32 v63, v51;
	v51 =	vld [tilespmem:s22+$0x440]  }
0x211: {  	[tilespmem:s19+$0x410] =	vst v42;
	v62 =	vnsel vm11, $0x0, v11;
	v57 =	vld [tilespmem:s22+$0x470];
	v32 =	vadd.f32 v53, v52;
	v24 =	vadd.f32 v25, v24  }
0x212: {  	[tilespmem:s19+$0x420] =	vst v41;
	v52 =	vnsel vm10, $0x0, v7;
	v25 =	vadd.f32 v63, v29;
	v63 =	vadd.f32 v62, v61;
	v29 =	vld [tilespmem:s22+$0x460]  }
0x213: {  	[tilespmem:s19+$0x430] =	vst v46;
	v53 =	vnsel vm11, $0x0, v15;
	v26 =	vadd.f32 v26, v27;
	v28 =	vadd.f32 v60, v59;
	v59 =	vld [tilespmem:s22+$0x10470]  }
0x214: {  	[tilespmem:s19+$0x440] =	vst v45;
	v55 =	vnsel vm10, $0x0, v5;
	v36 =	vadd.f32 v53, v52;
	v23 =	vadd.f32 v23, v30;
	v60 =	vld [tilespmem:s28+$0x400]  }
0x215: {  	[tilespmem:s19+$0x460] =	vst v48;
	v56 =	vnsel vm11, $0x0, v13;
	v51 =	vadd.f32 v58, v51;
	v26 =	vadd.f32 v26, v63;
	v63 =	vld [tilespmem:s28+$0x10400]  }
0x216: {  	[tilespmem:s19+$0x450] =	vst v44;
	s19 =	sor.u32 $0x7, s12;
	v61 =	vnsel vm10, $0x0, v6;
	v62 =	vnsel vm11, $0x0, v14;
	v58 =	vadd.f32 v56, v55;
	v55 =	vld [tilespmem:s28+$0x420]  }
0x217: {  	[tilespmem:s18+$0x420] =	vst v33;
	s24 =	sshll.u32 s19, $0x7;
	v31 =	vadd.f32 v62, v61;
	v56 =	vld [tilespmem:s28+$0x10420];
	v27 =	vadd.f32 v51, v32;
	v32 =	vperm.xlane v16, v43  }
0x218: {  	[tilespmem:s18+$0x430] =	vst v38;
	v44 =	vld [tilespmem:s24+$0x400];
	v28 =	vadd.f32 v28, v58;
	v29 =	vadd.f32 v54, v29  }
0x219: {  	[tilespmem:s21+$0x410] =	vst v49;
	v49 =	vld [tilespmem:s24+$0x410];
	v33 =	vadd.f32 v59, v57;
	vm12 =	veq.s32 v32, $0x1;
	vm13 =	veq.s32 v32, $0x2  }
0x21a: {  	[tilespmem:s18+$0x440] =	vst v37;
	v51 =	vld [tilespmem:s28+$0x410];
	v29 =	vadd.f32 v29, v31;
	v57 =	vnsel vm12, $0x0, v0;
	v58 =	vnsel vm13, $0x0, v8  }
0x21b: {  	[tilespmem:s18+$0x460] =	vst v39;
	v54 =	vld [tilespmem:s28+$0x10410];
	v30 =	vadd.f32 v63, v60;
	v61 =	vnsel vm12, $0x0, v1;
	v62 =	vnsel vm13, $0x0, v9  }
0x21c: {  	[tilespmem:s18+$0x470] =	vst v40;
	v38 =	vld [tilespmem:s24+$0x450];
	v45 =	vnsel vm12, $0x0, v2;
	v46 =	vnsel vm13, $0x0, v10;
	v31 =	vadd.f32 v56, v55  }
0x21d: {  	[tilespmem:s21+$0x420] =	vst v19;
	v59 =	vld [tilespmem:s28+$0x430];
	v52 =	vnsel vm12, $0x0, v3;
	v32 =	vadd.f32 v33, v36;
	v33 =	vadd.f32 v58, v57  }
0x21e: {  	[tilespmem:s21+$0x430] =	vst v20;
	v60 =	vld [tilespmem:s28+$0x10430];
	v53 =	vnsel vm13, $0x0, v11;
	v36 =	vadd.f32 v62, v61;
	v48 =	vadd.f32 v46, v45  }
0x21f: {  	[tilespmem:s21+$0x440] =	vst v18;
	v63 =	vld [tilespmem:s28+$0x440];
	v58 =	vnsel vm12, $0x0, v4;
	v61 =	vnsel vm12, $0x0, v5;
	v62 =	vnsel vm13, $0x0, v13  }
0x220: {  	[tilespmem:s21+$0x450] =	vst v17;
	v56 =	vld [tilespmem:s28+$0x10460];
	v45 =	vmov s19;
	v34 =	vadd.f32 v54, v51;
	v43 =	vadd.f32 v62, v61  }
0x221: {  	[tilespmem:s21+$0x460] =	vst v21;
	v46 =	vld [tilespmem:s24+$0x10400];
	v16 =	vperm.xlane v16, v45;
	v30 =	vadd.f32 v33, v30;
	v19 =	vadd.f32 v31, v48  }
0x222: {  	[tilespmem:s21+$0x470] =	vst v22;
	v51 =	vld [tilespmem:s28+$0x10450];
	v31 =	vadd.f32 v53, v52;
	v48 =	vnsel vm13, $0x0, v14;
	v53 =	vnsel vm12, $0x0, v7  }
0x223: {  	[tilespmem:s22+$0x400] =	vst v24;
	v54 =	vld [tilespmem:s28+$0x460];
	v33 =	vadd.f32 v34, v36;
	vm14 =	veq.s32 v16, $0x1;
	vm15 =	veq.s32 v16, $0x2  }
0x224: {  	v41 =	vld [tilespmem:s24+$0x10450];
	[tilespmem:s22+$0x420] =	vst v23;
	v55 =	vadd.f32 v60, v59;
	v57 =	vadd.f32 v47, v63;
	v59 =	vnsel vm13, $0x0, v12  }
0x225: {  	[tilespmem:s22+$0x410] =	vst v25;
	v62 =	vld [tilespmem:s24+$0x10430];
	v47 =	vnsel vm12, $0x0, v6;
	v61 =	vnsel vm15, $0x0, v9;
	v39 =	vnsel vm14, $0x0, v2  }
0x226: {  	[tilespmem:s22+$0x430] =	vst v26;
	v60 =	vld [tilespmem:s28+$0x470];
	v40 =	vnsel vm15, $0x0, v10;
	v17 =	vadd.f32 v59, v58;
	v24 =	vadd.f32 v48, v47  }
0x227: {  	[tilespmem:s22+$0x440] =	vst v27;
	v63 =	vld [tilespmem:s28+$0x10470];
	v18 =	vadd.f32 v46, v44;
	v58 =	vnsel vm15, $0x0, v8;
	v42 =	vadd.f32 v51, v50  }
0x228: {  	[tilespmem:s22+$0x450] =	vst v28;
	v16 =	vld [tilespmem:s24+$0x10420];
	v20 =	vadd.f32 v55, v31;
	v50 =	vadd.f32 v56, v54;
	v54 =	vnsel vm13, $0x0, v15  }
0x229: {  	[tilespmem:s22+$0x460] =	vst v29;
	v59 =	vld [tilespmem:s24+$0x430];
	v47 =	vnsel vm14, $0x0, v4;
	v17 =	vadd.f32 v57, v17;
	v56 =	vadd.f32 v54, v53  }
0x22a: {  	[tilespmem:s22+$0x470] =	vst v32;
	v51 =	vld [tilespmem:s24+$0x10410];
	v57 =	vnsel vm14, $0x0, v0;
	v54 =	vadd.f32 v41, v38;
	v21 =	vadd.f32 v42, v43  }
0x22b: {  	[tilespmem:s28+$0x400] =	vst v30;
	v48 =	vnsel vm15, $0x0, v12;
	v55 =	vld [tilespmem:s24+$0x420];
	v27 =	vadd.f32 v58, v57;
	v24 =	vadd.f32 v50, v24  }
0x22c: {  	v34 =	vld [tilespmem:s24+$0x10440];
	[tilespmem:s28+$0x420] =	vst v19;
	v42 =	vadd.f32 v40, v39;
	v52 =	vadd.f32 v63, v60;
	v60 =	vnsel vm14, $0x0, v1  }
0x22d: {  	[tilespmem:s28+$0x410] =	vst v33;
	v44 =	vnsel vm15, $0x0, v11;
	v46 =	vld [tilespmem:s24+$0x460];
	v50 =	vadd.f32 v48, v47;
	v28 =	vadd.f32 v61, v60  }
0x22e: {  	v53 =	vld [tilespmem:s24+$0x470];
	v43 =	vnsel vm14, $0x0, v3;
	[tilespmem:s28+$0x430] =	vst v20;
	v18 =	vadd.f32 v27, v18;
	v45 =	vadd.f32 v62, v59  }
0x22f: {  	v63 =	vld [tilespmem:s24+$0x440];
	[tilespmem:s28+$0x440] =	vst v17;
	v27 =	vadd.f32 v44, v43;
	v61 =	vnsel vm14, $0x0, v7;
	v22 =	vadd.f32 v51, v49  }
0x230: {  	[tilespmem:s28+$0x450] =	vst v21;
	v62 =	vnsel vm15, $0x0, v15;
	v23 =	vadd.f32 v52, v56;
	v16 =	vadd.f32 v16, v55;
	v49 =	vld [tilespmem:s24+$0x10460]  }
0x231: {  	[tilespmem:s28+$0x460] =	vst v24;
	v51 =	vnsel vm14, $0x0, v5;
	v52 =	vnsel vm15, $0x0, v13;
	v55 =	vld [tilespmem:s24+$0x10470];
	v21 =	vadd.f32 v62, v61  }
0x232: {  	v25 =	vadd.f32 v52, v51;
	v56 =	vadd.f32 v45, v27;
	[tilespmem:s24+$0x400] =	vst v18  }
0x233: {  	v59 =	vnsel vm14, $0x0, v6;
	v22 =	vadd.f32 v22, v28;
	[tilespmem:s28+$0x470] =	vst v23;
	v16 =	vadd.f32 v16, v42  }
0x234: {  	v60 =	vnsel vm15, $0x0, v14;
	v17 =	vadd.f32 v34, v63;
	v57 =	vadd.f32 v54, v25;
	[tilespmem:s24+$0x430] =	vst v56  }
0x235: {  	p0 =	slt.u32 s12, $0xF8;
	[tilespmem:s24+$0x420] =	vst v16;
	v16 =	vadd.f32 v60, v59;
	v58 =	vadd.f32 v49, v46  }
.Ltmp3:
0x236: {  	[tilespmem:s24+$0x410] =	vst v22;
	v17 =	vadd.f32 v17, v50;
	v63 =	vadd.f32 v55, v53;
	(pc) =	sbr.rel @p0 .LBB2_9-.Ltmp3, $4  }
0x237: {  	[tilespmem:s24+$0x450] =	vst v57;
	v16 =	vadd.f32 v58, v16  }
0x238: {  	[tilespmem:s24+$0x440] =	vst v17;
	v17 =	vadd.f32 v63, v21  }
0x239: {  	s28 =	sadd.s32 $0x8, s12;
	[tilespmem:s24+$0x460] =	vst v16  }
0x23a: {  	s12 =	smov.u32 s28;
	[tilespmem:s24+$0x470] =	vst v17  }
0x23b: {  	p0 =	seq.s32 s10, $0xF  }
0x23c: {  	s12 =	sadd.s32 @!p0 s11, s14  }
0x23d: {  	s12 =	sshrl.u32 @!p0 s12, $0x3  }
0x23e: {  	s12 =	sor.u32 @!p0 $0x20, s12  }
0x23f: {  	s17 =	simm.s32 @!p0 $0x0;
	s13 =	sadd.s32 @!p0 s1, s12  }
0x240: {  	[tilespmem:s17], [sflag:$0x5] =	stream.linear.gather @!p0 [hbm4b:s13+s17], $0x100, $0x38;
	[tilespmem:$0x18580] =	vst v63  }
0x241: {  	s28 =	sshll.u32 s10, $0xE;
	s12 =	sadd.s32 @!p0 s2, s12;
	s13 =	simm.s32 @!p0 $0x200  }
0x242: {  	[tilespmem:s13], [sflag:$0x5] =	stream.linear.gather @!p0 [hbm4b:s12+s17], $0x100, $0x38;
	[tilespmem:$0x18580] =	vst v63  }
0x243: {  	s12 =	sadd.s32 s28, s23  }
0x244: {  	[hbm4b:s12+s8] =	stream.linear.scatter [tilespmem:s31], [sflag:$0x3], $0x8000, $0x38;
	[tilespmem:$0x18580] =	vst v63  }
0x245: {  	_ =	swait.ge [sflag:s5], $0x8000  }
0x246: {  	[sflag:s5] =	ssyncset.done $0x0  }
0x247: {  	s12 =	simm.s32 @!p0 $0x3;
	[sflag:s5] =	ssyncadd.s32 $0xFFFF8000  }
0x248: {  	_ =	swait.ge @!p0 [sflag:s12], $0x8000  }
0x249: {  	[sflag:s12] =	ssyncset.done @!p0 $0x0  }
0x24a: {  	[sflag:s12] =	ssyncadd.s32 @!p0 $0xFFFF8000;
	s12 =	simm.s32 @!p0 $0x5  }
0x24b: {  	_ =	swait.ge @!p0 [sflag:s12], $0x100  }
0x24c: {  	[sflag:s12] =	ssyncset.done @!p0 $0x0  }
0x24d: {  	[sflag:s12] =	ssyncadd.s32 @!p0 $0xFFFFFF00  }
0x24e: {  	_ =	swait.ge @!p0 [sflag:s12], $0x100  }
0x24f: {  	[sflag:s12] =	ssyncset.done @!p0 $0x0  }
0x250: {  	s13 =	simm.s32 @!p0 $0x400;
	[sflag:s12] =	ssyncadd.s32 @!p0 $0xFFFFFF00;
	s12 =	simm.s32 @!p0 $0x100  }
0x251: {  	[tilespmem:s13], [sflag:$0x1] =	stream.indirect.gather @!p0 [hbm4b:s3+s12], $0x80, s17, s12, $0xb8;
	[tilespmem:$0x18580] =	vst v63  }
0x252: {  	s12 =	sor.u32 $0x200, s11;
	s13 =	simm.s32 $0x0  }
.LBB2_11:
0x253: {  	s17 =	sand.u32 $0xF0, s13  }
0x254: {  	v16 =	vld [tilespmem:s17+$0x300];
	s17 =	sshll.u32 s13, $0x7  }
0x255: {  	v17 =	vld [tilespmem:s17+$0x8400]  }
0x256: {  	v18 =	vld [tilespmem:s17+$0x10400]  }
0x257: {  	v20 =	vld [tilespmem:s17+$0x8410]  }
0x258: {  	v21 =	vld [tilespmem:s17+$0x10410]  }
0x259: {  	v22 =	vld [tilespmem:s17+$0x8420]  }
0x25a: {  	v45 =	vld [tilespmem:s17+$0x10420]  }
0x25b: {  	s18 =	sand.u32 $0x8, s13;
	s19 =	sor.u32 $0x1, s13;
	v26 =	vld [tilespmem:s17+$0x8440]  }
0x25c: {  	v19 =	vmov s18;
	s18 =	sshll.u32 s19, $0x7;
	v28 =	vld [tilespmem:s17+$0x10440]  }
0x25d: {  	v40 =	vld [tilespmem:s18+$0x8410]  }
0x25e: {  	v33 =	vld [tilespmem:s18+$0x10410]  }
0x25f: {  	v25 =	vld [tilespmem:s17+$0x8430]  }
0x260: {  	v47 =	vld [tilespmem:s17+$0x10430];
	v19 =	vperm.xlane v16, v19;
	v17 =	vadd.f32 v18, v17  }
0x261: {  	v51 =	vld [tilespmem:s17+$0x8450];
	v20 =	vadd.f32 v21, v20;
	v22 =	vadd.f32 v45, v22  }
0x262: {  	v52 =	vld [tilespmem:s17+$0x10450];
	v56 =	vadd.f32 v28, v26;
	vm0 =	veq.s32 v19, $0x1;
	vm1 =	veq.s32 v19, $0x2  }
0x263: {  	v30 =	vld [tilespmem:s17+$0x8470];
	v28 =	vadd.f32 v33, v40;
	v23 =	vnsel vm0, $0x0, v0;
	v24 =	vnsel vm1, $0x0, v8  }
0x264: {  	v62 =	vld [tilespmem:s17+$0x10470];
	v48 =	vnsel vm0, $0x0, v1;
	v49 =	vnsel vm1, $0x0, v9;
	v50 =	vnsel vm0, $0x0, v2  }
0x265: {  	v55 =	vld [tilespmem:s17+$0x8460];
	v27 =	vnsel vm1, $0x0, v10;
	v53 =	vnsel vm0, $0x0, v3;
	v57 =	vnsel vm0, $0x0, v4  }
0x266: {  	v59 =	vld [tilespmem:s17+$0x10460];
	v58 =	vnsel vm1, $0x0, v12;
	v60 =	vnsel vm0, $0x0, v5;
	v46 =	vadd.f32 v24, v23  }
0x267: {  	v63 =	vld [tilespmem:s18+$0x8400];
	v29 =	vnsel vm1, $0x0, v13;
	v21 =	vadd.f32 v49, v48;
	v24 =	vadd.f32 v27, v50  }
0x268: {  	v38 =	vld [tilespmem:s18+$0x10400];
	v31 =	vnsel vm0, $0x0, v7;
	v23 =	vadd.f32 v47, v25;
	v26 =	vadd.f32 v58, v57  }
0x269: {  	v42 =	vld [tilespmem:s18+$0x8420];
	v32 =	vnsel vm1, $0x0, v15;
	v61 =	vadd.f32 v29, v60;
	v29 =	vadd.f32 v62, v30  }
0x26a: {  	s19 =	sand.u32 $0x9, s19;
	v43 =	vld [tilespmem:s18+$0x10420];
	v54 =	vnsel vm1, $0x0, v11;
	v41 =	vadd.f32 v32, v31;
	v19 =	vadd.f32 v46, v17  }
0x26b: {  	v39 =	vmov s19;
	v18 =	vadd.f32 v20, v21;
	v21 =	vadd.f32 v54, v53  }
0x26c: {  	v34 =	vld [tilespmem:s18+$0x8440];
	v36 =	vnsel vm0, $0x0, v6;
	v17 =	vadd.f32 v22, v24;
	v20 =	vadd.f32 v52, v51  }
0x26d: {  	v37 =	vnsel vm1, $0x0, v14;
	v48 =	vld [tilespmem:s18+$0x10430];
	v24 =	vadd.f32 v59, v55;
	v22 =	vadd.f32 v23, v21  }
0x26e: {  	v60 =	vld [tilespmem:s18+$0x10460];
	v21 =	vadd.f32 v56, v26;
	v23 =	vadd.f32 v37, v36;
	v26 =	vperm.xlane v16, v39  }
0x26f: {  	v25 =	vadd.f32 v38, v63;
	v31 =	vadd.f32 v43, v42;
	v46 =	vld [tilespmem:s18+$0x8430]  }
0x270: {  	s21 =	sor.u32 $0x2, s13;
	v38 =	vld [tilespmem:s18+$0x8470];
	v20 =	vadd.f32 v20, v61;
	v24 =	vadd.f32 v24, v23;
	vm14 =	veq.s32 v26, $0x1  }
0x271: {  	s19 =	sshll.u32 s21, $0x7;
	v62 =	vld [tilespmem:s18+$0x10470];
	vm15 =	veq.s32 v26, $0x2;
	v23 =	vadd.f32 v29, v41;
	v44 =	vnsel vm14, $0x0, v0  }
0x272: {  	v63 =	vld [tilespmem:s19+$0x8400];
	v45 =	vnsel vm15, $0x0, v8;
	v49 =	vnsel vm14, $0x0, v1;
	v50 =	vnsel vm15, $0x0, v9  }
0x273: {  	v36 =	vld [tilespmem:s18+$0x10440];
	v51 =	vnsel vm14, $0x0, v2;
	v35 =	vnsel vm15, $0x0, v10;
	v54 =	vnsel vm14, $0x0, v3  }
0x274: {  	v42 =	vld [tilespmem:s19+$0x8440];
	v55 =	vnsel vm15, $0x0, v11;
	v29 =	vadd.f32 v48, v46;
	v61 =	vnsel vm14, $0x0, v5  }
0x275: {  	v52 =	vld [tilespmem:s18+$0x8450];
	v37 =	vnsel vm15, $0x0, v13;
	v39 =	vnsel vm14, $0x0, v7;
	v47 =	vadd.f32 v45, v44  }
0x276: {  	v53 =	vld [tilespmem:s18+$0x10450];
	v40 =	vnsel vm15, $0x0, v15;
	v30 =	vadd.f32 v50, v49;
	v33 =	vadd.f32 v35, v51  }
0x277: {  	v56 =	vld [tilespmem:s18+$0x8460];
	v43 =	vnsel vm14, $0x0, v6;
	v35 =	vadd.f32 v62, v38;
	v48 =	vadd.f32 v40, v39  }
0x278: {  	v41 =	vld [tilespmem:s19+$0x10410];
	v44 =	vnsel vm15, $0x0, v14;
	v57 =	vadd.f32 v36, v34;
	v34 =	vadd.f32 v37, v61  }
0x279: {  	v58 =	vnsel vm14, $0x0, v4;
	v45 =	vld [tilespmem:s19+$0x10400];
	v32 =	vadd.f32 v44, v43;
	v27 =	vadd.f32 v47, v25  }
0x27a: {  	v59 =	vnsel vm15, $0x0, v12;
	v49 =	vld [tilespmem:s19+$0x8420];
	v26 =	vadd.f32 v28, v30;
	v25 =	vadd.f32 v31, v33  }
0x27b: {  	v50 =	vld [tilespmem:s19+$0x10420];
	v30 =	vadd.f32 v55, v54;
	v33 =	vadd.f32 v59, v58  }
0x27c: {  	s21 =	sand.u32 $0xA, s21;
	v44 =	vld [tilespmem:s19+$0x10440];
	v28 =	vadd.f32 v53, v52;
	v31 =	vadd.f32 v60, v56  }
0x27d: {  	v46 =	vmov s21;
	v47 =	vld [tilespmem:s19+$0x8410];
	v30 =	vadd.f32 v29, v30;
	v29 =	vadd.f32 v57, v33  }
0x27e: {  	v53 =	vld [tilespmem:s19+$0x8430];
	v28 =	vadd.f32 v28, v34;
	v34 =	vperm.xlane v16, v46;
	v32 =	vadd.f32 v31, v32  }
0x27f: {  	v54 =	vld [tilespmem:s19+$0x10430];
	v31 =	vadd.f32 v35, v48;
	v33 =	vadd.f32 v45, v63  }
0x280: {  	v39 =	vadd.f32 v50, v49;
	vm4 =	veq.s32 v34, $0x1;
	vm5 =	veq.s32 v34, $0x2  }
0x281: {  	v63 =	vadd.f32 v44, v42;
	v51 =	vnsel vm4, $0x0, v0;
	v52 =	vnsel vm5, $0x0, v8  }
0x282: {  	v62 =	vld [tilespmem:s19+$0x8460];
	v36 =	vadd.f32 v41, v47;
	v55 =	vnsel vm4, $0x0, v1;
	v56 =	vnsel vm5, $0x0, v9  }
0x283: {  	v58 =	vld [tilespmem:s19+$0x8450];
	v57 =	vnsel vm4, $0x0, v2;
	v43 =	vnsel vm5, $0x0, v10;
	v60 =	vnsel vm4, $0x0, v3  }
0x284: {  	v59 =	vld [tilespmem:s19+$0x10450];
	v61 =	vnsel vm5, $0x0, v11;
	v37 =	vadd.f32 v54, v53;
	v45 =	vnsel vm5, $0x0, v13  }
0x285: {  	s22 =	sor.u32 $0x3, s13;
	v46 =	vld [tilespmem:s19+$0x8470];
	v54 =	vnsel vm4, $0x0, v6;
	v35 =	vadd.f32 v52, v51;
	v38 =	vadd.f32 v56, v55  }
0x286: {  	s21 =	sshll.u32 s22, $0x7;
	v50 =	vld [tilespmem:s19+$0x10460];
	v41 =	vadd.f32 v43, v57;
	v51 =	vnsel vm4, $0x0, v5;
	v55 =	vnsel vm5, $0x0, v14  }
0x287: {  	v48 =	vnsel vm4, $0x0, v4;
	v53 =	vld [tilespmem:s21+$0x8400];
	v42 =	vadd.f32 v45, v51;
	v40 =	vadd.f32 v55, v54  }
0x288: {  	v49 =	vnsel vm5, $0x0, v12;
	v52 =	vld [tilespmem:s19+$0x10470];
	v35 =	vadd.f32 v35, v33;
	v34 =	vadd.f32 v36, v38  }
0x289: {  	v47 =	vnsel vm4, $0x0, v7;
	v56 =	vld [tilespmem:s21+$0x10400];
	v33 =	vadd.f32 v39, v41;
	v38 =	vadd.f32 v61, v60  }
0x28a: {  	v41 =	vadd.f32 v49, v48;
	v36 =	vadd.f32 v59, v58;
	v58 =	vld [tilespmem:s21+$0x8410];
	v48 =	vnsel vm5, $0x0, v15  }
0x28b: {  	s22 =	sand.u32 $0xB, s22;
	v39 =	vadd.f32 v50, v62;
	v49 =	vld [tilespmem:s21+$0x10410];
	v59 =	vadd.f32 v48, v47  }
0x28c: {  	v57 =	vmov s22;
	v54 =	vld [tilespmem:s21+$0x8470];
	v38 =	vadd.f32 v37, v38;
	v37 =	vadd.f32 v63, v41  }
0x28d: {  	v60 =	vld [tilespmem:s21+$0x10420];
	v36 =	vadd.f32 v36, v42;
	v42 =	vperm.xlane v16, v57;
	v43 =	vadd.f32 v52, v46  }
0x28e: {  	v50 =	vld [tilespmem:s21+$0x8440];
	v39 =	vadd.f32 v39, v40;
	v41 =	vadd.f32 v56, v53  }
0x28f: {  	v47 =	vld [tilespmem:s21+$0x8420];
	vm6 =	veq.s32 v42, $0x1;
	vm7 =	veq.s32 v42, $0x2;
	v40 =	vadd.f32 v43, v59  }
0x290: {  	v63 =	vld [tilespmem:s21+$0x8430];
	v61 =	vnsel vm6, $0x0, v0;
	v62 =	vnsel vm7, $0x0, v8;
	v44 =	vadd.f32 v49, v58  }
0x291: {  	[tilespmem:s17+$0x8400] =	vst v19;
	v56 =	vld [tilespmem:s21+$0x10430];
	v57 =	vnsel vm6, $0x0, v1;
	v58 =	vnsel vm7, $0x0, v9;
	v59 =	vnsel vm6, $0x0, v2  }
0x292: {  	[tilespmem:s17+$0x8410] =	vst v18;
	v52 =	vld [tilespmem:s21+$0x10440];
	v51 =	vnsel vm7, $0x0, v10;
	v53 =	vnsel vm7, $0x0, v13;
	v43 =	vadd.f32 v62, v61  }
0x293: {  	[tilespmem:s17+$0x8420] =	vst v17;
	v55 =	vnsel vm6, $0x0, v7;
	v46 =	vadd.f32 v58, v57;
	v49 =	vadd.f32 v51, v59;
	v51 =	vld [tilespmem:s21+$0x8450]  }
0x294: {  	[tilespmem:s17+$0x8430] =	vst v22;
	v47 =	vadd.f32 v60, v47;
	v60 =	vnsel vm6, $0x0, v3;
	v61 =	vnsel vm7, $0x0, v11;
	v62 =	vld [tilespmem:s21+$0x8460]  }
0x295: {  	s24 =	sor.u32 $0x4, s13;
	[tilespmem:s17+$0x8440] =	vst v21;
	v57 =	vnsel vm7, $0x0, v12;
	v58 =	vld [tilespmem:s21+$0x10460];
	v43 =	vadd.f32 v43, v41;
	v42 =	vadd.f32 v44, v46  }
0x296: {  	[tilespmem:s17+$0x8450] =	vst v20;
	s22 =	sshll.u32 s24, $0x7;
	v59 =	vnsel vm6, $0x0, v5;
	v44 =	vld [tilespmem:s21+$0x10450];
	v41 =	vadd.f32 v47, v49;
	v45 =	vadd.f32 v56, v63  }
0x297: {  	[tilespmem:s17+$0x8460] =	vst v24;
	v63 =	vadd.f32 v52, v50;
	v56 =	vnsel vm6, $0x0, v4;
	v50 =	vadd.f32 v53, v59;
	v53 =	vld [tilespmem:s22+$0x10400]  }
0x298: {  	[tilespmem:s17+$0x8470] =	vst v23;
	v46 =	vadd.f32 v61, v60;
	v49 =	vadd.f32 v57, v56;
	v56 =	vnsel vm7, $0x0, v15;
	v57 =	vld [tilespmem:s22+$0x10410]  }
0x299: {  	[tilespmem:s18+$0x8400] =	vst v27;
	v59 =	vadd.f32 v56, v55;
	v55 =	vld [tilespmem:s22+$0x8420]  }
0x29a: {  	[tilespmem:s18+$0x8410] =	vst v26;
	v46 =	vadd.f32 v45, v46;
	v45 =	vadd.f32 v63, v49;
	v49 =	vld [tilespmem:s22+$0x8400]  }
0x29b: {  	[tilespmem:s18+$0x8420] =	vst v25;
	v63 =	vld [tilespmem:s22+$0x8410]  }
0x29c: {  	[tilespmem:s18+$0x8430] =	vst v30;
	v60 =	vnsel vm6, $0x0, v6;
	v61 =	vnsel vm7, $0x0, v14;
	v44 =	vadd.f32 v44, v51;
	v51 =	vld [tilespmem:s21+$0x10470]  }
0x29d: {  	s28 =	sor.u32 $0x5, s13;
	[tilespmem:s18+$0x8440] =	vst v29;
	s24 =	sand.u32 $0xC, s24;
	v48 =	vadd.f32 v61, v60;
	v56 =	vld [tilespmem:s22+$0x8430];
	v47 =	vadd.f32 v58, v62  }
0x29e: {  	[tilespmem:s18+$0x8450] =	vst v28;
	v62 =	vmov s24;
	v58 =	vld [tilespmem:s22+$0x8440];
	s24 =	sshll.u32 s28, $0x7  }
0x29f: {  	[tilespmem:s18+$0x8460] =	vst v32;
	v24 =	vld [tilespmem:s24+$0x10400];
	v48 =	vadd.f32 v47, v48;
	v44 =	vadd.f32 v44, v50;
	v50 =	vperm.xlane v16, v62  }
0x2a0: {  	[tilespmem:s18+$0x8470] =	vst v31;
	v49 =	vadd.f32 v53, v49;
	v53 =	vld [tilespmem:s22+$0x10430];
	v52 =	vadd.f32 v57, v63  }
0x2a1: {  	[tilespmem:s21+$0x8400] =	vst v43;
	vm8 =	veq.s32 v50, $0x1;
	vm9 =	veq.s32 v50, $0x2;
	v50 =	vld [tilespmem:s22+$0x10420];
	v51 =	vadd.f32 v51, v54  }
0x2a2: {  	[tilespmem:s21+$0x8410] =	vst v42;
	v26 =	vld [tilespmem:s24+$0x10430];
	v60 =	vnsel vm8, $0x0, v0;
	v61 =	vnsel vm9, $0x0, v8;
	v57 =	vnsel vm8, $0x0, v2  }
0x2a3: {  	s17 =	sor.u32 $0x6, s13;
	[tilespmem:s21+$0x8420] =	vst v41;
	v47 =	vadd.f32 v51, v59;
	v51 =	vadd.f32 v61, v60;
	v59 =	vnsel vm9, $0x0, v10;
	v60 =	vld [tilespmem:s22+$0x10440]  }
0x2a4: {  	s18 =	sand.u32 $0xE, s17;
	[tilespmem:s21+$0x8430] =	vst v46;
	v62 =	vnsel vm8, $0x0, v1;
	v63 =	vnsel vm9, $0x0, v9;
	v57 =	vadd.f32 v59, v57;
	v59 =	vld [tilespmem:s22+$0x8450]  }
0x2a5: {  	v43 =	vmov s18;
	[tilespmem:s21+$0x8440] =	vst v45;
	v54 =	vadd.f32 v63, v62;
	v18 =	vadd.f32 v53, v56;
	v53 =	vld [tilespmem:s22+$0x8460]  }
0x2a6: {  	[tilespmem:s21+$0x8460] =	vst v48;
	v62 =	vnsel vm8, $0x0, v4;
	v63 =	vnsel vm9, $0x0, v12;
	v56 =	vld [tilespmem:s22+$0x10460];
	v55 =	vadd.f32 v50, v55  }
0x2a7: {  	s18 =	sor.u32 $0x7, s13;
	[tilespmem:s21+$0x8450] =	vst v44;
	v61 =	vnsel vm9, $0x0, v11;
	v22 =	vadd.f32 v63, v62;
	v50 =	vadd.f32 v51, v49;
	v51 =	vld [tilespmem:s22+$0x10450]  }
0x2a8: {  	v49 =	vadd.f32 v52, v54;
	v54 =	vld [tilespmem:s22+$0x10470];
	[tilespmem:s21+$0x8470] =	vst v47;
	s21 =	sshll.u32 s18, $0x7;
	v19 =	vadd.f32 v55, v57;
	v57 =	vnsel vm8, $0x0, v3  }
0x2a9: {  	v44 =	vld [tilespmem:s21+$0x8400];
	v52 =	vadd.f32 v61, v57;
	v17 =	vadd.f32 v60, v58  }
0x2aa: {  	s28 =	sand.u32 $0xD, s28;
	v60 =	vnsel vm8, $0x0, v5;
	v61 =	vnsel vm9, $0x0, v13;
	v57 =	vld [tilespmem:s22+$0x8470];
	v58 =	vnsel vm8, $0x0, v6  }
0x2ab: {  	[tilespmem:s19+$0x8430] =	vst v38;
	v38 =	vld [tilespmem:s21+$0x8450];
	v63 =	vadd.f32 v61, v60;
	v23 =	vadd.f32 v56, v53;
	v60 =	vmov s28  }
0x2ac: {  	v61 =	vnsel vm8, $0x0, v7;
	v62 =	vadd.f32 v51, v59;
	v20 =	vadd.f32 v18, v52;
	v52 =	vld [tilespmem:s24+$0x8400]  }
0x2ad: {  	v18 =	vadd.f32 v17, v22;
	v59 =	vnsel vm9, $0x0, v14;
	v22 =	vperm.xlane v16, v60;
	v60 =	vld [tilespmem:s24+$0x10420]  }
0x2ae: {  	v21 =	vadd.f32 v59, v58;
	v59 =	vld [tilespmem:s24+$0x8420];
	v17 =	vadd.f32 v62, v63;
	v62 =	vnsel vm9, $0x0, v15  }
0x2af: {  	v51 =	vld [tilespmem:s24+$0x8410];
	vm10 =	veq.s32 v22, $0x1;
	vm11 =	veq.s32 v22, $0x2;
	v58 =	vadd.f32 v54, v57  }
0x2b0: {  	v63 =	vld [tilespmem:s24+$0x10410];
	v27 =	vadd.f32 v62, v61;
	v54 =	vnsel vm10, $0x0, v1;
	v55 =	vnsel vm11, $0x0, v9  }
0x2b1: {  	v29 =	vadd.f32 v55, v54;
	v54 =	vld [tilespmem:s24+$0x10460]  }
0x2b2: {  	v21 =	vadd.f32 v23, v21;
	v22 =	vadd.f32 v58, v27;
	v27 =	vld [tilespmem:s24+$0x8430]  }
0x2b3: {  	v61 =	vnsel vm10, $0x0, v0;
	v62 =	vnsel vm11, $0x0, v8;
	v23 =	vadd.f32 v60, v59;
	v59 =	vld [tilespmem:s24+$0x8450]  }
0x2b4: {  	v56 =	vnsel vm10, $0x0, v2;
	v57 =	vnsel vm11, $0x0, v10;
	v25 =	vadd.f32 v62, v61;
	v60 =	vld [tilespmem:s24+$0x10450]  }
0x2b5: {  	v53 =	vnsel vm11, $0x0, v12;
	v30 =	vadd.f32 v57, v56;
	v24 =	vadd.f32 v24, v52;
	v58 =	vld [tilespmem:s24+$0x10440]  }
0x2b6: {  	v61 =	vnsel vm10, $0x0, v3;
	v52 =	vnsel vm10, $0x0, v4;
	v63 =	vadd.f32 v63, v51;
	v51 =	vld [tilespmem:s24+$0x8440]  }
0x2b7: {  	v62 =	vnsel vm11, $0x0, v11;
	v57 =	vld [tilespmem:s24+$0x8470];
	v32 =	vadd.f32 v53, v52;
	v24 =	vadd.f32 v25, v24  }
0x2b8: {  	v52 =	vnsel vm10, $0x0, v7;
	v25 =	vadd.f32 v63, v29;
	v63 =	vadd.f32 v62, v61;
	v29 =	vld [tilespmem:s24+$0x8460]  }
0x2b9: {  	s28 =	sshll.u32 s17, $0x7;
	v53 =	vnsel vm11, $0x0, v15;
	v26 =	vadd.f32 v26, v27;
	v28 =	vadd.f32 v60, v59;
	v59 =	vld [tilespmem:s24+$0x10470]  }
0x2ba: {  	[tilespmem:s19+$0x8450] =	vst v36;
	v55 =	vnsel vm10, $0x0, v5;
	v36 =	vadd.f32 v53, v52;
	v23 =	vadd.f32 v23, v30;
	v60 =	vld [tilespmem:s28+$0x8400]  }
0x2bb: {  	[tilespmem:s19+$0x8400] =	vst v35;
	v56 =	vnsel vm11, $0x0, v13;
	v51 =	vadd.f32 v58, v51;
	v26 =	vadd.f32 v26, v63;
	v63 =	vld [tilespmem:s28+$0x10400]  }
0x2bc: {  	[tilespmem:s19+$0x8410] =	vst v34;
	v61 =	vnsel vm10, $0x0, v6;
	v62 =	vnsel vm11, $0x0, v14;
	v58 =	vadd.f32 v56, v55;
	v55 =	vld [tilespmem:s28+$0x8420]  }
0x2bd: {  	[tilespmem:s19+$0x8420] =	vst v33;
	v31 =	vadd.f32 v62, v61;
	v56 =	vld [tilespmem:s28+$0x10420];
	v27 =	vadd.f32 v51, v32;
	v32 =	vperm.xlane v16, v43  }
0x2be: {  	[tilespmem:s19+$0x8440] =	vst v37;
	v41 =	vld [tilespmem:s21+$0x10450];
	v28 =	vadd.f32 v28, v58;
	v29 =	vadd.f32 v54, v29  }
0x2bf: {  	[tilespmem:s19+$0x8460] =	vst v39;
	v47 =	vld [tilespmem:s28+$0x10440];
	v33 =	vadd.f32 v59, v57;
	vm12 =	veq.s32 v32, $0x1;
	vm13 =	veq.s32 v32, $0x2  }
0x2c0: {  	[tilespmem:s19+$0x8470] =	vst v40;
	v51 =	vld [tilespmem:s28+$0x8410];
	v29 =	vadd.f32 v29, v31;
	v57 =	vnsel vm12, $0x0, v0;
	v58 =	vnsel vm13, $0x0, v8  }
0x2c1: {  	[tilespmem:s22+$0x8400] =	vst v50;
	v54 =	vld [tilespmem:s28+$0x10410];
	v30 =	vadd.f32 v63, v60;
	v61 =	vnsel vm12, $0x0, v1;
	v62 =	vnsel vm13, $0x0, v9  }
0x2c2: {  	[tilespmem:s22+$0x8410] =	vst v49;
	v50 =	vld [tilespmem:s28+$0x8450];
	v45 =	vnsel vm12, $0x0, v2;
	v46 =	vnsel vm13, $0x0, v10;
	v31 =	vadd.f32 v56, v55  }
0x2c3: {  	[tilespmem:s22+$0x8420] =	vst v19;
	v59 =	vld [tilespmem:s28+$0x8430];
	v52 =	vnsel vm12, $0x0, v3;
	v32 =	vadd.f32 v33, v36;
	v33 =	vadd.f32 v58, v57  }
0x2c4: {  	[tilespmem:s22+$0x8430] =	vst v20;
	v60 =	vld [tilespmem:s28+$0x10430];
	v53 =	vnsel vm13, $0x0, v11;
	v36 =	vadd.f32 v62, v61;
	v48 =	vadd.f32 v46, v45  }
0x2c5: {  	[tilespmem:s22+$0x8440] =	vst v18;
	v63 =	vld [tilespmem:s28+$0x8440];
	v58 =	vnsel vm12, $0x0, v4;
	v61 =	vnsel vm12, $0x0, v5;
	v62 =	vnsel vm13, $0x0, v13  }
0x2c6: {  	[tilespmem:s22+$0x8450] =	vst v17;
	v56 =	vld [tilespmem:s28+$0x10460];
	v45 =	vmov s18;
	v34 =	vadd.f32 v54, v51;
	v43 =	vadd.f32 v62, v61  }
0x2c7: {  	[tilespmem:s22+$0x8460] =	vst v21;
	v46 =	vld [tilespmem:s21+$0x10400];
	v16 =	vperm.xlane v16, v45;
	v30 =	vadd.f32 v33, v30;
	v19 =	vadd.f32 v31, v48  }
0x2c8: {  	[tilespmem:s22+$0x8470] =	vst v22;
	v51 =	vld [tilespmem:s28+$0x10450];
	v31 =	vadd.f32 v53, v52;
	v48 =	vnsel vm13, $0x0, v14;
	v53 =	vnsel vm12, $0x0, v7  }
0x2c9: {  	[tilespmem:s24+$0x8400] =	vst v24;
	v54 =	vld [tilespmem:s28+$0x8460];
	v33 =	vadd.f32 v34, v36;
	vm14 =	veq.s32 v16, $0x1;
	vm15 =	veq.s32 v16, $0x2  }
0x2ca: {  	v49 =	vld [tilespmem:s21+$0x8410];
	[tilespmem:s24+$0x8420] =	vst v23;
	v55 =	vadd.f32 v60, v59;
	v57 =	vadd.f32 v47, v63;
	v59 =	vnsel vm13, $0x0, v12  }
0x2cb: {  	[tilespmem:s24+$0x8410] =	vst v25;
	v62 =	vld [tilespmem:s21+$0x10430];
	v47 =	vnsel vm12, $0x0, v6;
	v61 =	vnsel vm15, $0x0, v9;
	v39 =	vnsel vm14, $0x0, v2  }
0x2cc: {  	[tilespmem:s24+$0x8430] =	vst v26;
	v60 =	vld [tilespmem:s28+$0x8470];
	v40 =	vnsel vm15, $0x0, v10;
	v17 =	vadd.f32 v59, v58;
	v24 =	vadd.f32 v48, v47  }
0x2cd: {  	[tilespmem:s24+$0x8440] =	vst v27;
	v63 =	vld [tilespmem:s28+$0x10470];
	v18 =	vadd.f32 v46, v44;
	v58 =	vnsel vm15, $0x0, v8;
	v42 =	vadd.f32 v51, v50  }
0x2ce: {  	[tilespmem:s24+$0x8450] =	vst v28;
	v16 =	vld [tilespmem:s21+$0x10420];
	v20 =	vadd.f32 v55, v31;
	v50 =	vadd.f32 v56, v54;
	v54 =	vnsel vm13, $0x0, v15  }
0x2cf: {  	[tilespmem:s24+$0x8460] =	vst v29;
	v59 =	vld [tilespmem:s21+$0x8430];
	v47 =	vnsel vm14, $0x0, v4;
	v17 =	vadd.f32 v57, v17;
	v56 =	vadd.f32 v54, v53  }
0x2d0: {  	[tilespmem:s24+$0x8470] =	vst v32;
	v51 =	vld [tilespmem:s21+$0x10410];
	v57 =	vnsel vm14, $0x0, v0;
	v54 =	vadd.f32 v41, v38;
	v21 =	vadd.f32 v42, v43  }
0x2d1: {  	[tilespmem:s28+$0x8400] =	vst v30;
	v48 =	vnsel vm15, $0x0, v12;
	v55 =	vld [tilespmem:s21+$0x8420];
	v27 =	vadd.f32 v58, v57;
	v24 =	vadd.f32 v50, v24  }
0x2d2: {  	v34 =	vld [tilespmem:s21+$0x10440];
	[tilespmem:s28+$0x8420] =	vst v19;
	v42 =	vadd.f32 v40, v39;
	v52 =	vadd.f32 v63, v60;
	v60 =	vnsel vm14, $0x0, v1  }
0x2d3: {  	[tilespmem:s28+$0x8410] =	vst v33;
	v44 =	vnsel vm15, $0x0, v11;
	v46 =	vld [tilespmem:s21+$0x8460];
	v50 =	vadd.f32 v48, v47;
	v28 =	vadd.f32 v61, v60  }
0x2d4: {  	v53 =	vld [tilespmem:s21+$0x8470];
	v43 =	vnsel vm14, $0x0, v3;
	[tilespmem:s28+$0x8430] =	vst v20;
	v18 =	vadd.f32 v27, v18;
	v45 =	vadd.f32 v62, v59  }
0x2d5: {  	v63 =	vld [tilespmem:s21+$0x8440];
	[tilespmem:s28+$0x8440] =	vst v17;
	v27 =	vadd.f32 v44, v43;
	v61 =	vnsel vm14, $0x0, v7;
	v22 =	vadd.f32 v51, v49  }
0x2d6: {  	[tilespmem:s28+$0x8450] =	vst v21;
	v62 =	vnsel vm15, $0x0, v15;
	v23 =	vadd.f32 v52, v56;
	v16 =	vadd.f32 v16, v55;
	v49 =	vld [tilespmem:s21+$0x10460]  }
0x2d7: {  	[tilespmem:s28+$0x8460] =	vst v24;
	v51 =	vnsel vm14, $0x0, v5;
	v52 =	vnsel vm15, $0x0, v13;
	v55 =	vld [tilespmem:s21+$0x10470];
	v21 =	vadd.f32 v62, v61  }
0x2d8: {  	v25 =	vadd.f32 v52, v51;
	v56 =	vadd.f32 v45, v27;
	[tilespmem:s21+$0x8400] =	vst v18  }
0x2d9: {  	v59 =	vnsel vm14, $0x0, v6;
	v22 =	vadd.f32 v22, v28;
	[tilespmem:s28+$0x8470] =	vst v23;
	v16 =	vadd.f32 v16, v42  }
0x2da: {  	v60 =	vnsel vm15, $0x0, v14;
	v17 =	vadd.f32 v34, v63;
	v57 =	vadd.f32 v54, v25;
	[tilespmem:s21+$0x8430] =	vst v56  }
0x2db: {  	p1 =	slt.u32 s13, $0xF8;
	[tilespmem:s21+$0x8420] =	vst v16;
	v16 =	vadd.f32 v60, v59;
	v58 =	vadd.f32 v49, v46  }
.Ltmp4:
0x2dc: {  	[tilespmem:s21+$0x8410] =	vst v22;
	v17 =	vadd.f32 v17, v50;
	v63 =	vadd.f32 v55, v53;
	(pc) =	sbr.rel @p1 .LBB2_11-.Ltmp4, $4  }
0x2dd: {  	[tilespmem:s21+$0x8450] =	vst v57;
	v16 =	vadd.f32 v58, v16  }
0x2de: {  	[tilespmem:s21+$0x8440] =	vst v17;
	v17 =	vadd.f32 v63, v21  }
0x2df: {  	s28 =	sadd.s32 $0x8, s13;
	[tilespmem:s21+$0x8460] =	vst v16  }
0x2e0: {  	s13 =	smov.u32 s28;
	[tilespmem:s21+$0x8470] =	vst v17  }
0x2e1: {  	s11 =	sadd.s32 @!p0 s11, s16  }
0x2e2: {  	s11 =	sshrl.u32 @!p0 s11, $0x3  }
0x2e3: {  	s11 =	sor.u32 @!p0 $0x20, s11  }
0x2e4: {  	s17 =	simm.s32 @!p0 $0x0;
	s18 =	simm.s32 @!p0 $0x100;
	s13 =	sadd.s32 @!p0 s1, s11  }
0x2e5: {  	[tilespmem:s18], [sflag:$0x6] =	stream.linear.gather @!p0 [hbm4b:s13+s17], $0x100, $0x38;
	[tilespmem:$0x18580] =	vst v63  }
0x2e6: {  	s10 =	sadd.s32 $0x1, s10;
	s11 =	sadd.s32 @!p0 s2, s11;
	s13 =	simm.s32 @!p0 $0x300  }
0x2e7: {  	[tilespmem:s13], [sflag:$0x6] =	stream.linear.gather @!p0 [hbm4b:s11+s17], $0x100, $0x38;
	[tilespmem:$0x18580] =	vst v63  }
0x2e8: {  	p0 =	sne.s32 s10, $0x10  }
.Ltmp5:
0x2e9: {  	_ = 	snop;
	(pc) =	sbr.rel @p0 .LBB2_8-.Ltmp5, $4  }
0x2ea: {  	s28 =	sadd.s32 s9, s12  }
0x2eb: {  	s11 =	sshll.u32 s28, $0x4  }
0x2ec: {  	s11 =	sadd.s32 s11, s20  }
0x2ed: {  	[hbm4b:s11+s8] =	stream.linear.scatter [tilespmem:s25], [sflag:$0x4], $0x8000, $0x38;
	[tilespmem:$0x18580] =	vst v63  }
0x2ee: {  	s10 =	simm.s32 $0x3  }
0x2ef: {  	_ =	swait.ge [sflag:s10], $0x8000  }
0x2f0: {  	[sflag:s10] =	ssyncset.done $0x0  }
0x2f1: {  	[sflag:s10] =	ssyncadd.s32 $0xFFFF8000  }
0x2f2: {  	_ =	swait.ge [sflag:s29], $0x8000  }
0x2f3: {  	s0 =	sadd.s32 $0x1, s0;
	s28 =	rddreg [dreg:$0x10]  }
0x2f4: {  	p0 =	sne.s32 s0, s28  }
.Ltmp6:
0x2f5: {  	_ = 	snop;
	(pc) =	sbr.rel @p0 .LBB2_1-.Ltmp6, $3  }
0x2f6: {  	_ =	sdelay $0x1  }
0x2f7: {  	[sflag:s29] =	ssyncset.done $0x0  }
0x2f8: {  	[sflag:s29] =	ssyncadd.s32 $0xFFFF8000  }
0x2f9: {  	_ =	sfence.sel $0x180000  }
0x2fa: {  	[bflag:$0x0] =	sbarrier.arrive $0xFFFF  }
0x2fb: {  	_ =	strace $0x90000047  }
0x2fc: {  	s0 =	stileid.u32;
	[bflag:$0x2] =	sbarrier.arrive $0xFFFF  }
0x2fd: {  	p0 =	sne.s32 s0, $0x0;
	s0 =	rddreg [dreg:$0x6]  }
0x2fe: {  	s0 =	sadd.s32 @!p0 $0x100000, s0  }
0x2ff: {  	[sflag:s0] =	ssyncadd.tile.s32 @!p0 $0x1;
	_ =	shalt  }
.Lfunc_end2:
_tile_overlayer_lowered:
.L_overlay_start_2:
0x300: {  	(tag) =	ssettag $0x2  }
0x301: {  	s0 =	rddreg [dreg:$0x0];
	s2 =	stileid.u32  }
0x302: {  	s1 =	rddreg [dreg:$0x1];
	p0 =	sne.s32 s2, $0x0  }
0x303: {  	s3 =	rddreg [dreg:$0x2];
	[bflag:$0x3] =	sbarrier.arrive $0xFFFF;
	s2 =	simm.s32 @!p0 $0x1C07  }
0x304: {  	[timem:s3], [sflag:s2] =	dma.local @!p0 [hbm:s0], s1  }
0x305: {  	s0 =	simm.s32 @!p0 $0x7  }
0x306: {  	_ =	swait.ge @!p0 [sflag:s0], s1  }
0x307: {  	s1 =	ssub.s32 @!p0 $0x0, s1;
	[sflag:s0] =	ssyncset.done @!p0 $0x0  }
0x308: {  	[sflag:s0] =	ssyncadd.s32 @!p0 s1  }
0x309: {  	[bflag:$0x3] =	sbarrier.arrive $0xFFFF  }
0x30a: {  	_ =	shalt  }

</sc_bundles>
